<compile_context>
chip_gen: v7x
topology: tpu7x:2x2x1
jax: 0.10.2.dev20260603
libtpu: 0.0.44.dev20260713+nightly
codegen_flags: <defaults>
</compile_context>

<pallas_src>
import functools

import jax
import jax.numpy as jnp
from jax import lax
from jax.experimental import pallas as pl
from jax.experimental.pallas import tpu as pltpu
from jax.experimental.pallas import tpu_sc as plsc

_N = 4096
_K = 16
_L = 16
_NCH = _N // _L
_R = 4
_NW = 32
_DEPTH = _N // _L


def _splat(ref, gi):
    return plsc.load_gather(ref, [gi])


def _sc_body(xr_h, yr_h, zr_h, xp_h, yp_h, zp_h, out_h,
             vxr, vyr, vzr, vsq, vxp, vyp, vzp,
             vda, vdb, vdc, vdd, vcand, vcol, vacc,
             *, nbatch, rows_per_w):
    tecs_per_b = _NW // nbatch
    cid = lax.axis_index("c")
    sid = lax.axis_index("s")
    wid = sid * 2 + cid
    bat = wid // tecs_per_b
    row0 = (wid % tecs_per_b) * rows_per_w

    pltpu.sync_copy(xr_h.at[bat], vxr)
    pltpu.sync_copy(yr_h.at[bat], vyr)
    pltpu.sync_copy(zr_h.at[bat], vzr)
    pltpu.sync_copy(xp_h.at[bat], vxp)
    pltpu.sync_copy(yp_h.at[bat], vyp)
    pltpu.sync_copy(zp_h.at[bat], vzp)

    inf_v = jnp.full((_L,), jnp.inf, jnp.float32)
    iot = lax.iota(jnp.int32, _L)

    @pl.loop(0, _N, step=_L)
    def _(o):
        x = vxr[pl.ds(o, _L)]
        y = vyr[pl.ds(o, _L)]
        z = vzr[pl.ds(o, _L)]
        vsq[pl.ds(o, _L)] = x * x + y * y + z * z
        vcol[pl.ds(o, _L)] = jnp.broadcast_to(o, (_L,)) + iot
        vcand[pl.ds(o, _L)] = jnp.zeros((_L,), jnp.int32)

    drefs = (vda, vdb, vdc, vdd)
    lane_base = iot * _DEPTH

    def group_body(g, acc):
        rb = row0 + g * _R
        giv = [jnp.broadcast_to(rb + r, (_L,)) for r in range(_R)]
        axv, ayv, azv = [], [], []
        for r in range(_R):
            axv.append(-2.0 * _splat(vxr, giv[r]))
            ayv.append(-2.0 * _splat(vyr, giv[r]))
            azv.append(-2.0 * _splat(vzr, giv[r]))

        def sweep(c, mv):
            base = c * _L
            xs = vxr[pl.ds(base, _L)]
            ys = vyr[pl.ds(base, _L)]
            zs = vzr[pl.ds(base, _L)]
            qs = vsq[pl.ds(base, _L)]
            colv = vcol[pl.ds(base, _L)]
            out = []
            for r in range(_R):
                t = qs + xs * axv[r]
                t = t + ys * ayv[r]
                t = t + zs * azv[r]
                t = jnp.where(colv == giv[r], jnp.inf, t)
                drefs[r][pl.ds(base, _L)] = t
                out.append(jnp.minimum(mv[r], t))
            return tuple(out)

        mvs = plsc.parallel_loop(0, _NCH, unroll=4,
                                 carry=(inf_v,) * _R)(sweep)

        for r in range(_R):
            dr = drefs[r]
            tauv = jnp.broadcast_to(jnp.max(mvs[r]), (_L,))

            def collect(c, cntv):
                base = c * _L
                dv = dr[pl.ds(base, _L)]
                msk = dv <= tauv
                colv = vcol[pl.ds(base, _L)]
                plsc.store_scatter(vcand, [lane_base + cntv], colv,
                                   mask=msk)
                return cntv + jnp.where(msk, 1, 0)

            cntv = plsc.parallel_loop(
                0, _NCH, unroll=8,
                carry=jnp.zeros((_L,), jnp.int32))(collect)
            maxc = jnp.max(cntv)

            def merge(t, c):
                tk, ti = c
                tv = jnp.broadcast_to(t, (_L,))
                idxc = plsc.load_gather(vcand, [lane_base + tv])
                dc = plsc.load_gather(dr, [idxc])
                dc = jnp.where(tv < cntv, dc, jnp.inf)
                sk, si = plsc.sort_key_val(dc, idxc)
                rk = jnp.flip(sk)
                ri = jnp.flip(si)
                keep = tk <= rk
                lk = jnp.where(keep, tk, rk)
                li = jnp.where(keep, ti, ri)
                return tuple(plsc.sort_key_val(lk, li))

            tk, ti = lax.fori_loop(0, maxc, merge, (inf_v, giv[r]),
                                   unroll=False)

            xig = _splat(vxr, giv[r])
            yig = _splat(vyr, giv[r])
            zig = _splat(vzr, giv[r])
            dref = tk + xig * xig + yig * yig + zig * zig
            px = _splat(vxp, ti) - _splat(vxp, giv[r])
            py = _splat(vyp, ti) - _splat(vyp, giv[r])
            pz = _splat(vzp, ti) - _splat(vzp, giv[r])
            dp = px * px + py * py + pz * pz
            q = dp / dref
            qi = lax.bitcast_convert_type(q, jnp.int32)
            s = lax.bitcast_convert_type(
                jnp.full((_L,), 0x1FBD1DF5, jnp.int32)
                + lax.shift_right_logical(qi, 1), jnp.float32)
            for _ in range(3):
                s = 0.5 * (s + q / s)
            acc = acc + jnp.maximum(s - 1.0, 0.0)
        return acc

    acc = lax.fori_loop(0, rows_per_w // _R, group_body,
                        jnp.zeros((_L,), jnp.float32), unroll=False)
    vacc[...] = acc
    pltpu.sync_copy(vacc, out_h.at[wid])


def kernel(points_ref, points):
    nbatch, n, _ = points_ref.shape
    rows_per_w = nbatch * n // _NW
    mesh = plsc.VectorSubcoreMesh(core_axis_name="c", subcore_axis_name="s")
    body = functools.partial(_sc_body, nbatch=nbatch, rows_per_w=rows_per_w)
    run = pl.kernel(
        body,
        out_type=jax.ShapeDtypeStruct((_NW, _L), jnp.float32),
        mesh=mesh,
        compiler_params=pltpu.CompilerParams(needs_layout_passes=False),
        scratch_types=[
            pltpu.VMEM((n,), jnp.float32),
            pltpu.VMEM((n,), jnp.float32),
            pltpu.VMEM((n,), jnp.float32),
            pltpu.VMEM((n,), jnp.float32),
            pltpu.VMEM((n,), jnp.float32),
            pltpu.VMEM((n,), jnp.float32),
            pltpu.VMEM((n,), jnp.float32),
            pltpu.VMEM((n,), jnp.float32),
            pltpu.VMEM((n,), jnp.float32),
            pltpu.VMEM((n,), jnp.float32),
            pltpu.VMEM((n,), jnp.float32),
            pltpu.VMEM((n,), jnp.int32),
            pltpu.VMEM((n,), jnp.int32),
            pltpu.VMEM((_L,), jnp.float32),
        ],
    )
    pr = jnp.transpose(points_ref, (0, 2, 1))
    pp = jnp.transpose(points, (0, 2, 1))
    out = run(pr[:, 0], pr[:, 1], pr[:, 2], pp[:, 0], pp[:, 1], pp[:, 2])
    return jnp.sum(out) / jnp.float32(nbatch * n * _K)

# --- scband reference (transcript-rebuilt; emitter-appended) ---
"""Pipeline reference for scband-point-stretch-loss-8117488189444 (READ-ONLY COPY).

The authoritative reference and input builder live on the scoring server;
editing this copy changes nothing except your own understanding.
"""

import jax, jax.numpy as jnp
import numpy as np

NN_SIZE = 16


def setup_inputs(seed: int = 0) -> dict:
    key = jax.random.key(seed)
    k1, k2 = jax.random.split(key)
    points_ref = jax.random.normal(k1, (4, 4096, 3), dtype=jnp.float32)
    points = jax.random.normal(k2, (4, 4096, 3), dtype=jnp.float32)
    return {"points_ref": points_ref, "points": points}


def _gather_points(points, idx):
    # points: (B, M, D), idx: (B, N, K) -> (B, N, K, D)
    return jax.vmap(lambda p, i: p[i])(points, idx)


def reference(points_ref, points):
    k = NN_SIZE + 1
    # brute-force knn of points_ref against itself (faiss_knn equivalent)
    sq = jnp.sum(points_ref * points_ref, axis=-1)  # (B, N)
    d2 = sq[:, :, None] + sq[:, None, :] - 2.0 * jnp.einsum('bnd,bmd->bnm', points_ref, points_ref)
    _, knn_idx = jax.lax.top_k(-d2, k)  # (B, N, k); index 0 is self (dist 0)
    knn_idx = knn_idx[:, :, 1:]  # drop self
    group_points_ref = _gather_points(points_ref, knn_idx)  # (B, N, K, D)
    dist_ref = jnp.linalg.norm(group_points_ref - points_ref[:, :, None, :], axis=-1)
    group_points = _gather_points(points, knn_idx)  # (B, N, K, D)
    dist = jnp.linalg.norm(group_points - points[:, :, None, :], axis=-1)
    stretch = jnp.maximum(dist / dist_ref - 1.0, jnp.zeros_like(dist))
    return jnp.mean(stretch)

if __name__ == "__main__":
    import jax
    _d = setup_inputs()
    print(jax.jit(kernel)(*tuple(_d.values())))

</pallas_src>

<mosaic_0001>
#map = affine_map<(d0, d1) -> (0, 0)>
module attributes {stable_mosaic.version = 14 : i64} {
  func.func @_sc_body(%arg0: i32, %arg1: i32, %arg2: memref<4x4096xf32, #tpu.memory_space<hbm>>, %arg3: memref<4x4096xf32, #tpu.memory_space<hbm>>, %arg4: memref<4x4096xf32, #tpu.memory_space<hbm>>, %arg5: memref<4x4096xf32, #tpu.memory_space<hbm>>, %arg6: memref<4x4096xf32, #tpu.memory_space<hbm>>, %arg7: memref<4x4096xf32, #tpu.memory_space<hbm>>, %arg8: memref<32x16xf32, #tpu.memory_space<hbm>>, %arg9: memref<4096xf32, #tpu.memory_space<vmem>>, %arg10: memref<4096xf32, #tpu.memory_space<vmem>>, %arg11: memref<4096xf32, #tpu.memory_space<vmem>>, %arg12: memref<4096xf32, #tpu.memory_space<vmem>>, %arg13: memref<4096xf32, #tpu.memory_space<vmem>>, %arg14: memref<4096xf32, #tpu.memory_space<vmem>>, %arg15: memref<4096xf32, #tpu.memory_space<vmem>>, %arg16: memref<4096xf32, #tpu.memory_space<vmem>>, %arg17: memref<4096xf32, #tpu.memory_space<vmem>>, %arg18: memref<4096xf32, #tpu.memory_space<vmem>>, %arg19: memref<4096xf32, #tpu.memory_space<vmem>>, %arg20: memref<4096xi32, #tpu.memory_space<vmem>>, %arg21: memref<4096xi32, #tpu.memory_space<vmem>>, %arg22: memref<16xf32, #tpu.memory_space<vmem>>) attributes {dimension_semantics = [#tpu.dimension_semantics<core_parallel>, #tpu.dimension_semantics<subcore_parallel>], iteration_bounds = array<i64: 2, 16>, scalar_prefetch = 0 : i64, scratch_operands = 14 : i64, tpu.core_type = #tpu.core_type<sc_vector_subcore>, window_params = [{transform_indices = #map}, {transform_indices = #map}, {transform_indices = #map}, {transform_indices = #map}, {transform_indices = #map}, {transform_indices = #map}, {transform_indices = #map}]} {
    %mul3A = arith.constant 2 : i32
    %mul3A_0 = arith.muli %arg1, %mul3A : i32
    %add3A = arith.addi %mul3A_0, %arg0 : i32
    %jit3A = arith.constant 8 : i32
    %div3A = arith.divsi %add3A, %jit3A : i32
    %sign3A = arith.constant 0 : i32
    %sign3A_1 = arith.cmpi sgt, %add3A, %sign3A : i32
    %sign3A_2 = arith.extui %sign3A_1 : i1 to i32
    %sign3A_3 = arith.constant 0 : i32
    %sign3A_4 = arith.cmpi slt, %add3A, %sign3A_3 : i32
    %sign3A_5 = arith.extui %sign3A_4 : i1 to i32
    %sign3A_6 = arith.subi %sign3A_2, %sign3A_5 : i32
    %sign3A_7 = arith.constant 0 : i32
    %sign3A_8 = arith.cmpi sgt, %jit3A, %sign3A_7 : i32
    %sign3A_9 = arith.extui %sign3A_8 : i1 to i32
    %sign3A_10 = arith.constant 0 : i32
    %sign3A_11 = arith.cmpi slt, %jit3A, %sign3A_10 : i32
    %sign3A_12 = arith.extui %sign3A_11 : i1 to i32
    %sign3A_13 = arith.subi %sign3A_9, %sign3A_12 : i32
    %ne3A = arith.cmpi ne, %sign3A_6, %sign3A_13 : i32
    %rem3A = arith.remsi %add3A, %jit3A : i32
    %ne3A_14 = arith.constant 0 : i32
    %ne3A_15 = arith.cmpi ne, %rem3A, %ne3A_14 : i32
    %and3A = arith.andi %ne3A, %ne3A_15 : i1
    %sub3A = arith.constant 1 : i32
    %sub3A_16 = arith.subi %div3A, %sub3A : i32
    %select_n3A = arith.select %and3A, %sub3A_16, %div3A : i32
    %jit3A_17 = arith.constant 8 : i32
    %eq3A = arith.constant 0 : i32
    %eq3A_18 = arith.cmpi eq, %jit3A_17, %eq3A : i32
    %jit3A_19 = arith.constant 1 : i32
    %select_n3A_20 = arith.select %eq3A_18, %jit3A_19, %jit3A_17 : i32
    %rem3A_21 = arith.remsi %add3A, %select_n3A_20 : i32
    %ne3A_22 = arith.constant 0 : i32
    %ne3A_23 = arith.cmpi ne, %rem3A_21, %ne3A_22 : i32
    %lt3A = arith.constant 0 : i32
    %lt3A_24 = arith.cmpi slt, %rem3A_21, %lt3A : i32
    %lt3A_25 = arith.constant 0 : i32
    %lt3A_26 = arith.cmpi slt, %select_n3A_20, %lt3A_25 : i32
    %ne3A_27 = arith.xori %lt3A_24, %lt3A_26 : i1
    %and3A_28 = arith.andi %ne3A_27, %ne3A_23 : i1
    %add3A_29 = arith.addi %rem3A_21, %select_n3A_20 : i32
    %select_n3A_30 = arith.select %and3A_28, %add3A_29, %rem3A_21 : i32
    %mul3A_31 = arith.constant 512 : i32
    %mul3A_32 = arith.muli %select_n3A_30, %mul3A_31 : i32
    "tpu.region"() ({
      %run_scoped3A = tpu.sem_alloc : memref<!tpu.dma_semaphore, #tpu.memory_space<semaphore_mem>>
      %dma_start3A = arith.constant 0 : i32
      %dma_start3A_50 = tpu.memref_slice %arg2[%select_n3A, %dma_start3A] : memref<4x4096xf32, #tpu.memory_space<hbm>> -> memref<1x4096xf32, #tpu.memory_space<hbm>>
      %dma_start3A_51 = tpu.memref_squeeze %dma_start3A_50 : memref<1x4096xf32, #tpu.memory_space<hbm>> -> memref<4096xf32, #tpu.memory_space<hbm>>
      %dma_start3A_52 = arith.constant 0 : i32
      %dma_start3A_53 = tpu.memref_slice %arg2[%select_n3A, %dma_start3A_52] : memref<4x4096xf32, #tpu.memory_space<hbm>> -> memref<1x4096xf32, #tpu.memory_space<hbm>>
      %dma_start3A_54 = tpu.memref_squeeze %dma_start3A_53 : memref<1x4096xf32, #tpu.memory_space<hbm>> -> memref<4096xf32, #tpu.memory_space<hbm>>
      tpu.enqueue_dma source(%dma_start3A_54 : memref<4096xf32, #tpu.memory_space<hbm>>) target(%arg9 : memref<4096xf32, #tpu.memory_space<vmem>>) target_semaphore(%run_scoped3A : memref<!tpu.dma_semaphore, #tpu.memory_space<semaphore_mem>>)
      %dma_wait3A = arith.constant 0 : i32
      %dma_wait3A_55 = tpu.memref_slice %arg2[%select_n3A, %dma_wait3A] : memref<4x4096xf32, #tpu.memory_space<hbm>> -> memref<1x4096xf32, #tpu.memory_space<hbm>>
      %dma_wait3A_56 = tpu.memref_squeeze %dma_wait3A_55 : memref<1x4096xf32, #tpu.memory_space<hbm>> -> memref<4096xf32, #tpu.memory_space<hbm>>
      %dma_wait3A_57 = arith.constant 0 : i32
      %dma_wait3A_58 = tpu.memref_slice %arg2[%select_n3A, %dma_wait3A_57] : memref<4x4096xf32, #tpu.memory_space<hbm>> -> memref<1x4096xf32, #tpu.memory_space<hbm>>
      %dma_wait3A_59 = tpu.memref_squeeze %dma_wait3A_58 : memref<1x4096xf32, #tpu.memory_space<hbm>> -> memref<4096xf32, #tpu.memory_space<hbm>>
      tpu.wait_dma2 semaphore(%run_scoped3A : memref<!tpu.dma_semaphore, #tpu.memory_space<semaphore_mem>>) src(%dma_wait3A_59 : memref<4096xf32, #tpu.memory_space<hbm>>) dst(%arg9 : memref<4096xf32, #tpu.memory_space<vmem>>)
      tpu.yield
    }) : () -> ()
    "tpu.region"() ({
      %run_scoped3A = tpu.sem_alloc : memref<!tpu.dma_semaphore, #tpu.memory_space<semaphore_mem>>
      %dma_start3A = arith.constant 0 : i32
      %dma_start3A_50 = tpu.memref_slice %arg3[%select_n3A, %dma_start3A] : memref<4x4096xf32, #tpu.memory_space<hbm>> -> memref<1x4096xf32, #tpu.memory_space<hbm>>
      %dma_start3A_51 = tpu.memref_squeeze %dma_start3A_50 : memref<1x4096xf32, #tpu.memory_space<hbm>> -> memref<4096xf32, #tpu.memory_space<hbm>>
      %dma_start3A_52 = arith.constant 0 : i32
      %dma_start3A_53 = tpu.memref_slice %arg3[%select_n3A, %dma_start3A_52] : memref<4x4096xf32, #tpu.memory_space<hbm>> -> memref<1x4096xf32, #tpu.memory_space<hbm>>
      %dma_start3A_54 = tpu.memref_squeeze %dma_start3A_53 : memref<1x4096xf32, #tpu.memory_space<hbm>> -> memref<4096xf32, #tpu.memory_space<hbm>>
      tpu.enqueue_dma source(%dma_start3A_54 : memref<4096xf32, #tpu.memory_space<hbm>>) target(%arg10 : memref<4096xf32, #tpu.memory_space<vmem>>) target_semaphore(%run_scoped3A : memref<!tpu.dma_semaphore, #tpu.memory_space<semaphore_mem>>)
      %dma_wait3A = arith.constant 0 : i32
      %dma_wait3A_55 = tpu.memref_slice %arg3[%select_n3A, %dma_wait3A] : memref<4x4096xf32, #tpu.memory_space<hbm>> -> memref<1x4096xf32, #tpu.memory_space<hbm>>
      %dma_wait3A_56 = tpu.memref_squeeze %dma_wait3A_55 : memref<1x4096xf32, #tpu.memory_space<hbm>> -> memref<4096xf32, #tpu.memory_space<hbm>>
      %dma_wait3A_57 = arith.constant 0 : i32
      %dma_wait3A_58 = tpu.memref_slice %arg3[%select_n3A, %dma_wait3A_57] : memref<4x4096xf32, #tpu.memory_space<hbm>> -> memref<1x4096xf32, #tpu.memory_space<hbm>>
      %dma_wait3A_59 = tpu.memref_squeeze %dma_wait3A_58 : memref<1x4096xf32, #tpu.memory_space<hbm>> -> memref<4096xf32, #tpu.memory_space<hbm>>
      tpu.wait_dma2 semaphore(%run_scoped3A : memref<!tpu.dma_semaphore, #tpu.memory_space<semaphore_mem>>) src(%dma_wait3A_59 : memref<4096xf32, #tpu.memory_space<hbm>>) dst(%arg10 : memref<4096xf32, #tpu.memory_space<vmem>>)
      tpu.yield
    }) : () -> ()
    "tpu.region"() ({
      %run_scoped3A = tpu.sem_alloc : memref<!tpu.dma_semaphore, #tpu.memory_space<semaphore_mem>>
      %dma_start3A = arith.constant 0 : i32
      %dma_start3A_50 = tpu.memref_slice %arg4[%select_n3A, %dma_start3A] : memref<4x4096xf32, #tpu.memory_space<hbm>> -> memref<1x4096xf32, #tpu.memory_space<hbm>>
      %dma_start3A_51 = tpu.memref_squeeze %dma_start3A_50 : memref<1x4096xf32, #tpu.memory_space<hbm>> -> memref<4096xf32, #tpu.memory_space<hbm>>
      %dma_start3A_52 = arith.constant 0 : i32
      %dma_start3A_53 = tpu.memref_slice %arg4[%select_n3A, %dma_start3A_52] : memref<4x4096xf32, #tpu.memory_space<hbm>> -> memref<1x4096xf32, #tpu.memory_space<hbm>>
      %dma_start3A_54 = tpu.memref_squeeze %dma_start3A_53 : memref<1x4096xf32, #tpu.memory_space<hbm>> -> memref<4096xf32, #tpu.memory_space<hbm>>
      tpu.enqueue_dma source(%dma_start3A_54 : memref<4096xf32, #tpu.memory_space<hbm>>) target(%arg11 : memref<4096xf32, #tpu.memory_space<vmem>>) target_semaphore(%run_scoped3A : memref<!tpu.dma_semaphore, #tpu.memory_space<semaphore_mem>>)
      %dma_wait3A = arith.constant 0 : i32
      %dma_wait3A_55 = tpu.memref_slice %arg4[%select_n3A, %dma_wait3A] : memref<4x4096xf32, #tpu.memory_space<hbm>> -> memref<1x4096xf32, #tpu.memory_space<hbm>>
      %dma_wait3A_56 = tpu.memref_squeeze %dma_wait3A_55 : memref<1x4096xf32, #tpu.memory_space<hbm>> -> memref<4096xf32, #tpu.memory_space<hbm>>
      %dma_wait3A_57 = arith.constant 0 : i32
      %dma_wait3A_58 = tpu.memref_slice %arg4[%select_n3A, %dma_wait3A_57] : memref<4x4096xf32, #tpu.memory_space<hbm>> -> memref<1x4096xf32, #tpu.memory_space<hbm>>
      %dma_wait3A_59 = tpu.memref_squeeze %dma_wait3A_58 : memref<1x4096xf32, #tpu.memory_space<hbm>> -> memref<4096xf32, #tpu.memory_space<hbm>>
      tpu.wait_dma2 semaphore(%run_scoped3A : memref<!tpu.dma_semaphore, #tpu.memory_space<semaphore_mem>>) src(%dma_wait3A_59 : memref<4096xf32, #tpu.memory_space<hbm>>) dst(%arg11 : memref<4096xf32, #tpu.memory_space<vmem>>)
      tpu.yield
    }) : () -> ()
    "tpu.region"() ({
      %run_scoped3A = tpu.sem_alloc : memref<!tpu.dma_semaphore, #tpu.memory_space<semaphore_mem>>
      %dma_start3A = arith.constant 0 : i32
      %dma_start3A_50 = tpu.memref_slice %arg5[%select_n3A, %dma_start3A] : memref<4x4096xf32, #tpu.memory_space<hbm>> -> memref<1x4096xf32, #tpu.memory_space<hbm>>
      %dma_start3A_51 = tpu.memref_squeeze %dma_start3A_50 : memref<1x4096xf32, #tpu.memory_space<hbm>> -> memref<4096xf32, #tpu.memory_space<hbm>>
      %dma_start3A_52 = arith.constant 0 : i32
      %dma_start3A_53 = tpu.memref_slice %arg5[%select_n3A, %dma_start3A_52] : memref<4x4096xf32, #tpu.memory_space<hbm>> -> memref<1x4096xf32, #tpu.memory_space<hbm>>
      %dma_start3A_54 = tpu.memref_squeeze %dma_start3A_53 : memref<1x4096xf32, #tpu.memory_space<hbm>> -> memref<4096xf32, #tpu.memory_space<hbm>>
      tpu.enqueue_dma source(%dma_start3A_54 : memref<4096xf32, #tpu.memory_space<hbm>>) target(%arg13 : memref<4096xf32, #tpu.memory_space<vmem>>) target_semaphore(%run_scoped3A : memref<!tpu.dma_semaphore, #tpu.memory_space<semaphore_mem>>)
      %dma_wait3A = arith.constant 0 : i32
      %dma_wait3A_55 = tpu.memref_slice %arg5[%select_n3A, %dma_wait3A] : memref<4x4096xf32, #tpu.memory_space<hbm>> -> memref<1x4096xf32, #tpu.memory_space<hbm>>
      %dma_wait3A_56 = tpu.memref_squeeze %dma_wait3A_55 : memref<1x4096xf32, #tpu.memory_space<hbm>> -> memref<4096xf32, #tpu.memory_space<hbm>>
      %dma_wait3A_57 = arith.constant 0 : i32
      %dma_wait3A_58 = tpu.memref_slice %arg5[%select_n3A, %dma_wait3A_57] : memref<4x4096xf32, #tpu.memory_space<hbm>> -> memref<1x4096xf32, #tpu.memory_space<hbm>>
      %dma_wait3A_59 = tpu.memref_squeeze %dma_wait3A_58 : memref<1x4096xf32, #tpu.memory_space<hbm>> -> memref<4096xf32, #tpu.memory_space<hbm>>
      tpu.wait_dma2 semaphore(%run_scoped3A : memref<!tpu.dma_semaphore, #tpu.memory_space<semaphore_mem>>) src(%dma_wait3A_59 : memref<4096xf32, #tpu.memory_space<hbm>>) dst(%arg13 : memref<4096xf32, #tpu.memory_space<vmem>>)
      tpu.yield
    }) : () -> ()
    "tpu.region"() ({
      %run_scoped3A = tpu.sem_alloc : memref<!tpu.dma_semaphore, #tpu.memory_space<semaphore_mem>>
      %dma_start3A = arith.constant 0 : i32
      %dma_start3A_50 = tpu.memref_slice %arg6[%select_n3A, %dma_start3A] : memref<4x4096xf32, #tpu.memory_space<hbm>> -> memref<1x4096xf32, #tpu.memory_space<hbm>>
      %dma_start3A_51 = tpu.memref_squeeze %dma_start3A_50 : memref<1x4096xf32, #tpu.memory_space<hbm>> -> memref<4096xf32, #tpu.memory_space<hbm>>
      %dma_start3A_52 = arith.constant 0 : i32
      %dma_start3A_53 = tpu.memref_slice %arg6[%select_n3A, %dma_start3A_52] : memref<4x4096xf32, #tpu.memory_space<hbm>> -> memref<1x4096xf32, #tpu.memory_space<hbm>>
      %dma_start3A_54 = tpu.memref_squeeze %dma_start3A_53 : memref<1x4096xf32, #tpu.memory_space<hbm>> -> memref<4096xf32, #tpu.memory_space<hbm>>
      tpu.enqueue_dma source(%dma_start3A_54 : memref<4096xf32, #tpu.memory_space<hbm>>) target(%arg14 : memref<4096xf32, #tpu.memory_space<vmem>>) target_semaphore(%run_scoped3A : memref<!tpu.dma_semaphore, #tpu.memory_space<semaphore_mem>>)
      %dma_wait3A = arith.constant 0 : i32
      %dma_wait3A_55 = tpu.memref_slice %arg6[%select_n3A, %dma_wait3A] : memref<4x4096xf32, #tpu.memory_space<hbm>> -> memref<1x4096xf32, #tpu.memory_space<hbm>>
      %dma_wait3A_56 = tpu.memref_squeeze %dma_wait3A_55 : memref<1x4096xf32, #tpu.memory_space<hbm>> -> memref<4096xf32, #tpu.memory_space<hbm>>
      %dma_wait3A_57 = arith.constant 0 : i32
      %dma_wait3A_58 = tpu.memref_slice %arg6[%select_n3A, %dma_wait3A_57] : memref<4x4096xf32, #tpu.memory_space<hbm>> -> memref<1x4096xf32, #tpu.memory_space<hbm>>
      %dma_wait3A_59 = tpu.memref_squeeze %dma_wait3A_58 : memref<1x4096xf32, #tpu.memory_space<hbm>> -> memref<4096xf32, #tpu.memory_space<hbm>>
      tpu.wait_dma2 semaphore(%run_scoped3A : memref<!tpu.dma_semaphore, #tpu.memory_space<semaphore_mem>>) src(%dma_wait3A_59 : memref<4096xf32, #tpu.memory_space<hbm>>) dst(%arg14 : memref<4096xf32, #tpu.memory_space<vmem>>)
      tpu.yield
    }) : () -> ()
    "tpu.region"() ({
      %run_scoped3A = tpu.sem_alloc : memref<!tpu.dma_semaphore, #tpu.memory_space<semaphore_mem>>
      %dma_start3A = arith.constant 0 : i32
      %dma_start3A_50 = tpu.memref_slice %arg7[%select_n3A, %dma_start3A] : memref<4x4096xf32, #tpu.memory_space<hbm>> -> memref<1x4096xf32, #tpu.memory_space<hbm>>
      %dma_start3A_51 = tpu.memref_squeeze %dma_start3A_50 : memref<1x4096xf32, #tpu.memory_space<hbm>> -> memref<4096xf32, #tpu.memory_space<hbm>>
      %dma_start3A_52 = arith.constant 0 : i32
      %dma_start3A_53 = tpu.memref_slice %arg7[%select_n3A, %dma_start3A_52] : memref<4x4096xf32, #tpu.memory_space<hbm>> -> memref<1x4096xf32, #tpu.memory_space<hbm>>
      %dma_start3A_54 = tpu.memref_squeeze %dma_start3A_53 : memref<1x4096xf32, #tpu.memory_space<hbm>> -> memref<4096xf32, #tpu.memory_space<hbm>>
      tpu.enqueue_dma source(%dma_start3A_54 : memref<4096xf32, #tpu.memory_space<hbm>>) target(%arg15 : memref<4096xf32, #tpu.memory_space<vmem>>) target_semaphore(%run_scoped3A : memref<!tpu.dma_semaphore, #tpu.memory_space<semaphore_mem>>)
      %dma_wait3A = arith.constant 0 : i32
      %dma_wait3A_55 = tpu.memref_slice %arg7[%select_n3A, %dma_wait3A] : memref<4x4096xf32, #tpu.memory_space<hbm>> -> memref<1x4096xf32, #tpu.memory_space<hbm>>
      %dma_wait3A_56 = tpu.memref_squeeze %dma_wait3A_55 : memref<1x4096xf32, #tpu.memory_space<hbm>> -> memref<4096xf32, #tpu.memory_space<hbm>>
      %dma_wait3A_57 = arith.constant 0 : i32
      %dma_wait3A_58 = tpu.memref_slice %arg7[%select_n3A, %dma_wait3A_57] : memref<4x4096xf32, #tpu.memory_space<hbm>> -> memref<1x4096xf32, #tpu.memory_space<hbm>>
      %dma_wait3A_59 = tpu.memref_squeeze %dma_wait3A_58 : memref<1x4096xf32, #tpu.memory_space<hbm>> -> memref<4096xf32, #tpu.memory_space<hbm>>
      tpu.wait_dma2 semaphore(%run_scoped3A : memref<!tpu.dma_semaphore, #tpu.memory_space<semaphore_mem>>) src(%dma_wait3A_59 : memref<4096xf32, #tpu.memory_space<hbm>>) dst(%arg15 : memref<4096xf32, #tpu.memory_space<vmem>>)
      tpu.yield
    }) : () -> ()
    %broadcast_in_dim3A = arith.constant 0x7F800000 : f32
    %broadcast_in_dim3A_33 = vector.broadcast %broadcast_in_dim3A : f32 to vector<16xf32>
    %iota3A = tpu.iota {dimensions = array<i32: 0>} : vector<16xi32>
    %scan3A = arith.constant 0 : i32
    %scan3A_34 = arith.constant 256 : i32
    %scan3A_35 = arith.addi %scan3A, %scan3A_34 : i32
    %scan3A_36 = arith.constant 1 : i32
    scf.for %scan3A_50 = %scan3A to %scan3A_35 step %scan3A_36  : i32 {
      %mul3A_51 = arith.constant 16 : i32
      %mul3A_52 = arith.muli %scan3A_50, %mul3A_51 : i32
      %add3A_53 = arith.constant 0 : i32
      %add3A_54 = arith.addi %add3A_53, %mul3A_52 : i32
      %get3A = arith.index_cast %add3A_54 : i32 to index
      %get3A_55 = tpu.vector_load %arg9[%get3A] {strides = array<i32>} : memref<4096xf32, #tpu.memory_space<vmem>>, vector<16xf32>,
      %get3A_56 = arith.index_cast %add3A_54 : i32 to index
      %get3A_57 = tpu.vector_load %arg10[%get3A_56] {strides = array<i32>} : memref<4096xf32, #tpu.memory_space<vmem>>, vector<16xf32>,
      %get3A_58 = arith.index_cast %add3A_54 : i32 to index
      %get3A_59 = tpu.vector_load %arg11[%get3A_58] {strides = array<i32>} : memref<4096xf32, #tpu.memory_space<vmem>>, vector<16xf32>,
      %mul3A_60 = arith.mulf %get3A_55, %get3A_55 : vector<16xf32>
      %mul3A_61 = arith.mulf %get3A_57, %get3A_57 : vector<16xf32>
      %add3A_62 = arith.addf %mul3A_60, %mul3A_61 : vector<16xf32>
      %mul3A_63 = arith.mulf %get3A_59, %get3A_59 : vector<16xf32>
      %add3A_64 = arith.addf %add3A_62, %mul3A_63 : vector<16xf32>
      %swap3A_65 = arith.index_cast %add3A_54 : i32 to index
      %swap3A_66 = tpu.vector_load %arg12[%swap3A_65] {strides = array<i32>} : memref<4096xf32, #tpu.memory_space<vmem>>, vector<16xf32>,
      tpu.vector_store %arg12[%swap3A_65], %add3A_64 {strides = array<i32>} : memref<4096xf32, #tpu.memory_space<vmem>>, vector<16xf32>,
      %broadcast_in_dim3A_67 = vector.broadcast %add3A_54 : i32 to vector<16xi32>
      %add3A_68 = arith.addi %broadcast_in_dim3A_67, %iota3A : vector<16xi32>
      %swap3A_69 = arith.index_cast %add3A_54 : i32 to index
      %swap3A_70 = tpu.vector_load %arg21[%swap3A_69] {strides = array<i32>} : memref<4096xi32, #tpu.memory_space<vmem>>, vector<16xi32>,
      tpu.vector_store %arg21[%swap3A_69], %add3A_68 {strides = array<i32>} : memref<4096xi32, #tpu.memory_space<vmem>>, vector<16xi32>,
      %broadcast_in_dim3A_71 = arith.constant 0 : i32
      %broadcast_in_dim3A_72 = vector.broadcast %broadcast_in_dim3A_71 : i32 to vector<16xi32>
      %swap3A_73 = arith.index_cast %add3A_54 : i32 to index
      %swap3A_74 = tpu.vector_load %arg20[%swap3A_73] {strides = array<i32>} : memref<4096xi32, #tpu.memory_space<vmem>>, vector<16xi32>,
      tpu.vector_store %arg20[%swap3A_73], %broadcast_in_dim3A_72 {strides = array<i32>} : memref<4096xi32, #tpu.memory_space<vmem>>, vector<16xi32>,
    }
    %scan3A_37 = arith.constant 256 : i32
    %mul3A_38 = arith.constant 256 : i32
    %mul3A_39 = vector.broadcast %mul3A_38 : i32 to vector<16xi32>
    %mul3A_40 = arith.muli %iota3A, %mul3A_39 : vector<16xi32>
    %broadcast_in_dim3A_41 = arith.constant 0.000000e+00 : f32
    %broadcast_in_dim3A_42 = vector.broadcast %broadcast_in_dim3A_41 : f32 to vector<16xf32>
    %scan3A_43 = arith.constant 0 : i32
    %scan3A_44 = arith.constant 128 : i32
    %scan3A_45 = arith.addi %scan3A_43, %scan3A_44 : i32
    %scan3A_46 = arith.constant 1 : i32
    %scan3A_47 = scf.for %scan3A_50 = %scan3A_43 to %scan3A_45 step %scan3A_46 iter_args(%scan3A_51 = %broadcast_in_dim3A_42) -> (vector<16xf32>)  : i32 {
      %mul3A_52 = arith.constant 4 : i32
      %mul3A_53 = arith.muli %scan3A_50, %mul3A_52 : i32
      %add3A_54 = arith.addi %mul3A_32, %mul3A_53 : i32
      %add3A_55 = arith.constant 0 : i32
      %add3A_56 = arith.addi %add3A_54, %add3A_55 : i32
      %broadcast_in_dim3A_57 = vector.broadcast %add3A_56 : i32 to vector<16xi32>
      %add3A_58 = arith.constant 1 : i32
      %add3A_59 = arith.addi %add3A_54, %add3A_58 : i32
      %broadcast_in_dim3A_60 = vector.broadcast %add3A_59 : i32 to vector<16xi32>
      %add3A_61 = arith.constant 2 : i32
      %add3A_62 = arith.addi %add3A_54, %add3A_61 : i32
      %broadcast_in_dim3A_63 = vector.broadcast %add3A_62 : i32 to vector<16xi32>
      %add3A_64 = arith.constant 3 : i32
      %add3A_65 = arith.addi %add3A_54, %add3A_64 : i32
      %broadcast_in_dim3A_66 = vector.broadcast %add3A_65 : i32 to vector<16xi32>
      %gather3A = tpu.vector_load_idx %arg9[%broadcast_in_dim3A_57] : memref<4096xf32, #tpu.memory_space<vmem>>[vector<16xi32>], vector<16xf32>,
      %mul3A_67 = arith.constant -2.000000e+00 : f32
      %mul3A_68 = vector.broadcast %mul3A_67 : f32 to vector<16xf32>
      %mul3A_69 = arith.mulf %mul3A_68, %gather3A : vector<16xf32>
      %gather3A_70 = tpu.vector_load_idx %arg10[%broadcast_in_dim3A_57] : memref<4096xf32, #tpu.memory_space<vmem>>[vector<16xi32>], vector<16xf32>,
      %mul3A_71 = arith.constant -2.000000e+00 : f32
      %mul3A_72 = vector.broadcast %mul3A_71 : f32 to vector<16xf32>
      %mul3A_73 = arith.mulf %mul3A_72, %gather3A_70 : vector<16xf32>
      %gather3A_74 = tpu.vector_load_idx %arg11[%broadcast_in_dim3A_57] : memref<4096xf32, #tpu.memory_space<vmem>>[vector<16xi32>], vector<16xf32>,
      %mul3A_75 = arith.constant -2.000000e+00 : f32
      %mul3A_76 = vector.broadcast %mul3A_75 : f32 to vector<16xf32>
      %mul3A_77 = arith.mulf %mul3A_76, %gather3A_74 : vector<16xf32>
      %gather3A_78 = tpu.vector_load_idx %arg9[%broadcast_in_dim3A_60] : memref<4096xf32, #tpu.memory_space<vmem>>[vector<16xi32>], vector<16xf32>,
      %mul3A_79 = arith.constant -2.000000e+00 : f32
      %mul3A_80 = vector.broadcast %mul3A_79 : f32 to vector<16xf32>
      %mul3A_81 = arith.mulf %mul3A_80, %gather3A_78 : vector<16xf32>
      %gather3A_82 = tpu.vector_load_idx %arg10[%broadcast_in_dim3A_60] : memref<4096xf32, #tpu.memory_space<vmem>>[vector<16xi32>], vector<16xf32>,
      %mul3A_83 = arith.constant -2.000000e+00 : f32
      %mul3A_84 = vector.broadcast %mul3A_83 : f32 to vector<16xf32>
      %mul3A_85 = arith.mulf %mul3A_84, %gather3A_82 : vector<16xf32>
      %gather3A_86 = tpu.vector_load_idx %arg11[%broadcast_in_dim3A_60] : memref<4096xf32, #tpu.memory_space<vmem>>[vector<16xi32>], vector<16xf32>,
      %mul3A_87 = arith.constant -2.000000e+00 : f32
      %mul3A_88 = vector.broadcast %mul3A_87 : f32 to vector<16xf32>
      %mul3A_89 = arith.mulf %mul3A_88, %gather3A_86 : vector<16xf32>
      %gather3A_90 = tpu.vector_load_idx %arg9[%broadcast_in_dim3A_63] : memref<4096xf32, #tpu.memory_space<vmem>>[vector<16xi32>], vector<16xf32>,
      %mul3A_91 = arith.constant -2.000000e+00 : f32
      %mul3A_92 = vector.broadcast %mul3A_91 : f32 to vector<16xf32>
      %mul3A_93 = arith.mulf %mul3A_92, %gather3A_90 : vector<16xf32>
      %gather3A_94 = tpu.vector_load_idx %arg10[%broadcast_in_dim3A_63] : memref<4096xf32, #tpu.memory_space<vmem>>[vector<16xi32>], vector<16xf32>,
      %mul3A_95 = arith.constant -2.000000e+00 : f32
      %mul3A_96 = vector.broadcast %mul3A_95 : f32 to vector<16xf32>
      %mul3A_97 = arith.mulf %mul3A_96, %gather3A_94 : vector<16xf32>
      %gather3A_98 = tpu.vector_load_idx %arg11[%broadcast_in_dim3A_63] : memref<4096xf32, #tpu.memory_space<vmem>>[vector<16xi32>], vector<16xf32>,
      %mul3A_99 = arith.constant -2.000000e+00 : f32
      %mul3A_100 = vector.broadcast %mul3A_99 : f32 to vector<16xf32>
      %mul3A_101 = arith.mulf %mul3A_100, %gather3A_98 : vector<16xf32>
      %gather3A_102 = tpu.vector_load_idx %arg9[%broadcast_in_dim3A_66] : memref<4096xf32, #tpu.memory_space<vmem>>[vector<16xi32>], vector<16xf32>,
      %mul3A_103 = arith.constant -2.000000e+00 : f32
      %mul3A_104 = vector.broadcast %mul3A_103 : f32 to vector<16xf32>
      %mul3A_105 = arith.mulf %mul3A_104, %gather3A_102 : vector<16xf32>
      %gather3A_106 = tpu.vector_load_idx %arg10[%broadcast_in_dim3A_66] : memref<4096xf32, #tpu.memory_space<vmem>>[vector<16xi32>], vector<16xf32>,
      %mul3A_107 = arith.constant -2.000000e+00 : f32
      %mul3A_108 = vector.broadcast %mul3A_107 : f32 to vector<16xf32>
      %mul3A_109 = arith.mulf %mul3A_108, %gather3A_106 : vector<16xf32>
      %gather3A_110 = tpu.vector_load_idx %arg11[%broadcast_in_dim3A_66] : memref<4096xf32, #tpu.memory_space<vmem>>[vector<16xi32>], vector<16xf32>,
      %mul3A_111 = arith.constant -2.000000e+00 : f32
      %mul3A_112 = vector.broadcast %mul3A_111 : f32 to vector<16xf32>
      %mul3A_113 = arith.mulf %mul3A_112, %gather3A_110 : vector<16xf32>
      %parallel_loop3A = arith.constant 0 : i32
      %parallel_loop3A_114 = arith.constant 256 : i32
      %parallel_loop3A_115 = arith.constant 1 : i32
      %parallel_loop3A_116:4 = scf.for %parallel_loop3A_448 = %parallel_loop3A to %parallel_loop3A_114 step %parallel_loop3A_115 iter_args(%parallel_loop3A_449 = %broadcast_in_dim3A_33, %parallel_loop3A_450 = %broadcast_in_dim3A_33, %parallel_loop3A_451 = %broadcast_in_dim3A_33, %parallel_loop3A_452 = %broadcast_in_dim3A_33) -> (vector<16xf32>, vector<16xf32>, vector<16xf32>, vector<16xf32>)  : i32 {
        %parallel_loop3A_453 = arith.constant 16 : i32
        %parallel_loop3A_454 = arith.muli %parallel_loop3A_448, %parallel_loop3A_453 : i32
        %parallel_loop3A_455 = arith.index_cast %parallel_loop3A_454 : i32 to index
        %parallel_loop3A_456 = tpu.vector_load %arg9[%parallel_loop3A_455] {strides = array<i32>} : memref<4096xf32, #tpu.memory_space<vmem>>, vector<16xf32>,
        %parallel_loop3A_457 = arith.index_cast %parallel_loop3A_454 : i32 to index
        %parallel_loop3A_458 = tpu.vector_load %arg10[%parallel_loop3A_457] {strides = array<i32>} : memref<4096xf32, #tpu.memory_space<vmem>>, vector<16xf32>,
        %parallel_loop3A_459 = arith.index_cast %parallel_loop3A_454 : i32 to index
        %parallel_loop3A_460 = tpu.vector_load %arg11[%parallel_loop3A_459] {strides = array<i32>} : memref<4096xf32, #tpu.memory_space<vmem>>, vector<16xf32>,
        %parallel_loop3A_461 = arith.index_cast %parallel_loop3A_454 : i32 to index
        %parallel_loop3A_462 = tpu.vector_load %arg12[%parallel_loop3A_461] {strides = array<i32>} : memref<4096xf32, #tpu.memory_space<vmem>>, vector<16xf32>,
        %parallel_loop3A_463 = arith.index_cast %parallel_loop3A_454 : i32 to index
        %parallel_loop3A_464 = tpu.vector_load %arg21[%parallel_loop3A_463] {strides = array<i32>} : memref<4096xi32, #tpu.memory_space<vmem>>, vector<16xi32>,
        %parallel_loop3A_465 = arith.mulf %parallel_loop3A_456, %mul3A_69 : vector<16xf32>
        %parallel_loop3A_466 = arith.addf %parallel_loop3A_462, %parallel_loop3A_465 : vector<16xf32>
        %parallel_loop3A_467 = arith.mulf %parallel_loop3A_458, %mul3A_73 : vector<16xf32>
        %parallel_loop3A_468 = arith.addf %parallel_loop3A_466, %parallel_loop3A_467 : vector<16xf32>
        %parallel_loop3A_469 = arith.mulf %parallel_loop3A_460, %mul3A_77 : vector<16xf32>
        %parallel_loop3A_470 = arith.addf %parallel_loop3A_468, %parallel_loop3A_469 : vector<16xf32>
        %parallel_loop3A_471 = arith.cmpi eq, %parallel_loop3A_464, %broadcast_in_dim3A_57 : vector<16xi32>
        %parallel_loop3A_472 = arith.constant 0x7F800000 : f32
        %parallel_loop3A_473 = vector.broadcast %parallel_loop3A_472 : f32 to vector<16xf32>
        %parallel_loop3A_474 = arith.select %parallel_loop3A_471, %parallel_loop3A_473, %parallel_loop3A_470 : vector<16xi1>, vector<16xf32>
        %parallel_loop3A_475 = arith.index_cast %parallel_loop3A_454 : i32 to index
        %parallel_loop3A_476 = tpu.vector_load %arg16[%parallel_loop3A_475] {strides = array<i32>} : memref<4096xf32, #tpu.memory_space<vmem>>, vector<16xf32>,
        tpu.vector_store %arg16[%parallel_loop3A_475], %parallel_loop3A_474 {strides = array<i32>} : memref<4096xf32, #tpu.memory_space<vmem>>, vector<16xf32>,
        %parallel_loop3A_477 = arith.minimumf %parallel_loop3A_449, %parallel_loop3A_474 : vector<16xf32>
        %parallel_loop3A_478 = arith.mulf %parallel_loop3A_456, %mul3A_81 : vector<16xf32>
        %parallel_loop3A_479 = arith.addf %parallel_loop3A_462, %parallel_loop3A_478 : vector<16xf32>
        %parallel_loop3A_480 = arith.mulf %parallel_loop3A_458, %mul3A_85 : vector<16xf32>
        %parallel_loop3A_481 = arith.addf %parallel_loop3A_479, %parallel_loop3A_480 : vector<16xf32>
        %parallel_loop3A_482 = arith.mulf %parallel_loop3A_460, %mul3A_89 : vector<16xf32>
        %parallel_loop3A_483 = arith.addf %parallel_loop3A_481, %parallel_loop3A_482 : vector<16xf32>
        %parallel_loop3A_484 = arith.cmpi eq, %parallel_loop3A_464, %broadcast_in_dim3A_60 : vector<16xi32>
        %parallel_loop3A_485 = arith.constant 0x7F800000 : f32
        %parallel_loop3A_486 = vector.broadcast %parallel_loop3A_485 : f32 to vector<16xf32>
        %parallel_loop3A_487 = arith.select %parallel_loop3A_484, %parallel_loop3A_486, %parallel_loop3A_483 : vector<16xi1>, vector<16xf32>
        %parallel_loop3A_488 = arith.index_cast %parallel_loop3A_454 : i32 to index
        %parallel_loop3A_489 = tpu.vector_load %arg17[%parallel_loop3A_488] {strides = array<i32>} : memref<4096xf32, #tpu.memory_space<vmem>>, vector<16xf32>,
        tpu.vector_store %arg17[%parallel_loop3A_488], %parallel_loop3A_487 {strides = array<i32>} : memref<4096xf32, #tpu.memory_space<vmem>>, vector<16xf32>,
        %parallel_loop3A_490 = arith.minimumf %parallel_loop3A_450, %parallel_loop3A_487 : vector<16xf32>
        %parallel_loop3A_491 = arith.mulf %parallel_loop3A_456, %mul3A_93 : vector<16xf32>
        %parallel_loop3A_492 = arith.addf %parallel_loop3A_462, %parallel_loop3A_491 : vector<16xf32>
        %parallel_loop3A_493 = arith.mulf %parallel_loop3A_458, %mul3A_97 : vector<16xf32>
        %parallel_loop3A_494 = arith.addf %parallel_loop3A_492, %parallel_loop3A_493 : vector<16xf32>
        %parallel_loop3A_495 = arith.mulf %parallel_loop3A_460, %mul3A_101 : vector<16xf32>
        %parallel_loop3A_496 = arith.addf %parallel_loop3A_494, %parallel_loop3A_495 : vector<16xf32>
        %parallel_loop3A_497 = arith.cmpi eq, %parallel_loop3A_464, %broadcast_in_dim3A_63 : vector<16xi32>
        %parallel_loop3A_498 = arith.constant 0x7F800000 : f32
        %parallel_loop3A_499 = vector.broadcast %parallel_loop3A_498 : f32 to vector<16xf32>
        %parallel_loop3A_500 = arith.select %parallel_loop3A_497, %parallel_loop3A_499, %parallel_loop3A_496 : vector<16xi1>, vector<16xf32>
        %parallel_loop3A_501 = arith.index_cast %parallel_loop3A_454 : i32 to index
        %parallel_loop3A_502 = tpu.vector_load %arg18[%parallel_loop3A_501] {strides = array<i32>} : memref<4096xf32, #tpu.memory_space<vmem>>, vector<16xf32>,
        tpu.vector_store %arg18[%parallel_loop3A_501], %parallel_loop3A_500 {strides = array<i32>} : memref<4096xf32, #tpu.memory_space<vmem>>, vector<16xf32>,
        %parallel_loop3A_503 = arith.minimumf %parallel_loop3A_451, %parallel_loop3A_500 : vector<16xf32>
        %parallel_loop3A_504 = arith.mulf %parallel_loop3A_456, %mul3A_105 : vector<16xf32>
        %parallel_loop3A_505 = arith.addf %parallel_loop3A_462, %parallel_loop3A_504 : vector<16xf32>
        %parallel_loop3A_506 = arith.mulf %parallel_loop3A_458, %mul3A_109 : vector<16xf32>
        %parallel_loop3A_507 = arith.addf %parallel_loop3A_505, %parallel_loop3A_506 : vector<16xf32>
        %parallel_loop3A_508 = arith.mulf %parallel_loop3A_460, %mul3A_113 : vector<16xf32>
        %parallel_loop3A_509 = arith.addf %parallel_loop3A_507, %parallel_loop3A_508 : vector<16xf32>
        %parallel_loop3A_510 = arith.cmpi eq, %parallel_loop3A_464, %broadcast_in_dim3A_66 : vector<16xi32>
        %parallel_loop3A_511 = arith.constant 0x7F800000 : f32
        %parallel_loop3A_512 = vector.broadcast %parallel_loop3A_511 : f32 to vector<16xf32>
        %parallel_loop3A_513 = arith.select %parallel_loop3A_510, %parallel_loop3A_512, %parallel_loop3A_509 : vector<16xi1>, vector<16xf32>
        %parallel_loop3A_514 = arith.index_cast %parallel_loop3A_454 : i32 to index
        %parallel_loop3A_515 = tpu.vector_load %arg19[%parallel_loop3A_514] {strides = array<i32>} : memref<4096xf32, #tpu.memory_space<vmem>>, vector<16xf32>,
        tpu.vector_store %arg19[%parallel_loop3A_514], %parallel_loop3A_513 {strides = array<i32>} : memref<4096xf32, #tpu.memory_space<vmem>>, vector<16xf32>,
        %parallel_loop3A_516 = arith.minimumf %parallel_loop3A_452, %parallel_loop3A_513 : vector<16xf32>
        scf.yield %parallel_loop3A_477, %parallel_loop3A_490, %parallel_loop3A_503, %parallel_loop3A_516 : vector<16xf32>, vector<16xf32>, vector<16xf32>, vector<16xf32>
      } {sc.loop_unroll_factor = 4 : i64, sc.parallel_access}
      %reduce_max3A = arith.constant true
      %reduce_max3A_117 = vector.broadcast %reduce_max3A : i1 to vector<16xi1>
      %reduce_max3A_118 = tpu.scan <max>, %parallel_loop3A_116#0 masked %reduce_max3A_117 : vector<16xf32>, vector<16xi1> -> vector<16xf32>
      %reduce_max3A_119 = vector.extract %reduce_max3A_118[15] : f32 from vector<16xf32>
      %broadcast_in_dim3A_120 = vector.broadcast %reduce_max3A_119 : f32 to vector<16xf32>
      %broadcast_in_dim3A_121 = arith.constant 0 : i32
      %broadcast_in_dim3A_122 = vector.broadcast %broadcast_in_dim3A_121 : i32 to vector<16xi32>
      %parallel_loop3A_123 = arith.constant 0 : i32
      %parallel_loop3A_124 = arith.constant 256 : i32
      %parallel_loop3A_125 = arith.constant 1 : i32
      %parallel_loop3A_126 = scf.for %parallel_loop3A_448 = %parallel_loop3A_123 to %parallel_loop3A_124 step %parallel_loop3A_125 iter_args(%parallel_loop3A_449 = %broadcast_in_dim3A_122) -> (vector<16xi32>)  : i32 {
        %parallel_loop3A_450 = arith.constant 16 : i32
        %parallel_loop3A_451 = arith.muli %parallel_loop3A_448, %parallel_loop3A_450 : i32
        %parallel_loop3A_452 = arith.index_cast %parallel_loop3A_451 : i32 to index
        %parallel_loop3A_453 = tpu.vector_load %arg16[%parallel_loop3A_452] {strides = array<i32>} : memref<4096xf32, #tpu.memory_space<vmem>>, vector<16xf32>,
        %parallel_loop3A_454 = arith.cmpf ole, %parallel_loop3A_453, %broadcast_in_dim3A_120 : vector<16xf32>
        %parallel_loop3A_455 = arith.index_cast %parallel_loop3A_451 : i32 to index
        %parallel_loop3A_456 = tpu.vector_load %arg21[%parallel_loop3A_455] {strides = array<i32>} : memref<4096xi32, #tpu.memory_space<vmem>>, vector<16xi32>,
        %parallel_loop3A_457 = arith.addi %mul3A_40, %parallel_loop3A_449 : vector<16xi32>
        tpu.vector_store_idx %arg20[%parallel_loop3A_457], %parallel_loop3A_456 masked %parallel_loop3A_454 : memref<4096xi32, #tpu.memory_space<vmem>>[vector<16xi32>], vector<16xi32>, vector<16xi1>
        %parallel_loop3A_458 = arith.constant 1 : i32
        %parallel_loop3A_459 = arith.constant 0 : i32
        %parallel_loop3A_460 = vector.broadcast %parallel_loop3A_458 : i32 to vector<16xi32>
        %parallel_loop3A_461 = vector.broadcast %parallel_loop3A_459 : i32 to vector<16xi32>
        %parallel_loop3A_462 = arith.select %parallel_loop3A_454, %parallel_loop3A_460, %parallel_loop3A_461 : vector<16xi1>, vector<16xi32>
        %parallel_loop3A_463 = arith.addi %parallel_loop3A_449, %parallel_loop3A_462 : vector<16xi32>
        scf.yield %parallel_loop3A_463 : vector<16xi32>
      } {sc.loop_unroll_factor = 8 : i64, sc.parallel_access}
      %reduce_max3A_127 = arith.constant true
      %reduce_max3A_128 = vector.broadcast %reduce_max3A_127 : i1 to vector<16xi1>
      %reduce_max3A_129 = arith.constant -2147483648 : i32
      %reduce_max3A_130 = vector.broadcast %reduce_max3A_129 : i32 to vector<16xi32>
      %reduce_max3A_131 = arith.xori %parallel_loop3A_126, %reduce_max3A_130 : vector<16xi32>
      %reduce_max3A_132 = tpu.scan <max>, %reduce_max3A_131 masked %reduce_max3A_128 : vector<16xi32>, vector<16xi1> -> vector<16xi32>
      %reduce_max3A_133 = arith.xori %reduce_max3A_132, %reduce_max3A_130 : vector<16xi32>
      %reduce_max3A_134 = vector.extract %reduce_max3A_133[15] : i32 from vector<16xi32>
      %while3A = arith.constant 0 : i32
      %while3A_135 = arith.subi %reduce_max3A_134, %while3A : i32
      %while3A_136 = arith.addi %while3A, %while3A_135 : i32
      %while3A_137 = arith.constant 1 : i32
      %while3A_138 = arith.divsi %while3A_135, %while3A_137 : i32
      %while3A_139 = arith.muli %while3A_138, %while3A_137 : i32
      %while3A_140 = arith.addi %while3A, %while3A_139 : i32
      %while3A_141 = arith.constant 1 : i32
      %while3A_142:2 = scf.for %while3A_448 = %while3A to %while3A_140 step %while3A_141 iter_args(%while3A_449 = %broadcast_in_dim3A_33, %while3A_450 = %broadcast_in_dim3A_57) -> (vector<16xf32>, vector<16xi32>)  : i32 {
        %broadcast_in_dim3A_451 = vector.broadcast %while3A_448 : i32 to vector<16xi32>
        %add3A_452 = arith.addi %mul3A_40, %broadcast_in_dim3A_451 : vector<16xi32>
        %gather3A_453 = tpu.vector_load_idx %arg20[%add3A_452] : memref<4096xi32, #tpu.memory_space<vmem>>[vector<16xi32>], vector<16xi32>,
        %gather3A_454 = tpu.vector_load_idx %arg16[%gather3A_453] : memref<4096xf32, #tpu.memory_space<vmem>>[vector<16xi32>], vector<16xf32>,
        %lt3A_455 = arith.cmpi slt, %broadcast_in_dim3A_451, %parallel_loop3A_126 : vector<16xi32>
        %jit3A_456 = arith.constant 0x7F800000 : f32
        %broadcast_in_dim3A_457 = vector.broadcast %jit3A_456 : f32 to vector<16xf32>
        %select_n3A_458 = arith.select %lt3A_455, %gather3A_454, %broadcast_in_dim3A_457 : vector<16xi1>, vector<16xf32>
        %masked_sort3A = arith.constant dense<true> : vector<16xi1>
        %masked_sort3A_459, %masked_sort3A_460, %masked_sort3A_461 = tpu.sort %select_n3A_458, %gather3A_453 masked %masked_sort3A : (vector<16xf32>, vector<16xi32>, vector<16xi1>) -> (vector<16xi1>, vector<16xf32>, vector<16xi32>)
        %rev3A = arith.constant 15 : i32
        %rev3A_462 = vector.broadcast %rev3A : i32 to vector<16xi32>
        %rev3A_463 = tpu.iota {dimensions = array<i32: 0>} : vector<16xi32>
        %rev3A_464 = arith.subi %rev3A_462, %rev3A_463 : vector<16xi32>
        %rev3A_465 = tpu.dynamic_gather %masked_sort3A_460[%rev3A_464] in [0] : vector<16xf32>, vector<16xi32> -> vector<16xf32>
        %rev3A_466 = arith.constant 15 : i32
        %rev3A_467 = vector.broadcast %rev3A_466 : i32 to vector<16xi32>
        %rev3A_468 = tpu.iota {dimensions = array<i32: 0>} : vector<16xi32>
        %rev3A_469 = arith.subi %rev3A_467, %rev3A_468 : vector<16xi32>
        %rev3A_470 = tpu.dynamic_gather %masked_sort3A_461[%rev3A_469] in [0] : vector<16xi32>, vector<16xi32> -> vector<16xi32>
        %le3A = arith.cmpf ole, %while3A_449, %rev3A_465 : vector<16xf32>
        %select_n3A_471 = arith.select %le3A, %while3A_449, %rev3A_465 : vector<16xi1>, vector<16xf32>
        %select_n3A_472 = arith.select %le3A, %while3A_450, %rev3A_470 : vector<16xi1>, vector<16xi32>
        %masked_sort3A_473 = arith.constant dense<true> : vector<16xi1>
        %masked_sort3A_474, %masked_sort3A_475, %masked_sort3A_476 = tpu.sort %select_n3A_471, %select_n3A_472 masked %masked_sort3A_473 : (vector<16xf32>, vector<16xi32>, vector<16xi1>) -> (vector<16xi1>, vector<16xf32>, vector<16xi32>)
        scf.yield %masked_sort3A_475, %masked_sort3A_476 : vector<16xf32>, vector<16xi32>
      }
      %while3A_143 = arith.constant 1 : i32
      %while3A_144:2 = scf.for %while3A_448 = %while3A_140 to %while3A_136 step %while3A_143 iter_args(%while3A_449 = %while3A_142#0, %while3A_450 = %while3A_142#1) -> (vector<16xf32>, vector<16xi32>)  : i32 {
        %broadcast_in_dim3A_451 = vector.broadcast %while3A_448 : i32 to vector<16xi32>
        %add3A_452 = arith.addi %mul3A_40, %broadcast_in_dim3A_451 : vector<16xi32>
        %gather3A_453 = tpu.vector_load_idx %arg20[%add3A_452] : memref<4096xi32, #tpu.memory_space<vmem>>[vector<16xi32>], vector<16xi32>,
        %gather3A_454 = tpu.vector_load_idx %arg16[%gather3A_453] : memref<4096xf32, #tpu.memory_space<vmem>>[vector<16xi32>], vector<16xf32>,
        %lt3A_455 = arith.cmpi slt, %broadcast_in_dim3A_451, %parallel_loop3A_126 : vector<16xi32>
        %jit3A_456 = arith.constant 0x7F800000 : f32
        %broadcast_in_dim3A_457 = vector.broadcast %jit3A_456 : f32 to vector<16xf32>
        %select_n3A_458 = arith.select %lt3A_455, %gather3A_454, %broadcast_in_dim3A_457 : vector<16xi1>, vector<16xf32>
        %masked_sort3A = arith.constant dense<true> : vector<16xi1>
        %masked_sort3A_459, %masked_sort3A_460, %masked_sort3A_461 = tpu.sort %select_n3A_458, %gather3A_453 masked %masked_sort3A : (vector<16xf32>, vector<16xi32>, vector<16xi1>) -> (vector<16xi1>, vector<16xf32>, vector<16xi32>)
        %rev3A = arith.constant 15 : i32
        %rev3A_462 = vector.broadcast %rev3A : i32 to vector<16xi32>
        %rev3A_463 = tpu.iota {dimensions = array<i32: 0>} : vector<16xi32>
        %rev3A_464 = arith.subi %rev3A_462, %rev3A_463 : vector<16xi32>
        %rev3A_465 = tpu.dynamic_gather %masked_sort3A_460[%rev3A_464] in [0] : vector<16xf32>, vector<16xi32> -> vector<16xf32>
        %rev3A_466 = arith.constant 15 : i32
        %rev3A_467 = vector.broadcast %rev3A_466 : i32 to vector<16xi32>
        %rev3A_468 = tpu.iota {dimensions = array<i32: 0>} : vector<16xi32>
        %rev3A_469 = arith.subi %rev3A_467, %rev3A_468 : vector<16xi32>
        %rev3A_470 = tpu.dynamic_gather %masked_sort3A_461[%rev3A_469] in [0] : vector<16xi32>, vector<16xi32> -> vector<16xi32>
        %le3A = arith.cmpf ole, %while3A_449, %rev3A_465 : vector<16xf32>
        %select_n3A_471 = arith.select %le3A, %while3A_449, %rev3A_465 : vector<16xi1>, vector<16xf32>
        %select_n3A_472 = arith.select %le3A, %while3A_450, %rev3A_470 : vector<16xi1>, vector<16xi32>
        %masked_sort3A_473 = arith.constant dense<true> : vector<16xi1>
        %masked_sort3A_474, %masked_sort3A_475, %masked_sort3A_476 = tpu.sort %select_n3A_471, %select_n3A_472 masked %masked_sort3A_473 : (vector<16xf32>, vector<16xi32>, vector<16xi1>) -> (vector<16xi1>, vector<16xf32>, vector<16xi32>)
        scf.yield %masked_sort3A_475, %masked_sort3A_476 : vector<16xf32>, vector<16xi32>
      }
      %gather3A_145 = tpu.vector_load_idx %arg9[%broadcast_in_dim3A_57] : memref<4096xf32, #tpu.memory_space<vmem>>[vector<16xi32>], vector<16xf32>,
      %gather3A_146 = tpu.vector_load_idx %arg10[%broadcast_in_dim3A_57] : memref<4096xf32, #tpu.memory_space<vmem>>[vector<16xi32>], vector<16xf32>,
      %gather3A_147 = tpu.vector_load_idx %arg11[%broadcast_in_dim3A_57] : memref<4096xf32, #tpu.memory_space<vmem>>[vector<16xi32>], vector<16xf32>,
      %mul3A_148 = arith.mulf %gather3A_145, %gather3A_145 : vector<16xf32>
      %add3A_149 = arith.addf %while3A_144#0, %mul3A_148 : vector<16xf32>
      %mul3A_150 = arith.mulf %gather3A_146, %gather3A_146 : vector<16xf32>
      %add3A_151 = arith.addf %add3A_149, %mul3A_150 : vector<16xf32>
      %mul3A_152 = arith.mulf %gather3A_147, %gather3A_147 : vector<16xf32>
      %add3A_153 = arith.addf %add3A_151, %mul3A_152 : vector<16xf32>
      %gather3A_154 = tpu.vector_load_idx %arg13[%while3A_144#1] : memref<4096xf32, #tpu.memory_space<vmem>>[vector<16xi32>], vector<16xf32>,
      %gather3A_155 = tpu.vector_load_idx %arg13[%broadcast_in_dim3A_57] : memref<4096xf32, #tpu.memory_space<vmem>>[vector<16xi32>], vector<16xf32>,
      %sub3A_156 = arith.subf %gather3A_154, %gather3A_155 : vector<16xf32>
      %gather3A_157 = tpu.vector_load_idx %arg14[%while3A_144#1] : memref<4096xf32, #tpu.memory_space<vmem>>[vector<16xi32>], vector<16xf32>,
      %gather3A_158 = tpu.vector_load_idx %arg14[%broadcast_in_dim3A_57] : memref<4096xf32, #tpu.memory_space<vmem>>[vector<16xi32>], vector<16xf32>,
      %sub3A_159 = arith.subf %gather3A_157, %gather3A_158 : vector<16xf32>
      %gather3A_160 = tpu.vector_load_idx %arg15[%while3A_144#1] : memref<4096xf32, #tpu.memory_space<vmem>>[vector<16xi32>], vector<16xf32>,
      %gather3A_161 = tpu.vector_load_idx %arg15[%broadcast_in_dim3A_57] : memref<4096xf32, #tpu.memory_space<vmem>>[vector<16xi32>], vector<16xf32>,
      %sub3A_162 = arith.subf %gather3A_160, %gather3A_161 : vector<16xf32>
      %mul3A_163 = arith.mulf %sub3A_156, %sub3A_156 : vector<16xf32>
      %mul3A_164 = arith.mulf %sub3A_159, %sub3A_159 : vector<16xf32>
      %add3A_165 = arith.addf %mul3A_163, %mul3A_164 : vector<16xf32>
      %mul3A_166 = arith.mulf %sub3A_162, %sub3A_162 : vector<16xf32>
      %add3A_167 = arith.addf %add3A_165, %mul3A_166 : vector<16xf32>
      %div3A_168 = arith.divf %add3A_167, %add3A_153 : vector<16xf32>
      %bitcast_convert_type3A = tpu.bitcast %div3A_168 : vector<16xf32> -> vector<16xi32>
      %broadcast_in_dim3A_169 = arith.constant 532487669 : i32
      %broadcast_in_dim3A_170 = vector.broadcast %broadcast_in_dim3A_169 : i32 to vector<16xi32>
      %shift_right_logical3A = arith.constant 1 : i32
      %shift_right_logical3A_171 = vector.broadcast %shift_right_logical3A : i32 to vector<16xi32>
      %shift_right_logical3A_172 = arith.shrui %bitcast_convert_type3A, %shift_right_logical3A_171 : vector<16xi32>
      %add3A_173 = arith.addi %broadcast_in_dim3A_170, %shift_right_logical3A_172 : vector<16xi32>
      %bitcast_convert_type3A_174 = tpu.bitcast %add3A_173 : vector<16xi32> -> vector<16xf32>
      %div3A_175 = arith.divf %div3A_168, %bitcast_convert_type3A_174 : vector<16xf32>
      %add3A_176 = arith.addf %bitcast_convert_type3A_174, %div3A_175 : vector<16xf32>
      %mul3A_177 = arith.constant 5.000000e-01 : f32
      %mul3A_178 = vector.broadcast %mul3A_177 : f32 to vector<16xf32>
      %mul3A_179 = arith.mulf %mul3A_178, %add3A_176 : vector<16xf32>
      %div3A_180 = arith.divf %div3A_168, %mul3A_179 : vector<16xf32>
      %add3A_181 = arith.addf %mul3A_179, %div3A_180 : vector<16xf32>
      %mul3A_182 = arith.constant 5.000000e-01 : f32
      %mul3A_183 = vector.broadcast %mul3A_182 : f32 to vector<16xf32>
      %mul3A_184 = arith.mulf %mul3A_183, %add3A_181 : vector<16xf32>
      %div3A_185 = arith.divf %div3A_168, %mul3A_184 : vector<16xf32>
      %add3A_186 = arith.addf %mul3A_184, %div3A_185 : vector<16xf32>
      %mul3A_187 = arith.constant 5.000000e-01 : f32
      %mul3A_188 = vector.broadcast %mul3A_187 : f32 to vector<16xf32>
      %mul3A_189 = arith.mulf %mul3A_188, %add3A_186 : vector<16xf32>
      %sub3A_190 = arith.constant 1.000000e+00 : f32
      %sub3A_191 = vector.broadcast %sub3A_190 : f32 to vector<16xf32>
      %sub3A_192 = arith.subf %mul3A_189, %sub3A_191 : vector<16xf32>
      %max3A = arith.constant 0.000000e+00 : f32
      %max3A_193 = vector.broadcast %max3A : f32 to vector<16xf32>
      %max3A_194 = arith.maximumf %sub3A_192, %max3A_193 : vector<16xf32>
      %add3A_195 = arith.addf %scan3A_51, %max3A_194 : vector<16xf32>
      %reduce_max3A_196 = arith.constant true
      %reduce_max3A_197 = vector.broadcast %reduce_max3A_196 : i1 to vector<16xi1>
      %reduce_max3A_198 = tpu.scan <max>, %parallel_loop3A_116#1 masked %reduce_max3A_197 : vector<16xf32>, vector<16xi1> -> vector<16xf32>
      %reduce_max3A_199 = vector.extract %reduce_max3A_198[15] : f32 from vector<16xf32>
      %broadcast_in_dim3A_200 = vector.broadcast %reduce_max3A_199 : f32 to vector<16xf32>
      %broadcast_in_dim3A_201 = arith.constant 0 : i32
      %broadcast_in_dim3A_202 = vector.broadcast %broadcast_in_dim3A_201 : i32 to vector<16xi32>
      %parallel_loop3A_203 = arith.constant 0 : i32
      %parallel_loop3A_204 = arith.constant 256 : i32
      %parallel_loop3A_205 = arith.constant 1 : i32
      %parallel_loop3A_206 = scf.for %parallel_loop3A_448 = %parallel_loop3A_203 to %parallel_loop3A_204 step %parallel_loop3A_205 iter_args(%parallel_loop3A_449 = %broadcast_in_dim3A_202) -> (vector<16xi32>)  : i32 {
        %parallel_loop3A_450 = arith.constant 16 : i32
        %parallel_loop3A_451 = arith.muli %parallel_loop3A_448, %parallel_loop3A_450 : i32
        %parallel_loop3A_452 = arith.index_cast %parallel_loop3A_451 : i32 to index
        %parallel_loop3A_453 = tpu.vector_load %arg17[%parallel_loop3A_452] {strides = array<i32>} : memref<4096xf32, #tpu.memory_space<vmem>>, vector<16xf32>,
        %parallel_loop3A_454 = arith.cmpf ole, %parallel_loop3A_453, %broadcast_in_dim3A_200 : vector<16xf32>
        %parallel_loop3A_455 = arith.index_cast %parallel_loop3A_451 : i32 to index
        %parallel_loop3A_456 = tpu.vector_load %arg21[%parallel_loop3A_455] {strides = array<i32>} : memref<4096xi32, #tpu.memory_space<vmem>>, vector<16xi32>,
        %parallel_loop3A_457 = arith.addi %mul3A_40, %parallel_loop3A_449 : vector<16xi32>
        tpu.vector_store_idx %arg20[%parallel_loop3A_457], %parallel_loop3A_456 masked %parallel_loop3A_454 : memref<4096xi32, #tpu.memory_space<vmem>>[vector<16xi32>], vector<16xi32>, vector<16xi1>
        %parallel_loop3A_458 = arith.constant 1 : i32
        %parallel_loop3A_459 = arith.constant 0 : i32
        %parallel_loop3A_460 = vector.broadcast %parallel_loop3A_458 : i32 to vector<16xi32>
        %parallel_loop3A_461 = vector.broadcast %parallel_loop3A_459 : i32 to vector<16xi32>
        %parallel_loop3A_462 = arith.select %parallel_loop3A_454, %parallel_loop3A_460, %parallel_loop3A_461 : vector<16xi1>, vector<16xi32>
        %parallel_loop3A_463 = arith.addi %parallel_loop3A_449, %parallel_loop3A_462 : vector<16xi32>
        scf.yield %parallel_loop3A_463 : vector<16xi32>
      } {sc.loop_unroll_factor = 8 : i64, sc.parallel_access}
      %reduce_max3A_207 = arith.constant true
      %reduce_max3A_208 = vector.broadcast %reduce_max3A_207 : i1 to vector<16xi1>
      %reduce_max3A_209 = arith.constant -2147483648 : i32
      %reduce_max3A_210 = vector.broadcast %reduce_max3A_209 : i32 to vector<16xi32>
      %reduce_max3A_211 = arith.xori %parallel_loop3A_206, %reduce_max3A_210 : vector<16xi32>
      %reduce_max3A_212 = tpu.scan <max>, %reduce_max3A_211 masked %reduce_max3A_208 : vector<16xi32>, vector<16xi1> -> vector<16xi32>
      %reduce_max3A_213 = arith.xori %reduce_max3A_212, %reduce_max3A_210 : vector<16xi32>
      %reduce_max3A_214 = vector.extract %reduce_max3A_213[15] : i32 from vector<16xi32>
      %while3A_215 = arith.constant 0 : i32
      %while3A_216 = arith.subi %reduce_max3A_214, %while3A_215 : i32
      %while3A_217 = arith.addi %while3A_215, %while3A_216 : i32
      %while3A_218 = arith.constant 1 : i32
      %while3A_219 = arith.divsi %while3A_216, %while3A_218 : i32
      %while3A_220 = arith.muli %while3A_219, %while3A_218 : i32
      %while3A_221 = arith.addi %while3A_215, %while3A_220 : i32
      %while3A_222 = arith.constant 1 : i32
      %while3A_223:2 = scf.for %while3A_448 = %while3A_215 to %while3A_221 step %while3A_222 iter_args(%while3A_449 = %broadcast_in_dim3A_33, %while3A_450 = %broadcast_in_dim3A_60) -> (vector<16xf32>, vector<16xi32>)  : i32 {
        %broadcast_in_dim3A_451 = vector.broadcast %while3A_448 : i32 to vector<16xi32>
        %add3A_452 = arith.addi %mul3A_40, %broadcast_in_dim3A_451 : vector<16xi32>
        %gather3A_453 = tpu.vector_load_idx %arg20[%add3A_452] : memref<4096xi32, #tpu.memory_space<vmem>>[vector<16xi32>], vector<16xi32>,
        %gather3A_454 = tpu.vector_load_idx %arg17[%gather3A_453] : memref<4096xf32, #tpu.memory_space<vmem>>[vector<16xi32>], vector<16xf32>,
        %lt3A_455 = arith.cmpi slt, %broadcast_in_dim3A_451, %parallel_loop3A_206 : vector<16xi32>
        %jit3A_456 = arith.constant 0x7F800000 : f32
        %broadcast_in_dim3A_457 = vector.broadcast %jit3A_456 : f32 to vector<16xf32>
        %select_n3A_458 = arith.select %lt3A_455, %gather3A_454, %broadcast_in_dim3A_457 : vector<16xi1>, vector<16xf32>
        %masked_sort3A = arith.constant dense<true> : vector<16xi1>
        %masked_sort3A_459, %masked_sort3A_460, %masked_sort3A_461 = tpu.sort %select_n3A_458, %gather3A_453 masked %masked_sort3A : (vector<16xf32>, vector<16xi32>, vector<16xi1>) -> (vector<16xi1>, vector<16xf32>, vector<16xi32>)
        %rev3A = arith.constant 15 : i32
        %rev3A_462 = vector.broadcast %rev3A : i32 to vector<16xi32>
        %rev3A_463 = tpu.iota {dimensions = array<i32: 0>} : vector<16xi32>
        %rev3A_464 = arith.subi %rev3A_462, %rev3A_463 : vector<16xi32>
        %rev3A_465 = tpu.dynamic_gather %masked_sort3A_460[%rev3A_464] in [0] : vector<16xf32>, vector<16xi32> -> vector<16xf32>
        %rev3A_466 = arith.constant 15 : i32
        %rev3A_467 = vector.broadcast %rev3A_466 : i32 to vector<16xi32>
        %rev3A_468 = tpu.iota {dimensions = array<i32: 0>} : vector<16xi32>
        %rev3A_469 = arith.subi %rev3A_467, %rev3A_468 : vector<16xi32>
        %rev3A_470 = tpu.dynamic_gather %masked_sort3A_461[%rev3A_469] in [0] : vector<16xi32>, vector<16xi32> -> vector<16xi32>
        %le3A = arith.cmpf ole, %while3A_449, %rev3A_465 : vector<16xf32>
        %select_n3A_471 = arith.select %le3A, %while3A_449, %rev3A_465 : vector<16xi1>, vector<16xf32>
        %select_n3A_472 = arith.select %le3A, %while3A_450, %rev3A_470 : vector<16xi1>, vector<16xi32>
        %masked_sort3A_473 = arith.constant dense<true> : vector<16xi1>
        %masked_sort3A_474, %masked_sort3A_475, %masked_sort3A_476 = tpu.sort %select_n3A_471, %select_n3A_472 masked %masked_sort3A_473 : (vector<16xf32>, vector<16xi32>, vector<16xi1>) -> (vector<16xi1>, vector<16xf32>, vector<16xi32>)
        scf.yield %masked_sort3A_475, %masked_sort3A_476 : vector<16xf32>, vector<16xi32>
      }
      %while3A_224 = arith.constant 1 : i32
      %while3A_225:2 = scf.for %while3A_448 = %while3A_221 to %while3A_217 step %while3A_224 iter_args(%while3A_449 = %while3A_223#0, %while3A_450 = %while3A_223#1) -> (vector<16xf32>, vector<16xi32>)  : i32 {
        %broadcast_in_dim3A_451 = vector.broadcast %while3A_448 : i32 to vector<16xi32>
        %add3A_452 = arith.addi %mul3A_40, %broadcast_in_dim3A_451 : vector<16xi32>
        %gather3A_453 = tpu.vector_load_idx %arg20[%add3A_452] : memref<4096xi32, #tpu.memory_space<vmem>>[vector<16xi32>], vector<16xi32>,
        %gather3A_454 = tpu.vector_load_idx %arg17[%gather3A_453] : memref<4096xf32, #tpu.memory_space<vmem>>[vector<16xi32>], vector<16xf32>,
        %lt3A_455 = arith.cmpi slt, %broadcast_in_dim3A_451, %parallel_loop3A_206 : vector<16xi32>
        %jit3A_456 = arith.constant 0x7F800000 : f32
        %broadcast_in_dim3A_457 = vector.broadcast %jit3A_456 : f32 to vector<16xf32>
        %select_n3A_458 = arith.select %lt3A_455, %gather3A_454, %broadcast_in_dim3A_457 : vector<16xi1>, vector<16xf32>
        %masked_sort3A = arith.constant dense<true> : vector<16xi1>
        %masked_sort3A_459, %masked_sort3A_460, %masked_sort3A_461 = tpu.sort %select_n3A_458, %gather3A_453 masked %masked_sort3A : (vector<16xf32>, vector<16xi32>, vector<16xi1>) -> (vector<16xi1>, vector<16xf32>, vector<16xi32>)
        %rev3A = arith.constant 15 : i32
        %rev3A_462 = vector.broadcast %rev3A : i32 to vector<16xi32>
        %rev3A_463 = tpu.iota {dimensions = array<i32: 0>} : vector<16xi32>
        %rev3A_464 = arith.subi %rev3A_462, %rev3A_463 : vector<16xi32>
        %rev3A_465 = tpu.dynamic_gather %masked_sort3A_460[%rev3A_464] in [0] : vector<16xf32>, vector<16xi32> -> vector<16xf32>
        %rev3A_466 = arith.constant 15 : i32
        %rev3A_467 = vector.broadcast %rev3A_466 : i32 to vector<16xi32>
        %rev3A_468 = tpu.iota {dimensions = array<i32: 0>} : vector<16xi32>
        %rev3A_469 = arith.subi %rev3A_467, %rev3A_468 : vector<16xi32>
        %rev3A_470 = tpu.dynamic_gather %masked_sort3A_461[%rev3A_469] in [0] : vector<16xi32>, vector<16xi32> -> vector<16xi32>
        %le3A = arith.cmpf ole, %while3A_449, %rev3A_465 : vector<16xf32>
        %select_n3A_471 = arith.select %le3A, %while3A_449, %rev3A_465 : vector<16xi1>, vector<16xf32>
        %select_n3A_472 = arith.select %le3A, %while3A_450, %rev3A_470 : vector<16xi1>, vector<16xi32>
        %masked_sort3A_473 = arith.constant dense<true> : vector<16xi1>
        %masked_sort3A_474, %masked_sort3A_475, %masked_sort3A_476 = tpu.sort %select_n3A_471, %select_n3A_472 masked %masked_sort3A_473 : (vector<16xf32>, vector<16xi32>, vector<16xi1>) -> (vector<16xi1>, vector<16xf32>, vector<16xi32>)
        scf.yield %masked_sort3A_475, %masked_sort3A_476 : vector<16xf32>, vector<16xi32>
      }
      %gather3A_226 = tpu.vector_load_idx %arg9[%broadcast_in_dim3A_60] : memref<4096xf32, #tpu.memory_space<vmem>>[vector<16xi32>], vector<16xf32>,
      %gather3A_227 = tpu.vector_load_idx %arg10[%broadcast_in_dim3A_60] : memref<4096xf32, #tpu.memory_space<vmem>>[vector<16xi32>], vector<16xf32>,
      %gather3A_228 = tpu.vector_load_idx %arg11[%broadcast_in_dim3A_60] : memref<4096xf32, #tpu.memory_space<vmem>>[vector<16xi32>], vector<16xf32>,
      %mul3A_229 = arith.mulf %gather3A_226, %gather3A_226 : vector<16xf32>
      %add3A_230 = arith.addf %while3A_225#0, %mul3A_229 : vector<16xf32>
      %mul3A_231 = arith.mulf %gather3A_227, %gather3A_227 : vector<16xf32>
      %add3A_232 = arith.addf %add3A_230, %mul3A_231 : vector<16xf32>
      %mul3A_233 = arith.mulf %gather3A_228, %gather3A_228 : vector<16xf32>
      %add3A_234 = arith.addf %add3A_232, %mul3A_233 : vector<16xf32>
      %gather3A_235 = tpu.vector_load_idx %arg13[%while3A_225#1] : memref<4096xf32, #tpu.memory_space<vmem>>[vector<16xi32>], vector<16xf32>,
      %gather3A_236 = tpu.vector_load_idx %arg13[%broadcast_in_dim3A_60] : memref<4096xf32, #tpu.memory_space<vmem>>[vector<16xi32>], vector<16xf32>,
      %sub3A_237 = arith.subf %gather3A_235, %gather3A_236 : vector<16xf32>
      %gather3A_238 = tpu.vector_load_idx %arg14[%while3A_225#1] : memref<4096xf32, #tpu.memory_space<vmem>>[vector<16xi32>], vector<16xf32>,
      %gather3A_239 = tpu.vector_load_idx %arg14[%broadcast_in_dim3A_60] : memref<4096xf32, #tpu.memory_space<vmem>>[vector<16xi32>], vector<16xf32>,
      %sub3A_240 = arith.subf %gather3A_238, %gather3A_239 : vector<16xf32>
      %gather3A_241 = tpu.vector_load_idx %arg15[%while3A_225#1] : memref<4096xf32, #tpu.memory_space<vmem>>[vector<16xi32>], vector<16xf32>,
      %gather3A_242 = tpu.vector_load_idx %arg15[%broadcast_in_dim3A_60] : memref<4096xf32, #tpu.memory_space<vmem>>[vector<16xi32>], vector<16xf32>,
      %sub3A_243 = arith.subf %gather3A_241, %gather3A_242 : vector<16xf32>
      %mul3A_244 = arith.mulf %sub3A_237, %sub3A_237 : vector<16xf32>
      %mul3A_245 = arith.mulf %sub3A_240, %sub3A_240 : vector<16xf32>
      %add3A_246 = arith.addf %mul3A_244, %mul3A_245 : vector<16xf32>
      %mul3A_247 = arith.mulf %sub3A_243, %sub3A_243 : vector<16xf32>
      %add3A_248 = arith.addf %add3A_246, %mul3A_247 : vector<16xf32>
      %div3A_249 = arith.divf %add3A_248, %add3A_234 : vector<16xf32>
      %bitcast_convert_type3A_250 = tpu.bitcast %div3A_249 : vector<16xf32> -> vector<16xi32>
      %broadcast_in_dim3A_251 = arith.constant 532487669 : i32
      %broadcast_in_dim3A_252 = vector.broadcast %broadcast_in_dim3A_251 : i32 to vector<16xi32>
      %shift_right_logical3A_253 = arith.constant 1 : i32
      %shift_right_logical3A_254 = vector.broadcast %shift_right_logical3A_253 : i32 to vector<16xi32>
      %shift_right_logical3A_255 = arith.shrui %bitcast_convert_type3A_250, %shift_right_logical3A_254 : vector<16xi32>
      %add3A_256 = arith.addi %broadcast_in_dim3A_252, %shift_right_logical3A_255 : vector<16xi32>
      %bitcast_convert_type3A_257 = tpu.bitcast %add3A_256 : vector<16xi32> -> vector<16xf32>
      %div3A_258 = arith.divf %div3A_249, %bitcast_convert_type3A_257 : vector<16xf32>
      %add3A_259 = arith.addf %bitcast_convert_type3A_257, %div3A_258 : vector<16xf32>
      %mul3A_260 = arith.constant 5.000000e-01 : f32
      %mul3A_261 = vector.broadcast %mul3A_260 : f32 to vector<16xf32>
      %mul3A_262 = arith.mulf %mul3A_261, %add3A_259 : vector<16xf32>
      %div3A_263 = arith.divf %div3A_249, %mul3A_262 : vector<16xf32>
      %add3A_264 = arith.addf %mul3A_262, %div3A_263 : vector<16xf32>
      %mul3A_265 = arith.constant 5.000000e-01 : f32
      %mul3A_266 = vector.broadcast %mul3A_265 : f32 to vector<16xf32>
      %mul3A_267 = arith.mulf %mul3A_266, %add3A_264 : vector<16xf32>
      %div3A_268 = arith.divf %div3A_249, %mul3A_267 : vector<16xf32>
      %add3A_269 = arith.addf %mul3A_267, %div3A_268 : vector<16xf32>
      %mul3A_270 = arith.constant 5.000000e-01 : f32
      %mul3A_271 = vector.broadcast %mul3A_270 : f32 to vector<16xf32>
      %mul3A_272 = arith.mulf %mul3A_271, %add3A_269 : vector<16xf32>
      %sub3A_273 = arith.constant 1.000000e+00 : f32
      %sub3A_274 = vector.broadcast %sub3A_273 : f32 to vector<16xf32>
      %sub3A_275 = arith.subf %mul3A_272, %sub3A_274 : vector<16xf32>
      %max3A_276 = arith.constant 0.000000e+00 : f32
      %max3A_277 = vector.broadcast %max3A_276 : f32 to vector<16xf32>
      %max3A_278 = arith.maximumf %sub3A_275, %max3A_277 : vector<16xf32>
      %add3A_279 = arith.addf %add3A_195, %max3A_278 : vector<16xf32>
      %reduce_max3A_280 = arith.constant true
      %reduce_max3A_281 = vector.broadcast %reduce_max3A_280 : i1 to vector<16xi1>
      %reduce_max3A_282 = tpu.scan <max>, %parallel_loop3A_116#2 masked %reduce_max3A_281 : vector<16xf32>, vector<16xi1> -> vector<16xf32>
      %reduce_max3A_283 = vector.extract %reduce_max3A_282[15] : f32 from vector<16xf32>
      %broadcast_in_dim3A_284 = vector.broadcast %reduce_max3A_283 : f32 to vector<16xf32>
      %broadcast_in_dim3A_285 = arith.constant 0 : i32
      %broadcast_in_dim3A_286 = vector.broadcast %broadcast_in_dim3A_285 : i32 to vector<16xi32>
      %parallel_loop3A_287 = arith.constant 0 : i32
      %parallel_loop3A_288 = arith.constant 256 : i32
      %parallel_loop3A_289 = arith.constant 1 : i32
      %parallel_loop3A_290 = scf.for %parallel_loop3A_448 = %parallel_loop3A_287 to %parallel_loop3A_288 step %parallel_loop3A_289 iter_args(%parallel_loop3A_449 = %broadcast_in_dim3A_286) -> (vector<16xi32>)  : i32 {
        %parallel_loop3A_450 = arith.constant 16 : i32
        %parallel_loop3A_451 = arith.muli %parallel_loop3A_448, %parallel_loop3A_450 : i32
        %parallel_loop3A_452 = arith.index_cast %parallel_loop3A_451 : i32 to index
        %parallel_loop3A_453 = tpu.vector_load %arg18[%parallel_loop3A_452] {strides = array<i32>} : memref<4096xf32, #tpu.memory_space<vmem>>, vector<16xf32>,
        %parallel_loop3A_454 = arith.cmpf ole, %parallel_loop3A_453, %broadcast_in_dim3A_284 : vector<16xf32>
        %parallel_loop3A_455 = arith.index_cast %parallel_loop3A_451 : i32 to index
        %parallel_loop3A_456 = tpu.vector_load %arg21[%parallel_loop3A_455] {strides = array<i32>} : memref<4096xi32, #tpu.memory_space<vmem>>, vector<16xi32>,
        %parallel_loop3A_457 = arith.addi %mul3A_40, %parallel_loop3A_449 : vector<16xi32>
        tpu.vector_store_idx %arg20[%parallel_loop3A_457], %parallel_loop3A_456 masked %parallel_loop3A_454 : memref<4096xi32, #tpu.memory_space<vmem>>[vector<16xi32>], vector<16xi32>, vector<16xi1>
        %parallel_loop3A_458 = arith.constant 1 : i32
        %parallel_loop3A_459 = arith.constant 0 : i32
        %parallel_loop3A_460 = vector.broadcast %parallel_loop3A_458 : i32 to vector<16xi32>
        %parallel_loop3A_461 = vector.broadcast %parallel_loop3A_459 : i32 to vector<16xi32>
        %parallel_loop3A_462 = arith.select %parallel_loop3A_454, %parallel_loop3A_460, %parallel_loop3A_461 : vector<16xi1>, vector<16xi32>
        %parallel_loop3A_463 = arith.addi %parallel_loop3A_449, %parallel_loop3A_462 : vector<16xi32>
        scf.yield %parallel_loop3A_463 : vector<16xi32>
      } {sc.loop_unroll_factor = 8 : i64, sc.parallel_access}
      %reduce_max3A_291 = arith.constant true
      %reduce_max3A_292 = vector.broadcast %reduce_max3A_291 : i1 to vector<16xi1>
      %reduce_max3A_293 = arith.constant -2147483648 : i32
      %reduce_max3A_294 = vector.broadcast %reduce_max3A_293 : i32 to vector<16xi32>
      %reduce_max3A_295 = arith.xori %parallel_loop3A_290, %reduce_max3A_294 : vector<16xi32>
      %reduce_max3A_296 = tpu.scan <max>, %reduce_max3A_295 masked %reduce_max3A_292 : vector<16xi32>, vector<16xi1> -> vector<16xi32>
      %reduce_max3A_297 = arith.xori %reduce_max3A_296, %reduce_max3A_294 : vector<16xi32>
      %reduce_max3A_298 = vector.extract %reduce_max3A_297[15] : i32 from vector<16xi32>
      %while3A_299 = arith.constant 0 : i32
      %while3A_300 = arith.subi %reduce_max3A_298, %while3A_299 : i32
      %while3A_301 = arith.addi %while3A_299, %while3A_300 : i32
      %while3A_302 = arith.constant 1 : i32
      %while3A_303 = arith.divsi %while3A_300, %while3A_302 : i32
      %while3A_304 = arith.muli %while3A_303, %while3A_302 : i32
      %while3A_305 = arith.addi %while3A_299, %while3A_304 : i32
      %while3A_306 = arith.constant 1 : i32
      %while3A_307:2 = scf.for %while3A_448 = %while3A_299 to %while3A_305 step %while3A_306 iter_args(%while3A_449 = %broadcast_in_dim3A_33, %while3A_450 = %broadcast_in_dim3A_63) -> (vector<16xf32>, vector<16xi32>)  : i32 {
        %broadcast_in_dim3A_451 = vector.broadcast %while3A_448 : i32 to vector<16xi32>
        %add3A_452 = arith.addi %mul3A_40, %broadcast_in_dim3A_451 : vector<16xi32>
        %gather3A_453 = tpu.vector_load_idx %arg20[%add3A_452] : memref<4096xi32, #tpu.memory_space<vmem>>[vector<16xi32>], vector<16xi32>,
        %gather3A_454 = tpu.vector_load_idx %arg18[%gather3A_453] : memref<4096xf32, #tpu.memory_space<vmem>>[vector<16xi32>], vector<16xf32>,
        %lt3A_455 = arith.cmpi slt, %broadcast_in_dim3A_451, %parallel_loop3A_290 : vector<16xi32>
        %jit3A_456 = arith.constant 0x7F800000 : f32
        %broadcast_in_dim3A_457 = vector.broadcast %jit3A_456 : f32 to vector<16xf32>
        %select_n3A_458 = arith.select %lt3A_455, %gather3A_454, %broadcast_in_dim3A_457 : vector<16xi1>, vector<16xf32>
        %masked_sort3A = arith.constant dense<true> : vector<16xi1>
        %masked_sort3A_459, %masked_sort3A_460, %masked_sort3A_461 = tpu.sort %select_n3A_458, %gather3A_453 masked %masked_sort3A : (vector<16xf32>, vector<16xi32>, vector<16xi1>) -> (vector<16xi1>, vector<16xf32>, vector<16xi32>)
        %rev3A = arith.constant 15 : i32
        %rev3A_462 = vector.broadcast %rev3A : i32 to vector<16xi32>
        %rev3A_463 = tpu.iota {dimensions = array<i32: 0>} : vector<16xi32>
        %rev3A_464 = arith.subi %rev3A_462, %rev3A_463 : vector<16xi32>
        %rev3A_465 = tpu.dynamic_gather %masked_sort3A_460[%rev3A_464] in [0] : vector<16xf32>, vector<16xi32> -> vector<16xf32>
        %rev3A_466 = arith.constant 15 : i32
        %rev3A_467 = vector.broadcast %rev3A_466 : i32 to vector<16xi32>
        %rev3A_468 = tpu.iota {dimensions = array<i32: 0>} : vector<16xi32>
        %rev3A_469 = arith.subi %rev3A_467, %rev3A_468 : vector<16xi32>
        %rev3A_470 = tpu.dynamic_gather %masked_sort3A_461[%rev3A_469] in [0] : vector<16xi32>, vector<16xi32> -> vector<16xi32>
        %le3A = arith.cmpf ole, %while3A_449, %rev3A_465 : vector<16xf32>
        %select_n3A_471 = arith.select %le3A, %while3A_449, %rev3A_465 : vector<16xi1>, vector<16xf32>
        %select_n3A_472 = arith.select %le3A, %while3A_450, %rev3A_470 : vector<16xi1>, vector<16xi32>
        %masked_sort3A_473 = arith.constant dense<true> : vector<16xi1>
        %masked_sort3A_474, %masked_sort3A_475, %masked_sort3A_476 = tpu.sort %select_n3A_471, %select_n3A_472 masked %masked_sort3A_473 : (vector<16xf32>, vector<16xi32>, vector<16xi1>) -> (vector<16xi1>, vector<16xf32>, vector<16xi32>)
        scf.yield %masked_sort3A_475, %masked_sort3A_476 : vector<16xf32>, vector<16xi32>
      }
      %while3A_308 = arith.constant 1 : i32
      %while3A_309:2 = scf.for %while3A_448 = %while3A_305 to %while3A_301 step %while3A_308 iter_args(%while3A_449 = %while3A_307#0, %while3A_450 = %while3A_307#1) -> (vector<16xf32>, vector<16xi32>)  : i32 {
        %broadcast_in_dim3A_451 = vector.broadcast %while3A_448 : i32 to vector<16xi32>
        %add3A_452 = arith.addi %mul3A_40, %broadcast_in_dim3A_451 : vector<16xi32>
        %gather3A_453 = tpu.vector_load_idx %arg20[%add3A_452] : memref<4096xi32, #tpu.memory_space<vmem>>[vector<16xi32>], vector<16xi32>,
        %gather3A_454 = tpu.vector_load_idx %arg18[%gather3A_453] : memref<4096xf32, #tpu.memory_space<vmem>>[vector<16xi32>], vector<16xf32>,
        %lt3A_455 = arith.cmpi slt, %broadcast_in_dim3A_451, %parallel_loop3A_290 : vector<16xi32>
        %jit3A_456 = arith.constant 0x7F800000 : f32
        %broadcast_in_dim3A_457 = vector.broadcast %jit3A_456 : f32 to vector<16xf32>
        %select_n3A_458 = arith.select %lt3A_455, %gather3A_454, %broadcast_in_dim3A_457 : vector<16xi1>, vector<16xf32>
        %masked_sort3A = arith.constant dense<true> : vector<16xi1>
        %masked_sort3A_459, %masked_sort3A_460, %masked_sort3A_461 = tpu.sort %select_n3A_458, %gather3A_453 masked %masked_sort3A : (vector<16xf32>, vector<16xi32>, vector<16xi1>) -> (vector<16xi1>, vector<16xf32>, vector<16xi32>)
        %rev3A = arith.constant 15 : i32
        %rev3A_462 = vector.broadcast %rev3A : i32 to vector<16xi32>
        %rev3A_463 = tpu.iota {dimensions = array<i32: 0>} : vector<16xi32>
        %rev3A_464 = arith.subi %rev3A_462, %rev3A_463 : vector<16xi32>
        %rev3A_465 = tpu.dynamic_gather %masked_sort3A_460[%rev3A_464] in [0] : vector<16xf32>, vector<16xi32> -> vector<16xf32>
        %rev3A_466 = arith.constant 15 : i32
        %rev3A_467 = vector.broadcast %rev3A_466 : i32 to vector<16xi32>
        %rev3A_468 = tpu.iota {dimensions = array<i32: 0>} : vector<16xi32>
        %rev3A_469 = arith.subi %rev3A_467, %rev3A_468 : vector<16xi32>
        %rev3A_470 = tpu.dynamic_gather %masked_sort3A_461[%rev3A_469] in [0] : vector<16xi32>, vector<16xi32> -> vector<16xi32>
        %le3A = arith.cmpf ole, %while3A_449, %rev3A_465 : vector<16xf32>
        %select_n3A_471 = arith.select %le3A, %while3A_449, %rev3A_465 : vector<16xi1>, vector<16xf32>
        %select_n3A_472 = arith.select %le3A, %while3A_450, %rev3A_470 : vector<16xi1>, vector<16xi32>
        %masked_sort3A_473 = arith.constant dense<true> : vector<16xi1>
        %masked_sort3A_474, %masked_sort3A_475, %masked_sort3A_476 = tpu.sort %select_n3A_471, %select_n3A_472 masked %masked_sort3A_473 : (vector<16xf32>, vector<16xi32>, vector<16xi1>) -> (vector<16xi1>, vector<16xf32>, vector<16xi32>)
        scf.yield %masked_sort3A_475, %masked_sort3A_476 : vector<16xf32>, vector<16xi32>
      }
      %gather3A_310 = tpu.vector_load_idx %arg9[%broadcast_in_dim3A_63] : memref<4096xf32, #tpu.memory_space<vmem>>[vector<16xi32>], vector<16xf32>,
      %gather3A_311 = tpu.vector_load_idx %arg10[%broadcast_in_dim3A_63] : memref<4096xf32, #tpu.memory_space<vmem>>[vector<16xi32>], vector<16xf32>,
      %gather3A_312 = tpu.vector_load_idx %arg11[%broadcast_in_dim3A_63] : memref<4096xf32, #tpu.memory_space<vmem>>[vector<16xi32>], vector<16xf32>,
      %mul3A_313 = arith.mulf %gather3A_310, %gather3A_310 : vector<16xf32>
      %add3A_314 = arith.addf %while3A_309#0, %mul3A_313 : vector<16xf32>
      %mul3A_315 = arith.mulf %gather3A_311, %gather3A_311 : vector<16xf32>
      %add3A_316 = arith.addf %add3A_314, %mul3A_315 : vector<16xf32>
      %mul3A_317 = arith.mulf %gather3A_312, %gather3A_312 : vector<16xf32>
      %add3A_318 = arith.addf %add3A_316, %mul3A_317 : vector<16xf32>
      %gather3A_319 = tpu.vector_load_idx %arg13[%while3A_309#1] : memref<4096xf32, #tpu.memory_space<vmem>>[vector<16xi32>], vector<16xf32>,
      %gather3A_320 = tpu.vector_load_idx %arg13[%broadcast_in_dim3A_63] : memref<4096xf32, #tpu.memory_space<vmem>>[vector<16xi32>], vector<16xf32>,
      %sub3A_321 = arith.subf %gather3A_319, %gather3A_320 : vector<16xf32>
      %gather3A_322 = tpu.vector_load_idx %arg14[%while3A_309#1] : memref<4096xf32, #tpu.memory_space<vmem>>[vector<16xi32>], vector<16xf32>,
      %gather3A_323 = tpu.vector_load_idx %arg14[%broadcast_in_dim3A_63] : memref<4096xf32, #tpu.memory_space<vmem>>[vector<16xi32>], vector<16xf32>,
      %sub3A_324 = arith.subf %gather3A_322, %gather3A_323 : vector<16xf32>
      %gather3A_325 = tpu.vector_load_idx %arg15[%while3A_309#1] : memref<4096xf32, #tpu.memory_space<vmem>>[vector<16xi32>], vector<16xf32>,
      %gather3A_326 = tpu.vector_load_idx %arg15[%broadcast_in_dim3A_63] : memref<4096xf32, #tpu.memory_space<vmem>>[vector<16xi32>], vector<16xf32>,
      %sub3A_327 = arith.subf %gather3A_325, %gather3A_326 : vector<16xf32>
      %mul3A_328 = arith.mulf %sub3A_321, %sub3A_321 : vector<16xf32>
      %mul3A_329 = arith.mulf %sub3A_324, %sub3A_324 : vector<16xf32>
      %add3A_330 = arith.addf %mul3A_328, %mul3A_329 : vector<16xf32>
      %mul3A_331 = arith.mulf %sub3A_327, %sub3A_327 : vector<16xf32>
      %add3A_332 = arith.addf %add3A_330, %mul3A_331 : vector<16xf32>
      %div3A_333 = arith.divf %add3A_332, %add3A_318 : vector<16xf32>
      %bitcast_convert_type3A_334 = tpu.bitcast %div3A_333 : vector<16xf32> -> vector<16xi32>
      %broadcast_in_dim3A_335 = arith.constant 532487669 : i32
      %broadcast_in_dim3A_336 = vector.broadcast %broadcast_in_dim3A_335 : i32 to vector<16xi32>
      %shift_right_logical3A_337 = arith.constant 1 : i32
      %shift_right_logical3A_338 = vector.broadcast %shift_right_logical3A_337 : i32 to vector<16xi32>
      %shift_right_logical3A_339 = arith.shrui %bitcast_convert_type3A_334, %shift_right_logical3A_338 : vector<16xi32>
      %add3A_340 = arith.addi %broadcast_in_dim3A_336, %shift_right_logical3A_339 : vector<16xi32>
      %bitcast_convert_type3A_341 = tpu.bitcast %add3A_340 : vector<16xi32> -> vector<16xf32>
      %div3A_342 = arith.divf %div3A_333, %bitcast_convert_type3A_341 : vector<16xf32>
      %add3A_343 = arith.addf %bitcast_convert_type3A_341, %div3A_342 : vector<16xf32>
      %mul3A_344 = arith.constant 5.000000e-01 : f32
      %mul3A_345 = vector.broadcast %mul3A_344 : f32 to vector<16xf32>
      %mul3A_346 = arith.mulf %mul3A_345, %add3A_343 : vector<16xf32>
      %div3A_347 = arith.divf %div3A_333, %mul3A_346 : vector<16xf32>
      %add3A_348 = arith.addf %mul3A_346, %div3A_347 : vector<16xf32>
      %mul3A_349 = arith.constant 5.000000e-01 : f32
      %mul3A_350 = vector.broadcast %mul3A_349 : f32 to vector<16xf32>
      %mul3A_351 = arith.mulf %mul3A_350, %add3A_348 : vector<16xf32>
      %div3A_352 = arith.divf %div3A_333, %mul3A_351 : vector<16xf32>
      %add3A_353 = arith.addf %mul3A_351, %div3A_352 : vector<16xf32>
      %mul3A_354 = arith.constant 5.000000e-01 : f32
      %mul3A_355 = vector.broadcast %mul3A_354 : f32 to vector<16xf32>
      %mul3A_356 = arith.mulf %mul3A_355, %add3A_353 : vector<16xf32>
      %sub3A_357 = arith.constant 1.000000e+00 : f32
      %sub3A_358 = vector.broadcast %sub3A_357 : f32 to vector<16xf32>
      %sub3A_359 = arith.subf %mul3A_356, %sub3A_358 : vector<16xf32>
      %max3A_360 = arith.constant 0.000000e+00 : f32
      %max3A_361 = vector.broadcast %max3A_360 : f32 to vector<16xf32>
      %max3A_362 = arith.maximumf %sub3A_359, %max3A_361 : vector<16xf32>
      %add3A_363 = arith.addf %add3A_279, %max3A_362 : vector<16xf32>
      %reduce_max3A_364 = arith.constant true
      %reduce_max3A_365 = vector.broadcast %reduce_max3A_364 : i1 to vector<16xi1>
      %reduce_max3A_366 = tpu.scan <max>, %parallel_loop3A_116#3 masked %reduce_max3A_365 : vector<16xf32>, vector<16xi1> -> vector<16xf32>
      %reduce_max3A_367 = vector.extract %reduce_max3A_366[15] : f32 from vector<16xf32>
      %broadcast_in_dim3A_368 = vector.broadcast %reduce_max3A_367 : f32 to vector<16xf32>
      %broadcast_in_dim3A_369 = arith.constant 0 : i32
      %broadcast_in_dim3A_370 = vector.broadcast %broadcast_in_dim3A_369 : i32 to vector<16xi32>
      %parallel_loop3A_371 = arith.constant 0 : i32
      %parallel_loop3A_372 = arith.constant 256 : i32
      %parallel_loop3A_373 = arith.constant 1 : i32
      %parallel_loop3A_374 = scf.for %parallel_loop3A_448 = %parallel_loop3A_371 to %parallel_loop3A_372 step %parallel_loop3A_373 iter_args(%parallel_loop3A_449 = %broadcast_in_dim3A_370) -> (vector<16xi32>)  : i32 {
        %parallel_loop3A_450 = arith.constant 16 : i32
        %parallel_loop3A_451 = arith.muli %parallel_loop3A_448, %parallel_loop3A_450 : i32
        %parallel_loop3A_452 = arith.index_cast %parallel_loop3A_451 : i32 to index
        %parallel_loop3A_453 = tpu.vector_load %arg19[%parallel_loop3A_452] {strides = array<i32>} : memref<4096xf32, #tpu.memory_space<vmem>>, vector<16xf32>,
        %parallel_loop3A_454 = arith.cmpf ole, %parallel_loop3A_453, %broadcast_in_dim3A_368 : vector<16xf32>
        %parallel_loop3A_455 = arith.index_cast %parallel_loop3A_451 : i32 to index
        %parallel_loop3A_456 = tpu.vector_load %arg21[%parallel_loop3A_455] {strides = array<i32>} : memref<4096xi32, #tpu.memory_space<vmem>>, vector<16xi32>,
        %parallel_loop3A_457 = arith.addi %mul3A_40, %parallel_loop3A_449 : vector<16xi32>
        tpu.vector_store_idx %arg20[%parallel_loop3A_457], %parallel_loop3A_456 masked %parallel_loop3A_454 : memref<4096xi32, #tpu.memory_space<vmem>>[vector<16xi32>], vector<16xi32>, vector<16xi1>
        %parallel_loop3A_458 = arith.constant 1 : i32
        %parallel_loop3A_459 = arith.constant 0 : i32
        %parallel_loop3A_460 = vector.broadcast %parallel_loop3A_458 : i32 to vector<16xi32>
        %parallel_loop3A_461 = vector.broadcast %parallel_loop3A_459 : i32 to vector<16xi32>
        %parallel_loop3A_462 = arith.select %parallel_loop3A_454, %parallel_loop3A_460, %parallel_loop3A_461 : vector<16xi1>, vector<16xi32>
        %parallel_loop3A_463 = arith.addi %parallel_loop3A_449, %parallel_loop3A_462 : vector<16xi32>
        scf.yield %parallel_loop3A_463 : vector<16xi32>
      } {sc.loop_unroll_factor = 8 : i64, sc.parallel_access}
      %reduce_max3A_375 = arith.constant true
      %reduce_max3A_376 = vector.broadcast %reduce_max3A_375 : i1 to vector<16xi1>
      %reduce_max3A_377 = arith.constant -2147483648 : i32
      %reduce_max3A_378 = vector.broadcast %reduce_max3A_377 : i32 to vector<16xi32>
      %reduce_max3A_379 = arith.xori %parallel_loop3A_374, %reduce_max3A_378 : vector<16xi32>
      %reduce_max3A_380 = tpu.scan <max>, %reduce_max3A_379 masked %reduce_max3A_376 : vector<16xi32>, vector<16xi1> -> vector<16xi32>
      %reduce_max3A_381 = arith.xori %reduce_max3A_380, %reduce_max3A_378 : vector<16xi32>
      %reduce_max3A_382 = vector.extract %reduce_max3A_381[15] : i32 from vector<16xi32>
      %while3A_383 = arith.constant 0 : i32
      %while3A_384 = arith.subi %reduce_max3A_382, %while3A_383 : i32
      %while3A_385 = arith.addi %while3A_383, %while3A_384 : i32
      %while3A_386 = arith.constant 1 : i32
      %while3A_387 = arith.divsi %while3A_384, %while3A_386 : i32
      %while3A_388 = arith.muli %while3A_387, %while3A_386 : i32
      %while3A_389 = arith.addi %while3A_383, %while3A_388 : i32
      %while3A_390 = arith.constant 1 : i32
      %while3A_391:2 = scf.for %while3A_448 = %while3A_383 to %while3A_389 step %while3A_390 iter_args(%while3A_449 = %broadcast_in_dim3A_33, %while3A_450 = %broadcast_in_dim3A_66) -> (vector<16xf32>, vector<16xi32>)  : i32 {
        %broadcast_in_dim3A_451 = vector.broadcast %while3A_448 : i32 to vector<16xi32>
        %add3A_452 = arith.addi %mul3A_40, %broadcast_in_dim3A_451 : vector<16xi32>
        %gather3A_453 = tpu.vector_load_idx %arg20[%add3A_452] : memref<4096xi32, #tpu.memory_space<vmem>>[vector<16xi32>], vector<16xi32>,
        %gather3A_454 = tpu.vector_load_idx %arg19[%gather3A_453] : memref<4096xf32, #tpu.memory_space<vmem>>[vector<16xi32>], vector<16xf32>,
        %lt3A_455 = arith.cmpi slt, %broadcast_in_dim3A_451, %parallel_loop3A_374 : vector<16xi32>
        %jit3A_456 = arith.constant 0x7F800000 : f32
        %broadcast_in_dim3A_457 = vector.broadcast %jit3A_456 : f32 to vector<16xf32>
        %select_n3A_458 = arith.select %lt3A_455, %gather3A_454, %broadcast_in_dim3A_457 : vector<16xi1>, vector<16xf32>
        %masked_sort3A = arith.constant dense<true> : vector<16xi1>
        %masked_sort3A_459, %masked_sort3A_460, %masked_sort3A_461 = tpu.sort %select_n3A_458, %gather3A_453 masked %masked_sort3A : (vector<16xf32>, vector<16xi32>, vector<16xi1>) -> (vector<16xi1>, vector<16xf32>, vector<16xi32>)
        %rev3A = arith.constant 15 : i32
        %rev3A_462 = vector.broadcast %rev3A : i32 to vector<16xi32>
        %rev3A_463 = tpu.iota {dimensions = array<i32: 0>} : vector<16xi32>
        %rev3A_464 = arith.subi %rev3A_462, %rev3A_463 : vector<16xi32>
        %rev3A_465 = tpu.dynamic_gather %masked_sort3A_460[%rev3A_464] in [0] : vector<16xf32>, vector<16xi32> -> vector<16xf32>
        %rev3A_466 = arith.constant 15 : i32
        %rev3A_467 = vector.broadcast %rev3A_466 : i32 to vector<16xi32>
        %rev3A_468 = tpu.iota {dimensions = array<i32: 0>} : vector<16xi32>
        %rev3A_469 = arith.subi %rev3A_467, %rev3A_468 : vector<16xi32>
        %rev3A_470 = tpu.dynamic_gather %masked_sort3A_461[%rev3A_469] in [0] : vector<16xi32>, vector<16xi32> -> vector<16xi32>
        %le3A = arith.cmpf ole, %while3A_449, %rev3A_465 : vector<16xf32>
        %select_n3A_471 = arith.select %le3A, %while3A_449, %rev3A_465 : vector<16xi1>, vector<16xf32>
        %select_n3A_472 = arith.select %le3A, %while3A_450, %rev3A_470 : vector<16xi1>, vector<16xi32>
        %masked_sort3A_473 = arith.constant dense<true> : vector<16xi1>
        %masked_sort3A_474, %masked_sort3A_475, %masked_sort3A_476 = tpu.sort %select_n3A_471, %select_n3A_472 masked %masked_sort3A_473 : (vector<16xf32>, vector<16xi32>, vector<16xi1>) -> (vector<16xi1>, vector<16xf32>, vector<16xi32>)
        scf.yield %masked_sort3A_475, %masked_sort3A_476 : vector<16xf32>, vector<16xi32>
      }
      %while3A_392 = arith.constant 1 : i32
      %while3A_393:2 = scf.for %while3A_448 = %while3A_389 to %while3A_385 step %while3A_392 iter_args(%while3A_449 = %while3A_391#0, %while3A_450 = %while3A_391#1) -> (vector<16xf32>, vector<16xi32>)  : i32 {
        %broadcast_in_dim3A_451 = vector.broadcast %while3A_448 : i32 to vector<16xi32>
        %add3A_452 = arith.addi %mul3A_40, %broadcast_in_dim3A_451 : vector<16xi32>
        %gather3A_453 = tpu.vector_load_idx %arg20[%add3A_452] : memref<4096xi32, #tpu.memory_space<vmem>>[vector<16xi32>], vector<16xi32>,
        %gather3A_454 = tpu.vector_load_idx %arg19[%gather3A_453] : memref<4096xf32, #tpu.memory_space<vmem>>[vector<16xi32>], vector<16xf32>,
        %lt3A_455 = arith.cmpi slt, %broadcast_in_dim3A_451, %parallel_loop3A_374 : vector<16xi32>
        %jit3A_456 = arith.constant 0x7F800000 : f32
        %broadcast_in_dim3A_457 = vector.broadcast %jit3A_456 : f32 to vector<16xf32>
        %select_n3A_458 = arith.select %lt3A_455, %gather3A_454, %broadcast_in_dim3A_457 : vector<16xi1>, vector<16xf32>
        %masked_sort3A = arith.constant dense<true> : vector<16xi1>
        %masked_sort3A_459, %masked_sort3A_460, %masked_sort3A_461 = tpu.sort %select_n3A_458, %gather3A_453 masked %masked_sort3A : (vector<16xf32>, vector<16xi32>, vector<16xi1>) -> (vector<16xi1>, vector<16xf32>, vector<16xi32>)
        %rev3A = arith.constant 15 : i32
        %rev3A_462 = vector.broadcast %rev3A : i32 to vector<16xi32>
        %rev3A_463 = tpu.iota {dimensions = array<i32: 0>} : vector<16xi32>
        %rev3A_464 = arith.subi %rev3A_462, %rev3A_463 : vector<16xi32>
        %rev3A_465 = tpu.dynamic_gather %masked_sort3A_460[%rev3A_464] in [0] : vector<16xf32>, vector<16xi32> -> vector<16xf32>
        %rev3A_466 = arith.constant 15 : i32
        %rev3A_467 = vector.broadcast %rev3A_466 : i32 to vector<16xi32>
        %rev3A_468 = tpu.iota {dimensions = array<i32: 0>} : vector<16xi32>
        %rev3A_469 = arith.subi %rev3A_467, %rev3A_468 : vector<16xi32>
        %rev3A_470 = tpu.dynamic_gather %masked_sort3A_461[%rev3A_469] in [0] : vector<16xi32>, vector<16xi32> -> vector<16xi32>
        %le3A = arith.cmpf ole, %while3A_449, %rev3A_465 : vector<16xf32>
        %select_n3A_471 = arith.select %le3A, %while3A_449, %rev3A_465 : vector<16xi1>, vector<16xf32>
        %select_n3A_472 = arith.select %le3A, %while3A_450, %rev3A_470 : vector<16xi1>, vector<16xi32>
        %masked_sort3A_473 = arith.constant dense<true> : vector<16xi1>
        %masked_sort3A_474, %masked_sort3A_475, %masked_sort3A_476 = tpu.sort %select_n3A_471, %select_n3A_472 masked %masked_sort3A_473 : (vector<16xf32>, vector<16xi32>, vector<16xi1>) -> (vector<16xi1>, vector<16xf32>, vector<16xi32>)
        scf.yield %masked_sort3A_475, %masked_sort3A_476 : vector<16xf32>, vector<16xi32>
      }
      %gather3A_394 = tpu.vector_load_idx %arg9[%broadcast_in_dim3A_66] : memref<4096xf32, #tpu.memory_space<vmem>>[vector<16xi32>], vector<16xf32>,
      %gather3A_395 = tpu.vector_load_idx %arg10[%broadcast_in_dim3A_66] : memref<4096xf32, #tpu.memory_space<vmem>>[vector<16xi32>], vector<16xf32>,
      %gather3A_396 = tpu.vector_load_idx %arg11[%broadcast_in_dim3A_66] : memref<4096xf32, #tpu.memory_space<vmem>>[vector<16xi32>], vector<16xf32>,
      %mul3A_397 = arith.mulf %gather3A_394, %gather3A_394 : vector<16xf32>
      %add3A_398 = arith.addf %while3A_393#0, %mul3A_397 : vector<16xf32>
      %mul3A_399 = arith.mulf %gather3A_395, %gather3A_395 : vector<16xf32>
      %add3A_400 = arith.addf %add3A_398, %mul3A_399 : vector<16xf32>
      %mul3A_401 = arith.mulf %gather3A_396, %gather3A_396 : vector<16xf32>
      %add3A_402 = arith.addf %add3A_400, %mul3A_401 : vector<16xf32>
      %gather3A_403 = tpu.vector_load_idx %arg13[%while3A_393#1] : memref<4096xf32, #tpu.memory_space<vmem>>[vector<16xi32>], vector<16xf32>,
      %gather3A_404 = tpu.vector_load_idx %arg13[%broadcast_in_dim3A_66] : memref<4096xf32, #tpu.memory_space<vmem>>[vector<16xi32>], vector<16xf32>,
      %sub3A_405 = arith.subf %gather3A_403, %gather3A_404 : vector<16xf32>
      %gather3A_406 = tpu.vector_load_idx %arg14[%while3A_393#1] : memref<4096xf32, #tpu.memory_space<vmem>>[vector<16xi32>], vector<16xf32>,
      %gather3A_407 = tpu.vector_load_idx %arg14[%broadcast_in_dim3A_66] : memref<4096xf32, #tpu.memory_space<vmem>>[vector<16xi32>], vector<16xf32>,
      %sub3A_408 = arith.subf %gather3A_406, %gather3A_407 : vector<16xf32>
      %gather3A_409 = tpu.vector_load_idx %arg15[%while3A_393#1] : memref<4096xf32, #tpu.memory_space<vmem>>[vector<16xi32>], vector<16xf32>,
      %gather3A_410 = tpu.vector_load_idx %arg15[%broadcast_in_dim3A_66] : memref<4096xf32, #tpu.memory_space<vmem>>[vector<16xi32>], vector<16xf32>,
      %sub3A_411 = arith.subf %gather3A_409, %gather3A_410 : vector<16xf32>
      %mul3A_412 = arith.mulf %sub3A_405, %sub3A_405 : vector<16xf32>
      %mul3A_413 = arith.mulf %sub3A_408, %sub3A_408 : vector<16xf32>
      %add3A_414 = arith.addf %mul3A_412, %mul3A_413 : vector<16xf32>
      %mul3A_415 = arith.mulf %sub3A_411, %sub3A_411 : vector<16xf32>
      %add3A_416 = arith.addf %add3A_414, %mul3A_415 : vector<16xf32>
      %div3A_417 = arith.divf %add3A_416, %add3A_402 : vector<16xf32>
      %bitcast_convert_type3A_418 = tpu.bitcast %div3A_417 : vector<16xf32> -> vector<16xi32>
      %broadcast_in_dim3A_419 = arith.constant 532487669 : i32
      %broadcast_in_dim3A_420 = vector.broadcast %broadcast_in_dim3A_419 : i32 to vector<16xi32>
      %shift_right_logical3A_421 = arith.constant 1 : i32
      %shift_right_logical3A_422 = vector.broadcast %shift_right_logical3A_421 : i32 to vector<16xi32>
      %shift_right_logical3A_423 = arith.shrui %bitcast_convert_type3A_418, %shift_right_logical3A_422 : vector<16xi32>
      %add3A_424 = arith.addi %broadcast_in_dim3A_420, %shift_right_logical3A_423 : vector<16xi32>
      %bitcast_convert_type3A_425 = tpu.bitcast %add3A_424 : vector<16xi32> -> vector<16xf32>
      %div3A_426 = arith.divf %div3A_417, %bitcast_convert_type3A_425 : vector<16xf32>
      %add3A_427 = arith.addf %bitcast_convert_type3A_425, %div3A_426 : vector<16xf32>
      %mul3A_428 = arith.constant 5.000000e-01 : f32
      %mul3A_429 = vector.broadcast %mul3A_428 : f32 to vector<16xf32>
      %mul3A_430 = arith.mulf %mul3A_429, %add3A_427 : vector<16xf32>
      %div3A_431 = arith.divf %div3A_417, %mul3A_430 : vector<16xf32>
      %add3A_432 = arith.addf %mul3A_430, %div3A_431 : vector<16xf32>
      %mul3A_433 = arith.constant 5.000000e-01 : f32
      %mul3A_434 = vector.broadcast %mul3A_433 : f32 to vector<16xf32>
      %mul3A_435 = arith.mulf %mul3A_434, %add3A_432 : vector<16xf32>
      %div3A_436 = arith.divf %div3A_417, %mul3A_435 : vector<16xf32>
      %add3A_437 = arith.addf %mul3A_435, %div3A_436 : vector<16xf32>
      %mul3A_438 = arith.constant 5.000000e-01 : f32
      %mul3A_439 = vector.broadcast %mul3A_438 : f32 to vector<16xf32>
      %mul3A_440 = arith.mulf %mul3A_439, %add3A_437 : vector<16xf32>
      %sub3A_441 = arith.constant 1.000000e+00 : f32
      %sub3A_442 = vector.broadcast %sub3A_441 : f32 to vector<16xf32>
      %sub3A_443 = arith.subf %mul3A_440, %sub3A_442 : vector<16xf32>
      %max3A_444 = arith.constant 0.000000e+00 : f32
      %max3A_445 = vector.broadcast %max3A_444 : f32 to vector<16xf32>
      %max3A_446 = arith.maximumf %sub3A_443, %max3A_445 : vector<16xf32>
      %add3A_447 = arith.addf %add3A_363, %max3A_446 : vector<16xf32>
      scf.yield %add3A_447 : vector<16xf32>
    }
    %scan3A_48 = arith.constant 128 : i32
    %swap3A = arith.constant 0 : index
    %swap3A_49 = tpu.vector_load %arg22[%swap3A] {strides = array<i32>} : memref<16xf32, #tpu.memory_space<vmem>>, vector<16xf32>,
    tpu.vector_store %arg22[%swap3A], %scan3A_47 {strides = array<i32>} : memref<16xf32, #tpu.memory_space<vmem>>, vector<16xf32>,
    "tpu.region"() ({
      %run_scoped3A = tpu.sem_alloc : memref<!tpu.dma_semaphore, #tpu.memory_space<semaphore_mem>>
      %dma_start3A = arith.constant 0 : i32
      %dma_start3A_50 = tpu.memref_slice %arg8[%add3A, %dma_start3A] : memref<32x16xf32, #tpu.memory_space<hbm>> -> memref<1x16xf32, #tpu.memory_space<hbm>>
      %dma_start3A_51 = tpu.memref_squeeze %dma_start3A_50 : memref<1x16xf32, #tpu.memory_space<hbm>> -> memref<16xf32, #tpu.memory_space<hbm>>
      %dma_start3A_52 = arith.constant 0 : i32
      %dma_start3A_53 = tpu.memref_slice %arg8[%add3A, %dma_start3A_52] : memref<32x16xf32, #tpu.memory_space<hbm>> -> memref<1x16xf32, #tpu.memory_space<hbm>>
      %dma_start3A_54 = tpu.memref_squeeze %dma_start3A_53 : memref<1x16xf32, #tpu.memory_space<hbm>> -> memref<16xf32, #tpu.memory_space<hbm>>
      tpu.enqueue_dma source(%arg22 : memref<16xf32, #tpu.memory_space<vmem>>) target(%dma_start3A_54 : memref<16xf32, #tpu.memory_space<hbm>>) target_semaphore(%run_scoped3A : memref<!tpu.dma_semaphore, #tpu.memory_space<semaphore_mem>>)
      %dma_wait3A = arith.constant 0 : i32
      %dma_wait3A_55 = tpu.memref_slice %arg8[%add3A, %dma_wait3A] : memref<32x16xf32, #tpu.memory_space<hbm>> -> memref<1x16xf32, #tpu.memory_space<hbm>>
      %dma_wait3A_56 = tpu.memref_squeeze %dma_wait3A_55 : memref<1x16xf32, #tpu.memory_space<hbm>> -> memref<16xf32, #tpu.memory_space<hbm>>
      %dma_wait3A_57 = arith.constant 0 : i32
      %dma_wait3A_58 = tpu.memref_slice %arg8[%add3A, %dma_wait3A_57] : memref<32x16xf32, #tpu.memory_space<hbm>> -> memref<1x16xf32, #tpu.memory_space<hbm>>
      %dma_wait3A_59 = tpu.memref_squeeze %dma_wait3A_58 : memref<1x16xf32, #tpu.memory_space<hbm>> -> memref<16xf32, #tpu.memory_space<hbm>>
      tpu.wait_dma2 semaphore(%run_scoped3A : memref<!tpu.dma_semaphore, #tpu.memory_space<semaphore_mem>>) src(%arg22 : memref<16xf32, #tpu.memory_space<vmem>>) dst(%dma_wait3A_59 : memref<16xf32, #tpu.memory_space<hbm>>)
      tpu.yield
    }) : () -> ()
    return
  }
}

</mosaic_0001>

<sc_bundles>
// kernel: kernel.3.cloned.1.call-start
scs
__scs_entry_jumppad:
0x0: {  	(pc) =	sbr.rel $0x88, $3  }
0x1: {  	(tag) =	ssettag $0x0;
	lr =	simm.s32 $0x1  }
0x2: {  	[smem:$0x3F9F] =	sst lr;
	_ =	strace $0xD0000000  }
0x3: {  	_ = 	snop  }
0x4: {  	_ = 	snop  }
0x5: {  	_ = 	snop  }
0x6: {  	_ = 	snop  }
0x7: {  	_ = 	snop  }
__scs_overlays_trampoline_lowered:
0x8: {  	[smem:$0x3FAE] =	sst s0  }
0x9: {  	[smem:$0x3FAF] =	sst s1  }
0xa: {  	[smem:$0x3FB0] =	sst s2  }
0xb: {  	[smem:$0x3FB1] =	sst s3  }
0xc: {  	[smem:$0x3FB2] =	sst s4  }
0xd: {  	[smem:$0x3FB3] =	sst s5  }
0xe: {  	[smem:$0x3FB4] =	sst s6  }
0xf: {  	[smem:$0x3FB5] =	sst s7  }
0x10: {  	[smem:$0x3FB6] =	sst s8  }
0x11: {  	[smem:$0x3FB7] =	sst s9;
	s0 =	simm.s32 @!p0 $0x0  }
0x12: {  	s1 =	sld [smem:$0x3F9D];
	s0 =	simm.s32 @p0 $0x1  }
0x13: {  	[smem:$0x3FB8] =	sst s0;
	s0 =	simm.s32 @!p1 $0x0  }
0x14: {  	s2 =	sld [smem:$0x3F9C];
	s0 =	simm.s32 @p1 $0x1  }
0x15: {  	[smem:$0x3FB9] =	sst s0;
	s0 =	simm.s32 @!p2 $0x0  }
0x16: {  	s3 =	sld [smem:$0x3FDB];
	s0 =	simm.s32 @p2 $0x1  }
0x17: {  	s4 =	simm.s32 $0x1BF5;
	[smem:$0x3FBB] =	sst s0  }
0x18: {  	s0 =	sld [smem:$0x3F9E];
	_ =	swait.ge [sflag:s4], $0x0  }
0x19: {  	s7 =	sld [smem:$0x3F9F]  }
0x1a: {  	s8 =	sadd.s32 $0xFFFFE003, lr  }
0x1b: {  	s9 =	sadd.s32 $0xFFFFFEF7, lr;
	s5 =	simm.s32 $0xFFFFFFFF;
	p2 =	slt.u32 s8, $0xFFFFF086  }
0x1c: {  	p1 =	slt.u32 s9, $0xF7A;
	s5 =	simm.s32 @!p2 $0x0  }
0x1d: {  	s5 =	simm.s32 @p1 $0x1;
	p0 =	seq.s32 s7, s2  }
0x1e: {  	s7 =	smul.u32 @!p0 $0xF7A, s2;
	p2 =	seq.s32 @!p0 s5, $0x0  }
0x1f: {  	s9 =	smul.u32 $0xF7A, s1;
	s8 =	simm.s32 @!p0 $0x1BF5;
	p2 =	por !p2, p0  }
0x20: {  	[sflag:s8] =	ssyncset.s32 @!p0 $0xFFFFF086;
	s6 =	sadd.s32 @!p0 s3, s7;
	s7 =	simm.s32 @!p0 $0x108  }
0x21: {  	s3 =	sadd.s32 s3, s9;
	s6 =	sadd.s32 @!p0 $0x88, s6;
	s7 =	simm.s32 @p2 $0x1082  }
0x22: {  	[simem:s7], [sflag:s8] =	dma.local @!p0 [hbm:s6], $0xF7A  }
0x23: {  	s9 =	sor.u32 $0xD0000000, s2;
	s6 =	simm.s32 $0x108;
	_ =	swait.ge @!p0 [sflag:s8], $0x0  }
0x24: {  	s3 =	sadd.s32 $0x88, s3;
	s6 =	simm.s32 @!p1 $0x1082;
	[sflag:s4] =	ssyncset.s32 $0xFFFFF086  }
0x25: {  	[simem:s6], [sflag:s4] =	dma.local [hbm:s3], $0xF7A  }
0x26: {  	[smem:$0x3F9F] =	sst s1;
	(tag) =	ssettag s2;
	_ =	strace s9  }
0x27: {  	s1 =	sld [smem:$0x3FAF]  }
0x28: {  	s2 =	sld [smem:$0x3FB0]  }
0x29: {  	s4 =	sld [smem:$0x3FB2]  }
0x2a: {  	p0 =	seq.s32 s5, $0x0;
	s5 =	sld [smem:$0x3FB3]  }
0x2b: {  	s6 =	sld [smem:$0x3FB4]  }
0x2c: {  	s7 =	sld [smem:$0x3FB5]  }
0x2d: {  	s3 =	simm.s32 $0x108;
	s8 =	sld [smem:$0x3FB6]  }
0x2e: {  	s3 =	simm.s32 @!p0 $0x1082;
	s9 =	sld [smem:$0x3FB7]  }
0x2f: {  	lr =	sadd.s32 s0, s3;
	s0 =	sld [smem:$0x3FAE]  }
0x30: {  	s3 =	sld [smem:$0x3FB1]  }
0x31: {  	[smem:$0x3FBA] =	sst s10  }
0x32: {  	s10 =	sld [smem:$0x3FB8];
	_ =	sdelay $0x3  }
0x33: {  	p0 =	seq.s32 s10, $0x1;
	s10 =	sld [smem:$0x3FBA];
	_ =	sdelay $0x3  }
0x34: {  	[smem:$0x3FBA] =	sst s10  }
0x35: {  	s10 =	sld [smem:$0x3FB9];
	_ =	sdelay $0x3  }
0x36: {  	p1 =	seq.s32 s10, $0x1;
	s10 =	sld [smem:$0x3FBA];
	_ =	sdelay $0x3  }
0x37: {  	[smem:$0x3FBA] =	sst s10  }
0x38: {  	s10 =	sld [smem:$0x3FBB]  }
0x39: {  	_ = 	snop;
	(pc) =	sbr.ind lr, $3  }
0x3a: {  	_ = 	snop  }
0x3b: {  	_ = 	snop  }
0x3c: {  	p2 =	seq.s32 s10, $0x1;
	s10 =	sld [smem:$0x3FBA]  }
0x3d: {  	_ =	shalt  }
0x3e: {  	_ =	shalt  }
0x3f: {  	_ =	shalt  }
0x40: {  	_ =	shalt  }
0x41: {  	_ =	shalt  }
0x42: {  	_ =	shalt  }
0x43: {  	_ =	shalt  }
0x44: {  	_ =	shalt  }
0x45: {  	_ =	shalt  }
0x46: {  	_ =	shalt  }
0x47: {  	_ =	shalt  }
0x48: {  	_ =	shalt  }
0x49: {  	_ =	shalt  }
0x4a: {  	_ =	shalt  }
0x4b: {  	_ =	shalt  }
0x4c: {  	_ =	shalt  }
0x4d: {  	_ =	shalt  }
0x4e: {  	_ =	shalt  }
0x4f: {  	_ =	shalt  }
0x50: {  	_ =	shalt  }
0x51: {  	_ =	shalt  }
0x52: {  	_ =	shalt  }
0x53: {  	_ =	shalt  }
0x54: {  	_ =	shalt  }
0x55: {  	_ =	shalt  }
0x56: {  	_ =	shalt  }
0x57: {  	_ =	shalt  }
0x58: {  	_ =	shalt  }
0x59: {  	_ =	shalt  }
0x5a: {  	_ =	shalt  }
0x5b: {  	_ =	shalt  }
0x5c: {  	_ =	shalt  }
0x5d: {  	_ =	shalt  }
0x5e: {  	_ =	shalt  }
0x5f: {  	_ =	shalt  }
0x60: {  	_ =	shalt  }
0x61: {  	_ =	shalt  }
0x62: {  	_ =	shalt  }
0x63: {  	_ =	shalt  }
0x64: {  	_ =	shalt  }
0x65: {  	_ =	shalt  }
0x66: {  	_ =	shalt  }
0x67: {  	_ =	shalt  }
0x68: {  	_ =	shalt  }
0x69: {  	_ =	shalt  }
0x6a: {  	_ =	shalt  }
0x6b: {  	_ =	shalt  }
0x6c: {  	_ =	shalt  }
0x6d: {  	_ =	shalt  }
0x6e: {  	_ =	shalt  }
0x6f: {  	_ =	shalt  }
0x70: {  	_ =	shalt  }
0x71: {  	_ =	shalt  }
0x72: {  	_ =	shalt  }
0x73: {  	_ =	shalt  }
0x74: {  	_ =	shalt  }
0x75: {  	_ =	shalt  }
0x76: {  	_ =	shalt  }
0x77: {  	_ =	shalt  }
0x78: {  	_ =	shalt  }
0x79: {  	_ =	shalt  }
0x7a: {  	_ =	shalt  }
0x7b: {  	_ =	shalt  }
0x7c: {  	_ =	shalt  }
0x7d: {  	_ =	shalt  }
0x7e: {  	_ =	shalt  }
0x7f: {  	_ =	shalt  }
0x80: {  	_ =	shalt  }
0x81: {  	_ =	shalt  }
0x82: {  	_ =	shalt  }
0x83: {  	_ =	shalt  }
0x84: {  	_ =	shalt  }
0x85: {  	_ =	shalt  }
0x86: {  	_ =	shalt  }
0x87: {  	_ =	shalt  }
.Lfunc_end0:
.L_simem_size_0:
called_computation_lowered:
.L_overlay_start_0:
0x88: {  	s2 =	sld [smem:$0x3FD9]  }
0x89: {  	s3 =	sld [smem:$0x3FFE];
	_ =	sdelay $0x1  }
0x8a: {  	s1 =	srdreg.scid  }
0x8b: {  	s0 =	sand.u32 $0x1, s1  }
0x8c: {  	s16 =	sshll.u32 s0, $0xA;
	s2 =	sadd.s32 s3, s2  }
0x8d: {  	s2 =	sadd.s32 s2, s16  }
0x8e: {  	[smem:$0x3FC6] =	sst s2  }
0x8f: {  	_ = 	snop  }
0x90: {  	(tm) =	ssettm $0x1  }
0x91: {  	s17 =	sld [smem:$0x3FFB];
	_ =	sdelay $0x3  }
0x92: {  	_ =	strace s17  }
0x93: {  	s2 =	sld [smem:$0x3FFC];
	_ =	sdelay $0x3  }
0x94: {  	_ =	strace s2  }
0x95: {  	s2 =	sld [smem:$0x3FFD];
	_ =	sdelay $0x3  }
0x96: {  	_ =	strace s2  }
0x97: {  	_ =	strace $0x8FFFFFFF  }
0x98: {  	s18 =	sld [smem:$0x3FDB];
	_ =	sdelay $0x1  }
0x99: {  	s19 =	simm.s32 $_scs_section_size  }
0x9a: {  	s4 =	simm.s32 $_size__tile_overlayer_lowered;
	s5 =	simm.s32 $_tile_overlayer_lowered  }
0x9b: {  	s22 =	simm.s32 $0x1BFF;
	s21 =	sshll.u32 s5, $0x1;
	s2 =	sadd.s32 s19, s18  }
0x9c: {  	s6 =	simm.s32 $0x0;
	s20 =	sshll.u32 s4, $0x1;
	s4 =	sadd.s32 s21, s2  }
0x9d: {  	[timem:s6], [sflag:s22] =	dma.local [hbm:s4], s20  }
0x9e: {  	_ =	swait.ge [sflag:s22], s20  }
0x9f: {  	s3 =	ssub.s32 $0x0, s20;
	[sflag:s22] =	ssyncset.done $0x0  }
0xa0: {  	[sflag:s22] =	ssyncadd.s32 s3;
	_ =	sdelay $0x1  }
0xa1: {  	s23 =	simm.s32 $0x1B8B  }
0xa2: {  	_ =	swait.ge [sflag:s23], $0x1  }
0xa3: {  	[sflag:s23] =	ssyncset.done $0x0  }
0xa4: {  	s25 =	simm.s32 $0x1B8E;
	s24 =	sld [smem:$0x3FFE];
	[sflag:s23] =	ssyncadd.s32 $0xFFFFFFFF  }
0xa5: {  	s26 =	simm.s32 $execute0_lowered;
	[smem:$0x3FD2] =	sst s25  }
0xa6: {  	s4 =	sshll.u32 s26, $0x1;
	_ =	strace $0x80000046;
	[dreg:$0x1] =	wrdreg $0xFFFFFFFF  }
0xa7: {  	s28 =	simm.s32 $_size_execute0_lowered;
	s2 =	sadd.s32 s2, s4;
	[dreg:$0x0] =	wrdreg $0x0  }
0xa8: {  	s4 =	sshll.u32 s28, $0x1;
	[dreg:$0x2] =	wrdreg s2  }
0xa9: {  	[dreg:$0x3] =	wrdreg s4  }
0xaa: {  	[dreg:$0x4] =	wrdreg $0xC0  }
0xab: {  	_ =	task [dreg:s6], $0x5FFFF  }
0xac: {  	[dreg:$0x1] =	wrdreg $0xFFFFFFFF  }
0xad: {  	[dreg:$0x0] =	wrdreg $0x60  }
0xae: {  	[dreg:$0x2] =	wrdreg s24  }
0xaf: {  	[dreg:$0x3] =	wrdreg $0x9  }
0xb0: {  	_ =	task.clear_ibuf [dreg:s6], $0x4FFFF;
	_ =	strace $0x90000046  }
0xb1: {  	s29 =	simm.s32 $0x9;
	_ =	strace $0x80000048  }
0xb2: {  	_ =	swait.ge [sflag:s29], $0x1  }
0xb3: {  	[sflag:s29] =	ssyncadd.s32 $0xFFFFFFFF  }
0xb4: {  	_ =	strace $0x90000048  }
0xb5: {  	_ =	sfence  }
0xb6: {  	s30 =	sld [smem:$0x0];
	_ =	sdelay $0x2  }
0xb7: {  	s31 =	sshll.u32 s1, $0xD;
	s1 =	sshrl.u32 s1, $0x2  }
0xb8: {  	s3 =	sand.u32 $0x4000, s31;
	s1 =	sadd.s32 s1, s30  }
0xb9: {  	s0 =	sor.u32 s3, s0;
	s1 =	sshll.u32 s1, $0x11  }
0xba: {  	s0 =	sor.u32 s1, s0  }
0xbb: {  	s0 =	sadd.s32 $0x8F2B, s0  }
0xbc: {  	[sflag:s0] =	ssyncadd.remote.s32 $0x1  }
0xbd: {  	_ =	sfence.sel $0xFFFF  }
0xbe: {  	[dreg:$0x0] =	wrdreg $0xFFFFFFFF;
	(pc) =	sbr.abs _section_cstart, $3  }
0xbf: {  	[dreg:$0x1] =	wrdreg $0xFFFFFFFF  }
0xc0: {  	_ =	task.clear_ibuf [dreg:s6], $0x2FFFF;
	_ =	strace $0x9FFFFFFF  }
0xc1: {  	(tm) =	ssettm $0x7FFFFFFF  }
tec
execute0_lowered:
.L_overlay_start_1:
0x0: {  	(tag) =	ssettag $0x1  }
0x1: {  	s0 =	rddreg [dreg:$0x0]  }
0x2: {  	s2 =	simm.s32 $0x0;
	s4 =	stileid.u32;
	s1 =	srdreg.scid  }
0x3: {  	s12 =	simm.s32 $0x80;
	s13 =	simm.s32 $0x200;
	s14 =	simm.s32 $0x1  }
0x4: {  	s15 =	simm.s32 $0x4000;
	s16 =	simm.s32 $0x5000;
	s17 =	simm.s32 $0x6000  }
0x5: {  	s18 =	simm.s32 $0x1000;
	s19 =	simm.s32 $0x2000;
	s20 =	simm.s32 $0xB000  }
0x6: {  	s21 =	simm.s32 $0x7000;
	s22 =	simm.s32 $0x8000;
	s23 =	simm.s32 $0x9000  }
0x7: {  	s24 =	simm.s32 $0xA000;
	[smem:$0x7FF] =	sst s2;
	s3 =	sshll.u32 s4, $0x2  }
0x8: {  	s1 =	sand.u32 $0x1, s1;
	s4 =	sshll.u32 s4, $0x1;
	_ =	strace $0x80000047  }
0x9: {  	s3 =	sand.u32 $0x30, s3;
	s4 =	sor.u32 s1, s4;
	s1 =	ssub.s32 $0x2, s1  }
0xa: {  	s5 =	sadd.s32 s3, s0;
	s25 =	sshll.u32 s4, $0x4;
	s6 =	sshrl.u32 s1, $0x1  }
0xb: {  	s26 =	sshll.u32 s4, $0x9;
	s0 =	sadd.s32 s25, s0;
	s1 =	ssub.s32 s1, s6  }
.Ltmp0:
0xc: {  	s3 =	sand.u32 $0xE00, s26;
	s28 =	sadd.s32 $0x1A00, s5;
	(pc) =	sbr.rel .LBB2_1-.Ltmp0, $4  }
0xd: {  	s29 =	sadd.s32 $0x2200, s5;
	s30 =	sadd.s32 $0x2A00, s5;
	[dreg:$0x2] =	wrdreg s28  }
0xe: {  	s31 =	sadd.s32 $0x1200, s5;
	s8 =	sadd.s32 $0xA00, s5;
	[dreg:$0x3] =	wrdreg s29  }
0xf: {  	s9 =	sadd.s32 $0x200, s5;
	s26 =	simm.s32 $0x0;
	[dreg:$0x4] =	wrdreg s30  }
0x10: {  	v40 =	vlaneseq.u32;
	v1 =	vimm.s32 $0x0;
	[dreg:$0x5] =	wrdreg s31;
	s10 =	sadd.s32 $0x3200, s0;
	s11 =	smax.u32 s1, $0x1  }
.LBB2_55:
0x11: {  	s26 =	sadd.s32 $0x1, s26  }
0x12: {  	p0 =	sne.s32 s26, s11  }
.Ltmp1:
0x13: {  	[tilespmem:$0xD000] =	vst v0;
	s0 =	simm.s32 $0xD000;
	(pc) =	sbr.rel @!p0 .LBB2_56-.Ltmp1, $4  }
0x14: {  	[hbm4b:s10+s2] =	stream.linear.scatter [tilespmem:s0], [sflag:$0x1], $0x80, $0x38;
	[tilespmem:$0xD080] =	vst v63  }
0x15: {  	_ =	swait.ge [sflag:s14], $0x80  }
0x16: {  	[sflag:s14] =	ssyncset.done $0x0  }
0x17: {  	[sflag:s14] =	ssyncadd.s32 $0xFFFFFF80  }
.LBB2_1:
0x18: {  	s0 =	rddreg [dreg:$0x2]  }
0x19: {  	[tilespmem:s2], [sflag:$0x1] =	stream.strided.gather [hbm4b:s0+s12], $0x1000, s13, s12, $0x38;
	[tilespmem:$0xD080] =	vst v63  }
0x1a: {  	_ =	swait.ge [sflag:s14], $0x1000  }
0x1b: {  	[sflag:s14] =	ssyncset.done $0x0  }
0x1c: {  	s29 =	rddreg [dreg:$0x3];
	[sflag:s14] =	ssyncadd.s32 $0xFFFFF000  }
0x1d: {  	[tilespmem:s18], [sflag:$0x1] =	stream.strided.gather [hbm4b:s29+s12], $0x1000, s13, s12, $0x38;
	[tilespmem:$0xD080] =	vst v63  }
0x1e: {  	_ =	swait.ge [sflag:s14], $0x1000  }
0x1f: {  	[sflag:s14] =	ssyncset.done $0x0  }
0x20: {  	s30 =	rddreg [dreg:$0x4];
	[sflag:s14] =	ssyncadd.s32 $0xFFFFF000  }
0x21: {  	[tilespmem:s19], [sflag:$0x1] =	stream.strided.gather [hbm4b:s30+s12], $0x1000, s13, s12, $0x38;
	[tilespmem:$0xD080] =	vst v63  }
0x22: {  	_ =	swait.ge [sflag:s14], $0x1000  }
0x23: {  	[sflag:s14] =	ssyncset.done $0x0  }
0x24: {  	s31 =	rddreg [dreg:$0x5];
	[sflag:s14] =	ssyncadd.s32 $0xFFFFF000  }
0x25: {  	[tilespmem:s15], [sflag:$0x1] =	stream.strided.gather [hbm4b:s31+s12], $0x1000, s13, s12, $0x38;
	[tilespmem:$0xD080] =	vst v63  }
0x26: {  	_ =	swait.ge [sflag:s14], $0x1000  }
0x27: {  	[sflag:s14] =	ssyncset.done $0x0  }
0x28: {  	[sflag:s14] =	ssyncadd.s32 $0xFFFFF000  }
0x29: {  	[tilespmem:s16], [sflag:$0x1] =	stream.strided.gather [hbm4b:s8+s12], $0x1000, s13, s12, $0x38;
	[tilespmem:$0xD080] =	vst v63  }
0x2a: {  	_ =	swait.ge [sflag:s14], $0x1000  }
0x2b: {  	[sflag:s14] =	ssyncset.done $0x0  }
0x2c: {  	[sflag:s14] =	ssyncadd.s32 $0xFFFFF000  }
0x2d: {  	[tilespmem:s17], [sflag:$0x1] =	stream.strided.gather [hbm4b:s9+s12], $0x1000, s13, s12, $0x38;
	[tilespmem:$0xD080] =	vst v63  }
0x2e: {  	_ =	swait.ge [sflag:s14], $0x1000  }
0x2f: {  	[sflag:s14] =	ssyncset.done $0x0  }
0x30: {  	[sflag:s14] =	ssyncadd.s32 $0xFFFFF000  }
0x31: {  	v2 =	vld [tilespmem:s18+$0x0]  }
0x32: {  	v3 =	vld [tilespmem:s2+$0x0];
	_ =	sdelay $0x1  }
0x33: {  	v4 =	vld [tilespmem:s19+$0x0];
	_ =	sdelay $0x2  }
0x34: {  	v3 =	vmul.f32 v3, v3;
	v2 =	vmul.f32 v2, v2;
	_ =	sdelay $0x1  }
0x35: {  	v2 =	vadd.f32 v2, v3;
	v3 =	vmul.f32 v4, v4;
	_ =	sdelay $0x1  }
0x36: {  	v2 =	vadd.f32 v3, v2  }
0x37: {  	s1 =	simm.s32 $0x3000  }
0x38: {  	s0 =	simm.s32 $0xC000;
	[tilespmem:s1+$0x0] =	vst v2;
	v2 =	vor.u32 s2, v40  }
0x39: {  	[tilespmem:s0+$0x0] =	vst v2  }
0x3a: {  	s6 =	simm.s32 $0x1010;
	[tilespmem:s20+$0x0] =	vst v1  }
0x3b: {  	s4 =	simm.s32 $0x10;
	v2 =	vld [tilespmem:s6+$0x0]  }
0x3c: {  	v4 =	vld [tilespmem:s4+$0x0]  }
0x3d: {  	s7 =	simm.s32 $0x2010  }
0x3e: {  	s25 =	simm.s32 $0x20;
	s5 =	simm.s32 $0xB000;
	s28 =	simm.s32 $0x10;
	v3 =	vld [tilespmem:s7+$0x0]  }
.LBB2_2:
0x3f: {  	p0 =	sne.s32 s25, $0xFF0;
	_ =	sdelay $0x1  }
0x40: {  	v2 =	vmul.f32 v2, v2;
	v4 =	vmul.f32 v4, v4;
	_ =	sdelay $0x1  }
0x41: {  	v3 =	vmul.f32 v3, v3;
	v2 =	vadd.f32 v2, v4;
	_ =	sdelay $0x1  }
0x42: {  	v2 =	vadd.f32 v3, v2  }
0x43: {  	s1 =	sadd.s32 $0x10, s1  }
0x44: {  	s0 =	sadd.s32 $0x10, s0;
	[tilespmem:s1+$0x0] =	vst v2;
	v2 =	vor.u32 s4, v40;
	s4 =	smov.u32 s25  }
0x45: {  	s5 =	sadd.s32 $0x10, s5;
	[tilespmem:s0+$0x0] =	vst v2  }
.Ltmp2:
0x46: {  	s6 =	sadd.s32 $0x10, s6;
	[tilespmem:s5+$0x0] =	vst v1;
	(pc) =	sbr.rel @p0 .LBB2_2-.Ltmp2, $4  }
0x47: {  	s28 =	sadd.s32 $0x10, s28;
	v2 =	vld [tilespmem:s6+$0x0]  }
0x48: {  	s7 =	sadd.s32 $0x10, s7;
	v4 =	vld [tilespmem:s28+$0x0]  }
0x49: {  	v3 =	vld [tilespmem:s7+$0x0]  }
0x4a: {  	s25 =	sadd.s32 $0x10, s25  }
0x4b: {  	_ =	sdelay $0x1  }
0x4c: {  	v2 =	vmul.f32 v2, v2;
	v4 =	vmul.f32 v4, v4;
	_ =	sdelay $0x1  }
0x4d: {  	v3 =	vmul.f32 v3, v3;
	v2 =	vadd.f32 v2, v4;
	_ =	sdelay $0x1  }
.Ltmp3:
0x4e: {  	v2 =	vadd.f32 v3, v2;
	(pc) =	sbr.rel .LBB2_4-.Ltmp3, $4  }
0x4f: {  	s1 =	sadd.s32 $0x10, s1  }
0x50: {  	s0 =	sadd.s32 $0x10, s0;
	[tilespmem:s1+$0x0] =	vst v2;
	v2 =	vor.u32 s4, v40  }
0x51: {  	s31 =	sadd.s32 $0x10, s5;
	[tilespmem:s0+$0x0] =	vst v2  }
0x52: {  	s28 =	simm.s32 $0x0;
	v0 =	vimm.f32 $0.0e+00;
	[tilespmem:s31+$0x0] =	vst v1  }
.LBB2_45:
0x53: {  	v5 =	vmov v2  }
.LBB2_54:
0x54: {  	_ =	sdelay $0x3  }
0x55: {  	v0 =	vld.idx.msk [tilespmem:v2+s2+$0x0], $0xffff;
	_ =	sdelay $0x1  }
0x56: {  	v8 =	vld.idx.msk [tilespmem:v2+s18+$0x0], $0xffff;
	_ =	sdelay $0x1  }
0x57: {  	v10 =	vld.idx.msk [tilespmem:v2+s19+$0x0], $0xffff  }
0x58: {  	v0 =	vmul.f32 v0, v0  }
0x59: {  	v55 =	vld.idx.msk [tilespmem:v5+s15+$0x0], $0xffff  }
0x5a: {  	v11 =	vld.idx.msk [tilespmem:v2+s15+$0x0], $0xffff;
	v8 =	vmul.f32 v8, v8;
	v0 =	vadd.f32 v0, v9  }
0x5b: {  	v57 =	vld.idx.msk [tilespmem:v5+s16+$0x0], $0xffff  }
0x5c: {  	v12 =	vld.idx.msk [tilespmem:v2+s16+$0x0], $0xffff;
	v56 =	vmul.f32 v10, v10;
	v0 =	vadd.f32 v8, v0  }
0x5d: {  	v58 =	vld.idx.msk [tilespmem:v5+s17+$0x0], $0xffff  }
0x5e: {  	v2 =	vld.idx.msk [tilespmem:v2+s17+$0x0], $0xffff;
	v0 =	vadd.f32 v56, v0;
	_ =	sdelay $0x1  }
0x5f: {  	(erf) = vrcp.f32 v0;
	_ =	sdelay $0x1  }
0x60: {  	v59 =	vsub.f32 v57, v12;
	v0 =	vsub.f32 v55, v11  }
0x61: {  	v2 =	vsub.f32 v58, v2  }
0x62: {  	v60 =	vmul.f32 v59, v59;
	v0 =	vmul.f32 v0, v0  }
0x63: {  	v2 =	vmul.f32 v2, v2  }
0x64: {  	v0 =	vadd.f32 v60, v0;
	_ =	sdelay $0x1  }
0x65: {  	v0 =	vadd.f32 v2, v0  }
0x66: {  	v2 =	vpop (erf)  }
0x67: {  	v0 =	vmul.f32 v0, v2;
	_ =	sdelay $0x1  }
0x68: {  	v2 =	vshrl.u32 v0, $0x1  }
0x69: {  	v2 =	vadd.s32 $0x1FBD1DF5, v2  }
0x6a: {  	(erf) = vrcp.f32 v2;
	_ =	sdelay $0x8  }
0x6b: {  	v61 =	vpop (erf)  }
0x6c: {  	v5 =	vmul.f32 v61, v0;
	_ =	sdelay $0x1  }
0x6d: {  	v2 =	vadd.f32 v2, v5;
	_ =	sdelay $0x1  }
0x6e: {  	v2 =	vmul.f32 $5.000000000e-01, v2;
	_ =	sdelay $0x1  }
0x6f: {  	(erf) = vrcp.f32 v2;
	_ =	sdelay $0x8  }
0x70: {  	v62 =	vpop (erf)  }
0x71: {  	v5 =	vmul.f32 v62, v0;
	_ =	sdelay $0x1  }
0x72: {  	v2 =	vadd.f32 v5, v2;
	_ =	sdelay $0x1  }
0x73: {  	v2 =	vmul.f32 $5.000000000e-01, v2;
	_ =	sdelay $0x1  }
0x74: {  	(erf) = vrcp.f32 v2;
	_ =	sdelay $0x7  }
0x75: {  	v4 =	vmul.f32 v7, v4  }
0x76: {  	v63 =	vpop (erf)  }
0x77: {  	v4 =	vadd.f32 v4, v6;
	v0 =	vmul.f32 v63, v0;
	_ =	sdelay $0x1  }
0x78: {  	v4 =	vmul.f32 $5.000000000e-01, v4;
	v0 =	vadd.f32 v0, v2  }
0x79: {  	s28 =	sadd.s32 $0x1, s28  }
0x7a: {  	p0 =	sne.s32 s28, $0x80;
	v2 =	vadd.f32 $-1.000000000e+00, v4;
	v0 =	vmul.f32 $5.000000000e-01, v0  }
.Ltmp4:
0x7b: {  	_ = 	snop;
	(pc) =	sbr.rel @!p0 .LBB2_55-.Ltmp4, $4  }
0x7c: {  	v2 =	vmax.f32 v2, $0.0e+00;
	v0 =	vadd.f32 $-1.000000000e+00, v0  }
0x7d: {  	v2 =	vadd.f32 v2, v3  }
0x7e: {  	v0 =	vmax.f32 v0, $0.0e+00  }
0x7f: {  	v0 =	vadd.f32 v0, v2  }
.LBB2_4:
0x80: {  	_ = 	snop  }
0x81: {  	s4 =	simm.s32 $0xC020;
	[tilespmem:$0x1FFE0] =	vst v0  }
0x82: {  	s6 =	simm.s32 $0x2020;
	v20 =	vld [tilespmem:s4+$0x10]  }
0x83: {  	s0 =	sshll.u32 s28, $0x2;
	v21 =	vld [tilespmem:s6+$0x10]  }
0x84: {  	s0 =	sadd.s32 s3, s0;
	v22 =	vld [tilespmem:s4+$0x0]  }
0x85: {  	s7 =	simm.s32 $0x1020;
	v8 =	vmov s0;
	v23 =	vld [tilespmem:s6+$0x0]  }
0x86: {  	v24 =	vld [tilespmem:s7+$0x10]  }
0x87: {  	s1 =	sor.u32 $0x1, s0;
	s5 =	sor.u32 $0x2, s0;
	v25 =	vld [tilespmem:s4+$0xFFFFFFF0]  }
0x88: {  	v54 =	vld [tilespmem:s7+$0xFFFFFFF0];
	v6 =	vmov s1;
	v3 =	vmov s5;
	s5 =	simm.s32 $0x20  }
0x89: {  	v32 =	vld [tilespmem:s5+$0x10]  }
0x8a: {  	v5 =	vld.idx.msk [tilespmem:v8+s2+$0x0], $0xffff  }
0x8b: {  	v7 =	vld.idx.msk [tilespmem:v8+s18+$0x0], $0xffff  }
0x8c: {  	v9 =	vld.idx.msk [tilespmem:v8+s19+$0x0], $0xffff  }
0x8d: {  	s0 =	sor.u32 $0x3, s0;
	v10 =	vld.idx.msk [tilespmem:v6+s2+$0x0], $0xffff  }
0x8e: {  	v2 =	vmov s0;
	v11 =	vld.idx.msk [tilespmem:v6+s18+$0x0], $0xffff  }
0x8f: {  	v12 =	vld.idx.msk [tilespmem:v6+s19+$0x0], $0xffff  }
0x90: {  	v13 =	vld.idx.msk [tilespmem:v3+s2+$0x0], $0xffff  }
0x91: {  	v14 =	vld.idx.msk [tilespmem:v3+s18+$0x0], $0xffff  }
0x92: {  	v15 =	vld.idx.msk [tilespmem:v3+s19+$0x0], $0xffff  }
0x93: {  	vm1 =	veq.s32 v20, v8;
	vm2 =	veq.s32 v20, v6;
	v16 =	vld.idx.msk [tilespmem:v2+s2+$0x0], $0xffff  }
0x94: {  	vm0 =	veq.s32 v20, v3;
	vm3 =	veq.s32 v20, v2;
	v17 =	vld.idx.msk [tilespmem:v2+s18+$0x0], $0xffff;
	v5 =	vmul.f32 $-2.000000000e+00, v5  }
0x95: {  	vm4 =	veq.s32 v22, v8;
	v18 =	vld.idx.msk [tilespmem:v2+s19+$0x0], $0xffff;
	v7 =	vmul.f32 $-2.000000000e+00, v7;
	v9 =	vmul.f32 $-2.000000000e+00, v9  }
0x96: {  	v35 =	vld [tilespmem:s5+$0x0];
	vm5 =	veq.s32 v22, v6;
	v10 =	vmul.f32 $-2.000000000e+00, v10;
	v11 =	vmul.f32 $-2.000000000e+00, v11  }
0x97: {  	v20 =	vld [tilespmem:s7+$0x0];
	vm6 =	veq.s32 v22, v3;
	v12 =	vmul.f32 $-2.000000000e+00, v12;
	v13 =	vmul.f32 $-2.000000000e+00, v13  }
0x98: {  	v40 =	vld [tilespmem:s5+$0xFFFFFFF0];
	vm7 =	veq.s32 v22, v2;
	v14 =	vmul.f32 $-2.000000000e+00, v14;
	v15 =	vmul.f32 $-2.000000000e+00, v15  }
0x99: {  	v45 =	vld [tilespmem:s5+$0xFFFFFFE0];
	vm8 =	veq.s32 v25, v8;
	v16 =	vmul.f32 $-2.000000000e+00, v16;
	v17 =	vmul.f32 $-2.000000000e+00, v17  }
0x9a: {  	vm9 =	veq.s32 v25, v6;
	v18 =	vmul.f32 $-2.000000000e+00, v18;
	v26 =	vmul.f32 v21, v9  }
0x9b: {  	vm10 =	veq.s32 v25, v3;
	v29 =	vmul.f32 v23, v9;
	v22 =	vmul.f32 v24, v7  }
0x9c: {  	vm11 =	veq.s32 v25, v2;
	v37 =	vmul.f32 v20, v7;
	v25 =	vmul.f32 v32, v5  }
0x9d: {  	v33 =	vld [tilespmem:s4+$0xFFFFFFE0];
	v46 =	vmul.f32 v35, v5;
	v50 =	vmul.f32 v40, v5  }
0x9e: {  	v62 =	vmul.f32 v45, v5;
	v60 =	vmul.f32 v54, v7  }
0x9f: {  	s25 =	simm.s32 $0x3020;
	v27 =	vmul.f32 v21, v12;
	v28 =	vmul.f32 v21, v15  }
0xa0: {  	v39 =	vld [tilespmem:s25+$0x10];
	v21 =	vmul.f32 v21, v18;
	v34 =	vmul.f32 v24, v11  }
0xa1: {  	v19 =	vimm.f32 $+Inf;
	v43 =	vld [tilespmem:s25+$0x0];
	v36 =	vmul.f32 v24, v14;
	v24 =	vmul.f32 v24, v17  }
0xa2: {  	v48 =	vld [tilespmem:s25+$0xFFFFFFF0];
	vm14 =	veq.s32 v33, v8;
	v38 =	vmul.f32 v20, v11;
	v41 =	vmul.f32 v20, v14  }
0xa3: {  	vm13 =	veq.s32 v33, v6;
	v42 =	vmul.f32 v32, v10;
	v44 =	vmul.f32 v32, v13  }
0xa4: {  	vm12 =	veq.s32 v33, v3;
	v32 =	vmul.f32 v32, v16;
	v47 =	vmul.f32 v35, v10  }
0xa5: {  	vm15 =	veq.s32 v33, v2;
	v49 =	vmul.f32 v35, v13;
	v35 =	vmul.f32 v35, v16  }
0xa6: {  	v52 =	vld [tilespmem:s25+$0xFFFFFFE0];
	v51 =	vmul.f32 v40, v10;
	v25 =	vadd.f32 v39, v25;
	v46 =	vadd.f32 v43, v46  }
0xa7: {  	v53 =	vmul.f32 v40, v13;
	v50 =	vadd.f32 v48, v50;
	v42 =	vadd.f32 v39, v42  }
0xa8: {  	v40 =	vmul.f32 v40, v16;
	v44 =	vadd.f32 v39, v44;
	v32 =	vadd.f32 v39, v32  }
0xa9: {  	v56 =	vld [tilespmem:s7+$0xFFFFFFE0];
	v55 =	vmul.f32 v45, v10;
	v47 =	vadd.f32 v43, v47;
	v49 =	vadd.f32 v43, v49  }
0xaa: {  	v63 =	vmul.f32 v45, v13;
	v35 =	vadd.f32 v43, v35;
	v51 =	vadd.f32 v48, v51  }
0xab: {  	v45 =	vmul.f32 v45, v16;
	v53 =	vadd.f32 v48, v53;
	v39 =	vadd.f32 v52, v62  }
0xac: {  	v20 =	vmul.f32 v20, v17;
	v40 =	vadd.f32 v48, v40;
	v48 =	vadd.f32 v52, v55  }
0xad: {  	v61 =	vmul.f32 v54, v11;
	v43 =	vadd.f32 v52, v63;
	v45 =	vadd.f32 v52, v45  }
0xae: {  	v57 =	vmul.f32 v56, v14;
	v22 =	vadd.f32 v25, v22;
	v37 =	vadd.f32 v46, v37  }
0xaf: {  	v62 =	vmul.f32 v54, v17;
	v55 =	vadd.f32 v50, v60;
	v34 =	vadd.f32 v42, v34  }
0xb0: {  	v63 =	vmul.f32 v56, v7;
	v36 =	vadd.f32 v44, v36;
	v24 =	vadd.f32 v32, v24  }
0xb1: {  	v25 =	vmul.f32 v54, v14;
	v38 =	vadd.f32 v47, v38;
	v41 =	vadd.f32 v49, v41  }
0xb2: {  	v59 =	vld [tilespmem:s6+$0xFFFFFFE0];
	v54 =	vmul.f32 v56, v11;
	v20 =	vadd.f32 v35, v20;
	v58 =	vadd.f32 v51, v61  }
0xb3: {  	v60 =	vmul.f32 v56, v17;
	v32 =	vadd.f32 v39, v63;
	v40 =	vadd.f32 v40, v62  }
0xb4: {  	v30 =	vmul.f32 v23, v12;
	v35 =	vadd.f32 v43, v57;
	v25 =	vadd.f32 v53, v25  }
0xb5: {  	v31 =	vmul.f32 v23, v15;
	v42 =	vld [tilespmem:s6+$0xFFFFFFF0];
	v61 =	vadd.f32 v48, v54;
	v39 =	vadd.f32 v45, v60  }
0xb6: {  	v23 =	vmul.f32 v23, v18;
	v22 =	vadd.f32 v22, v26;
	v29 =	vadd.f32 v37, v29  }
0xb7: {  	v48 =	vmul.f32 v59, v12;
	v27 =	vadd.f32 v34, v27;
	v28 =	vadd.f32 v36, v28  }
0xb8: {  	v21 =	vadd.f32 v24, v21;
	v20 =	vadd.f32 v20, v23;
	v23 =	vmul.f32 v59, v15  }
0xb9: {  	v24 =	vmul.f32 v59, v9;
	v30 =	vadd.f32 v38, v30;
	v31 =	vadd.f32 v41, v31  }
0xba: {  	v54 =	vadd.f32 v61, v48;
	v35 =	vadd.f32 v35, v23;
	v62 =	vmul.f32 v42, v9  }
0xbb: {  	s5 =	simm.s32 $0xC060;
	v23 =	vsel vm0, $0x7F800000, v28;
	v28 =	vsel vm5, $0x7F800000, v30;
	v26 =	vmul.f32 v42, v15  }
0xbc: {  	v56 =	vld [tilespmem:s5+$0x10];
	v63 =	vmul.f32 v42, v12;
	v46 =	vmul.f32 v42, v18;
	v51 =	vadd.f32 v55, v62  }
0xbd: {  	v33 =	vsel vm13, $0x7F800000, v54;
	v26 =	vadd.f32 v25, v26;
	v25 =	vadd.f32 v32, v24  }
0xbe: {  	v52 =	vadd.f32 v58, v63;
	v24 =	vmul.f32 v59, v18;
	v53 =	vadd.f32 v40, v46  }
0xbf: {  	v40 =	vsel vm4, $0x7F800000, v29;
	v46 =	vsel vm3, $0x7F800000, v21;
	v41 =	vsel vm14, $0x7F800000, v25  }
0xc0: {  	v32 =	vsel vm12, $0x7F800000, v35;
	v37 =	vsel vm8, $0x7F800000, v51;
	v21 =	vmin.f32 v19, v41  }
0xc1: {  	vm3 =	veq.s32 v56, v6;
	v25 =	vsel vm7, $0x7F800000, v20;
	v20 =	vmin.f32 v21, v37  }
0xc2: {  	v55 =	vadd.f32 v39, v24;
	v39 =	vsel vm1, $0x7F800000, v22;
	v20 =	vmin.f32 v20, v40  }
0xc3: {  	vm4 =	veq.s32 v56, v2;
	v24 =	vsel vm2, $0x7F800000, v27;
	v0 =	vmin.f32 v20, v39  }
0xc4: {  	s29 =	simm.s32 $0x2060;
	v27 =	vsel vm6, $0x7F800000, v31;
	v38 =	vsel vm9, $0x7F800000, v52;
	v30 =	vsel vm10, $0x7F800000, v26;
	[tilespmem:$0x1FFF0] =	vst v0  }
0xc5: {  	v29 =	vsel vm11, $0x7F800000, v53;
	vm2 =	veq.s32 v56, v8;
	vm1 =	veq.s32 v56, v3;
	v57 =	vld [tilespmem:s29+$0x10]  }
0xc6: {  	s30 =	simm.s32 $0x1060;
	v31 =	vsel vm15, $0x7F800000, v55;
	v21 =	vmin.f32 v19, v32;
	v20 =	vmin.f32 v19, v33;
	v58 =	vld [tilespmem:s5+$0x0]  }
0xc7: {  	s31 =	simm.s32 $0x60;
	v21 =	vmin.f32 v21, v30;
	v19 =	vmin.f32 v19, v31;
	v20 =	vmin.f32 v20, v38;
	v44 =	vld [tilespmem:s30+$0x10]  }
0xc8: {  	v61 =	vmin.f32 v21, v27;
	v19 =	vmin.f32 v19, v29;
	v20 =	vmin.f32 v20, v28;
	v59 =	vld [tilespmem:s31+$0x10]  }
0xc9: {  	v62 =	vmin.f32 v19, v25;
	v19 =	vmin.f32 v61, v23;
	v63 =	vld [tilespmem:s5+$0xFFFFFFF0];
	v21 =	vmin.f32 v20, v24  }
0xca: {  	v60 =	vld [tilespmem:s31+$0x0];
	v20 =	vmin.f32 v62, v46;
	v45 =	vmul.f32 v57, v9;
	v26 =	vmul.f32 v57, v12  }
0xcb: {  	vm8 =	veq.s32 v58, v8;
	v34 =	vmul.f32 v57, v15;
	v35 =	vmul.f32 v57, v18  }
0xcc: {  	s0 =	simm.s32 $0x3060;
	v51 =	vld [tilespmem:s31+$0xFFFFFFF0];
	vm6 =	veq.s32 v58, v6;
	v48 =	vmul.f32 v44, v7;
	v36 =	vmul.f32 v44, v11  }
0xcd: {  	v49 =	vld [tilespmem:s0+$0x10];
	vm7 =	veq.s32 v58, v3;
	v50 =	vmul.f32 v44, v14;
	v52 =	vmul.f32 v59, v5  }
0xce: {  	v54 =	vld [tilespmem:s0+$0x0];
	vm5 =	veq.s32 v58, v2;
	v53 =	vmul.f32 v59, v10;
	v55 =	vmul.f32 v59, v13  }
0xcf: {  	v56 =	vld [tilespmem:s31+$0xFFFFFFE0];
	vm10 =	veq.s32 v63, v8;
	v43 =	vmul.f32 v59, v16;
	v57 =	vmul.f32 v60, v5  }
0xd0: {  	vm9 =	veq.s32 v63, v6;
	v58 =	vmul.f32 v60, v10;
	v59 =	vmul.f32 v60, v13  }
0xd1: {  	v42 =	vld [tilespmem:s0+$0xFFFFFFF0];
	vm12 =	veq.s32 v63, v3;
	v47 =	vmul.f32 v60, v16;
	v60 =	vmul.f32 v51, v5  }
0xd2: {  	s6 =	simm.s32 $0x7020;
	vm11 =	veq.s32 v63, v2;
	v61 =	vmul.f32 v51, v10;
	v63 =	vmul.f32 v51, v13  }
0xd3: {  	s7 =	simm.s32 $0x8020;
	[tilespmem:s6+$0xFFFFFFE0] =	vst v41;
	v62 =	vld [tilespmem:s0+$0xFFFFFFE0];
	v51 =	vmul.f32 v51, v16;
	v52 =	vadd.f32 v49, v52;
	v53 =	vadd.f32 v49, v53  }
0xd4: {  	[tilespmem:s7+$0xFFFFFFE0] =	vst v33;
	v33 =	vld [tilespmem:s29+$0xFFFFFFE0];
	v4 =	vmul.f32 v56, v5;
	v55 =	vadd.f32 v49, v55;
	v57 =	vadd.f32 v54, v57  }
0xd5: {  	v22 =	vmul.f32 v56, v10;
	v43 =	vadd.f32 v49, v43;
	v58 =	vadd.f32 v54, v58  }
0xd6: {  	v0 =	vmul.f32 v56, v13;
	v59 =	vadd.f32 v54, v59;
	v60 =	vadd.f32 v42, v60  }
0xd7: {  	[tilespmem:s6+$0x10] =	vst v39;
	v56 =	vmul.f32 v56, v16;
	v47 =	vadd.f32 v54, v47;
	v61 =	vadd.f32 v42, v61  }
0xd8: {  	[tilespmem:s6+$0x0] =	vst v40;
	v44 =	vmul.f32 v44, v17;
	v49 =	vld [tilespmem:s30+$0x0];
	v63 =	vadd.f32 v42, v63;
	v42 =	vadd.f32 v42, v51  }
0xd9: {  	s1 =	simm.s32 $0x9020;
	[tilespmem:s7+$0x0] =	vst v28;
	v28 =	vmul.f32 v33, v9;
	v54 =	vld [tilespmem:s29+$0x0];
	v4 =	vadd.f32 v62, v4;
	v22 =	vadd.f32 v62, v22  }
0xda: {  	s25 =	simm.s32 $0xA020;
	[tilespmem:s1+$0x0] =	vst v27;
	v27 =	vmul.f32 v33, v12;
	v51 =	vld [tilespmem:s30+$0xFFFFFFF0];
	v0 =	vadd.f32 v62, v0;
	v56 =	vadd.f32 v62, v56  }
0xdb: {  	[tilespmem:s25+$0x0] =	vst v25;
	v25 =	vmul.f32 v33, v15;
	v48 =	vadd.f32 v52, v48;
	v36 =	vadd.f32 v53, v36  }
0xdc: {  	[tilespmem:s7+$0x10] =	vst v24;
	v24 =	vmul.f32 v33, v18;
	v50 =	vadd.f32 v55, v50;
	v43 =	vadd.f32 v43, v44  }
0xdd: {  	v45 =	vadd.f32 v48, v45;
	v26 =	vadd.f32 v36, v26;
	v62 =	vmul.f32 v49, v7  }
0xde: {  	v53 =	vld [tilespmem:s30+$0xFFFFFFE0];
	v43 =	vadd.f32 v43, v35;
	v52 =	vmul.f32 v49, v11;
	v55 =	vmul.f32 v54, v9  }
0xdf: {  	v44 =	vmul.f32 v51, v7;
	v57 =	vadd.f32 v57, v62;
	v62 =	vmul.f32 v49, v14  }
0xe0: {  	[tilespmem:s6+$0xFFFFFFF0] =	vst v37;
	v39 =	vmul.f32 v54, v12;
	v37 =	vmul.f32 v54, v18;
	v33 =	vsel vm2, $0x7F800000, v45  }
0xe1: {  	v49 =	vmul.f32 v49, v17;
	v59 =	vadd.f32 v59, v62;
	v62 =	vmul.f32 v51, v11  }
0xe2: {  	[tilespmem:s7+$0xFFFFFFF0] =	vst v38;
	v52 =	vadd.f32 v58, v52;
	v44 =	vadd.f32 v60, v44;
	v60 =	vmul.f32 v51, v14  }
0xe3: {  	[tilespmem:s1+$0xFFFFFFE0] =	vst v32;
	v40 =	vadd.f32 v47, v49;
	v49 =	vadd.f32 v61, v62;
	v61 =	vmul.f32 v53, v7  }
0xe4: {  	[tilespmem:s1+$0xFFFFFFF0] =	vst v30;
	v58 =	vld [tilespmem:s5+$0xFFFFFFE0];
	v41 =	vadd.f32 v63, v60;
	v63 =	vmul.f32 v53, v17;
	v62 =	vmul.f32 v53, v14  }
0xe5: {  	[tilespmem:s1+$0x10] =	vst v23;
	v39 =	vadd.f32 v52, v39;
	v4 =	vadd.f32 v4, v61;
	v61 =	vmul.f32 v53, v11  }
0xe6: {  	[tilespmem:s25+$0xFFFFFFE0] =	vst v31;
	v23 =	vsel vm4, $0x7F800000, v43;
	v31 =	vadd.f32 v56, v63;
	v0 =	vadd.f32 v0, v62  }
0xe7: {  	[tilespmem:s25+$0xFFFFFFF0] =	vst v29;
	v47 =	vld [tilespmem:s29+$0xFFFFFFF0];
	v60 =	vmul.f32 v54, v15;
	v22 =	vadd.f32 v22, v61;
	v61 =	vadd.f32 v57, v55  }
0xe8: {  	s4 =	simm.s32 $0x7060;
	[tilespmem:s25+$0x10] =	vst v46;
	v51 =	vmul.f32 v51, v17;
	v56 =	vadd.f32 v50, v34;
	v4 =	vadd.f32 v4, v28  }
0xe9: {  	[tilespmem:s4+$0x10] =	vst v33;
	vm14 =	veq.s32 v58, v8;
	v34 =	vadd.f32 v0, v25;
	v0 =	vsel vm8, $0x7F800000, v61  }
0xea: {  	v38 =	vadd.f32 v42, v51;
	v37 =	vadd.f32 v40, v37;
	v4 =	vsel vm14, $0x7F800000, v4;
	[tilespmem:s4+$0x0] =	vst v0  }
0xeb: {  	vm13 =	veq.s32 v58, v6;
	vm0 =	veq.s32 v58, v3;
	vm15 =	veq.s32 v58, v2;
	[tilespmem:s4+$0xFFFFFFE0] =	vst v4  }
0xec: {  	v35 =	vadd.f32 v31, v24;
	v24 =	vsel vm3, $0x7F800000, v26;
	v53 =	vmul.f32 v47, v9;
	v26 =	vld [tilespmem:$0x1FFF0]  }
0xed: {  	v62 =	vadd.f32 v59, v60;
	v54 =	vmul.f32 v47, v12;
	v30 =	vmul.f32 v47, v15  }
0xee: {  	v29 =	vmul.f32 v47, v18;
	v25 =	vsel vm1, $0x7F800000, v56;
	v32 =	vadd.f32 v44, v53  }
0xef: {  	v28 =	vsel vm6, $0x7F800000, v39;
	v63 =	vadd.f32 v49, v54;
	v30 =	vadd.f32 v41, v30  }
0xf0: {  	v38 =	vadd.f32 v38, v29;
	v22 =	vadd.f32 v22, v27;
	v27 =	vsel vm7, $0x7F800000, v62  }
0xf1: {  	v29 =	vsel vm10, $0x7F800000, v32;
	v31 =	vsel vm9, $0x7F800000, v63;
	v4 =	vmin.f32 v26, v4  }
0xf2: {  	s5 =	simm.s32 $0x8060;
	[tilespmem:s4+$0xFFFFFFF0] =	vst v29;
	v32 =	vsel vm13, $0x7F800000, v22;
	v26 =	vsel vm5, $0x7F800000, v37;
	v4 =	vmin.f32 v4, v29  }
0xf3: {  	s6 =	simm.s32 $0x4;
	s7 =	simm.s32 $0xC0A0;
	[tilespmem:s5+$0xFFFFFFF0] =	vst v31;
	v29 =	vsel vm12, $0x7F800000, v30;
	v30 =	vsel vm11, $0x7F800000, v38;
	v22 =	vmin.f32 v4, v0  }
.LBB2_5:
0xf4: {  	v0 =	vld [tilespmem:s7+$0x10];
	[tilespmem:s5+$0xFFFFFFE0] =	vst v32;
	v4 =	vsel vm0, $0x7F800000, v34;
	v34 =	vsel vm15, $0x7F800000, v35;
	v22 =	vmin.f32 v22, v33;
	s29 =	sadd.s32 $0x40, s29;
	s1 =	sadd.s32 $0x40, s1  }
0xf5: {  	v21 =	vmin.f32 v21, v32;
	s25 =	sadd.s32 $0x40, s25;
	v35 =	vld [tilespmem:s29+$0x10];
	[tilespmem:s1+$0xFFFFFFE0] =	vst v4;
	v4 =	vmin.f32 v19, v4;
	v19 =	vmin.f32 v20, v34  }
0xf6: {  	v20 =	vmin.f32 v21, v31;
	v36 =	vld [tilespmem:s7+$0x0];
	[tilespmem:s25+$0xFFFFFFE0] =	vst v34;
	v4 =	vmin.f32 v4, v29;
	v19 =	vmin.f32 v19, v30  }
0xf7: {  	v20 =	vmin.f32 v20, v28;
	v34 =	vld [tilespmem:s29+$0x0];
	[tilespmem:s1+$0xFFFFFFF0] =	vst v29;
	v4 =	vmin.f32 v4, v27;
	v29 =	vmin.f32 v19, v26  }
0xf8: {  	s30 =	sadd.s32 $0x40, s30;
	v21 =	vmin.f32 v20, v24;
	[tilespmem:s25+$0xFFFFFFF0] =	vst v30;
	v19 =	vmin.f32 v4, v25;
	v20 =	vmin.f32 v29, v23  }
0xf9: {  	v4 =	vld [tilespmem:s30+$0x10];
	vm2 =	veq.s32 v0, v8;
	vm3 =	veq.s32 v0, v6;
	vm1 =	veq.s32 v0, v3;
	[tilespmem:s5+$0x0] =	vst v28  }
0xfa: {  	vm4 =	veq.s32 v0, v2;
	v37 =	vld [tilespmem:s7+$0xFFFFFFF0];
	v29 =	vmul.f32 v35, v9;
	v28 =	vmul.f32 v35, v12;
	[tilespmem:s1+$0x0] =	vst v27  }
0xfb: {  	v33 =	vmul.f32 v35, v15;
	v27 =	vmul.f32 v35, v18;
	v0 =	vld [tilespmem:s30+$0x0];
	vm5 =	veq.s32 v36, v8;
	[tilespmem:s25+$0x0] =	vst v26  }
0xfc: {  	s31 =	sadd.s32 $0x40, s31;
	vm6 =	veq.s32 v36, v6;
	v31 =	vmul.f32 v34, v9;
	v26 =	vmul.f32 v34, v12;
	[tilespmem:s5+$0x10] =	vst v24  }
0xfd: {  	vm7 =	veq.s32 v36, v3;
	v32 =	vmul.f32 v34, v15;
	v30 =	vmul.f32 v34, v18;
	v34 =	vld [tilespmem:s31+$0x10];
	[tilespmem:s1+$0x10] =	vst v25  }
0xfe: {  	vm8 =	veq.s32 v36, v2;
	v24 =	vld [tilespmem:s7+$0xFFFFFFE0];
	v25 =	vmul.f32 v4, v7;
	v35 =	vmul.f32 v4, v11;
	[tilespmem:s25+$0x10] =	vst v23  }
0xff: {  	s0 =	sadd.s32 $0x40, s0;
	v36 =	vmul.f32 v4, v14;
	v4 =	vmul.f32 v4, v17;
	vm9 =	veq.s32 v37, v8;
	v23 =	vld [tilespmem:s31+$0x0]  }
0x100: {  	vm10 =	veq.s32 v37, v6;
	v38 =	vmul.f32 v0, v7;
	v39 =	vmul.f32 v0, v11;
	v40 =	vld [tilespmem:s0+$0x10]  }
0x101: {  	vm12 =	veq.s32 v37, v3;
	v42 =	vmul.f32 v0, v14;
	v0 =	vmul.f32 v0, v17;
	v41 =	vld [tilespmem:s31+$0xFFFFFFF0]  }
0x102: {  	vm11 =	veq.s32 v37, v2;
	v37 =	vmul.f32 v34, v5;
	v43 =	vmul.f32 v34, v10  }
0x103: {  	v45 =	vmul.f32 v34, v13;
	v34 =	vmul.f32 v34, v16;
	vm14 =	veq.s32 v24, v8;
	v44 =	vld [tilespmem:s0+$0x0]  }
0x104: {  	vm13 =	veq.s32 v24, v6;
	v46 =	vld [tilespmem:s31+$0xFFFFFFE0];
	v47 =	vmul.f32 v23, v5;
	v48 =	vmul.f32 v23, v10  }
0x105: {  	vm0 =	veq.s32 v24, v3;
	v50 =	vmul.f32 v23, v13;
	v23 =	vmul.f32 v23, v16;
	v49 =	vld [tilespmem:s0+$0xFFFFFFF0]  }
0x106: {  	v37 =	vadd.f32 v40, v37;
	v51 =	vmul.f32 v41, v5;
	v52 =	vmul.f32 v41, v10  }
0x107: {  	v43 =	vadd.f32 v40, v43;
	v45 =	vadd.f32 v40, v45;
	v54 =	vmul.f32 v41, v13;
	v53 =	vld [tilespmem:s0+$0xFFFFFFE0]  }
0x108: {  	v34 =	vadd.f32 v40, v34;
	v41 =	vmul.f32 v41, v16;
	v55 =	vld [tilespmem:s30+$0xFFFFFFF0];
	v47 =	vadd.f32 v44, v47  }
0x109: {  	v48 =	vadd.f32 v44, v48;
	v50 =	vadd.f32 v44, v50;
	v40 =	vmul.f32 v46, v5  }
0x10a: {  	v23 =	vadd.f32 v44, v23;
	v56 =	vmul.f32 v46, v10;
	v51 =	vadd.f32 v49, v51  }
0x10b: {  	v44 =	vmul.f32 v46, v13;
	v52 =	vadd.f32 v49, v52;
	v54 =	vadd.f32 v49, v54  }
0x10c: {  	v46 =	vmul.f32 v46, v16;
	v41 =	vadd.f32 v49, v41;
	v57 =	vld [tilespmem:s30+$0xFFFFFFE0];
	v40 =	vadd.f32 v53, v40  }
0x10d: {  	v49 =	vadd.f32 v53, v56;
	v44 =	vadd.f32 v53, v44;
	v56 =	vmul.f32 v55, v7  }
0x10e: {  	v25 =	vadd.f32 v37, v25;
	v46 =	vadd.f32 v53, v46;
	v53 =	vmul.f32 v55, v11  }
0x10f: {  	v35 =	vadd.f32 v43, v35;
	v36 =	vadd.f32 v45, v36;
	v37 =	vmul.f32 v55, v14  }
0x110: {  	v4 =	vadd.f32 v34, v4;
	v38 =	vadd.f32 v47, v38;
	v45 =	vmul.f32 v55, v17;
	v43 =	vld [tilespmem:s29+$0xFFFFFFF0]  }
0x111: {  	v39 =	vadd.f32 v48, v39;
	v42 =	vadd.f32 v50, v42;
	v34 =	vmul.f32 v57, v7  }
0x112: {  	v0 =	vadd.f32 v23, v0;
	v48 =	vadd.f32 v51, v56;
	v47 =	vmul.f32 v57, v11  }
0x113: {  	v50 =	vadd.f32 v52, v53;
	v37 =	vadd.f32 v54, v37;
	v23 =	vmul.f32 v57, v14  }
0x114: {  	v41 =	vadd.f32 v41, v45;
	v34 =	vadd.f32 v40, v34;
	v40 =	vmul.f32 v57, v17;
	v51 =	vld [tilespmem:s29+$0xFFFFFFE0]  }
0x115: {  	v45 =	vadd.f32 v49, v47;
	v23 =	vadd.f32 v44, v23;
	v44 =	vmul.f32 v43, v9  }
0x116: {  	v25 =	vadd.f32 v25, v29;
	v40 =	vadd.f32 v46, v40;
	v46 =	vmul.f32 v43, v12  }
0x117: {  	s6 =	sadd.s32 $0x4, s6;
	v28 =	vadd.f32 v35, v28;
	v36 =	vadd.f32 v36, v33;
	v29 =	vmul.f32 v43, v15  }
0x118: {  	p0 =	slt.u32 s6, $0xFC;
	v4 =	vadd.f32 v4, v27;
	v31 =	vadd.f32 v38, v31;
	v33 =	vmul.f32 v43, v18  }
0x119: {  	v26 =	vadd.f32 v39, v26;
	v32 =	vadd.f32 v42, v32;
	v27 =	vmul.f32 v51, v9  }
0x11a: {  	v0 =	vadd.f32 v0, v30;
	v38 =	vadd.f32 v48, v44;
	v35 =	vmul.f32 v51, v12  }
0x11b: {  	v39 =	vadd.f32 v50, v46;
	v29 =	vadd.f32 v37, v29;
	v30 =	vmul.f32 v51, v15  }
0x11c: {  	v41 =	vadd.f32 v41, v33;
	v37 =	vmul.f32 v51, v18;
	v27 =	vadd.f32 v34, v27  }
0x11d: {  	vm15 =	veq.s32 v24, v2;
	v42 =	vadd.f32 v45, v35;
	v34 =	vadd.f32 v23, v30  }
0x11e: {  	s4 =	sadd.s32 $0x40, s4;
	v24 =	vsel vm3, $0x7F800000, v28;
	v33 =	vsel vm2, $0x7F800000, v25;
	v35 =	vadd.f32 v40, v37  }
.Ltmp5:
0x11f: {  	v25 =	vsel vm1, $0x7F800000, v36;
	v37 =	vsel vm5, $0x7F800000, v31;
	v23 =	vsel vm4, $0x7F800000, v4;
	[tilespmem:s4+$0x10] =	vst v33;
	(pc) =	sbr.rel @p0 .LBB2_5-.Ltmp5, $4  }
0x120: {  	v28 =	vsel vm6, $0x7F800000, v26;
	v4 =	vsel vm14, $0x7F800000, v27;
	v27 =	vsel vm7, $0x7F800000, v32;
	[tilespmem:s4+$0x0] =	vst v37  }
0x121: {  	v26 =	vsel vm8, $0x7F800000, v0;
	[tilespmem:s4+$0xFFFFFFE0] =	vst v4;
	v4 =	vmin.f32 v22, v4;
	v22 =	vsel vm9, $0x7F800000, v38  }
0x122: {  	s5 =	sadd.s32 $0x40, s5;
	v29 =	vsel vm12, $0x7F800000, v29;
	v31 =	vsel vm10, $0x7F800000, v39;
	[tilespmem:s4+$0xFFFFFFF0] =	vst v22;
	v0 =	vmin.f32 v4, v22  }
0x123: {  	s7 =	sadd.s32 $0x40, s7;
	v30 =	vsel vm11, $0x7F800000, v41;
	v32 =	vsel vm13, $0x7F800000, v42;
	[tilespmem:s5+$0xFFFFFFF0] =	vst v31;
	v22 =	vmin.f32 v0, v37  }
0x124: {  	[tilespmem:s5+$0xFFFFFFE0] =	vst v32  }
0x125: {  	[tilespmem:s5+$0x0] =	vst v28  }
0x126: {  	v0 =	vsel vm0, $0x7F800000, v34;
	s0 =	sadd.s32 $0x40, s1;
	[tilespmem:s5+$0x10] =	vst v24  }
0x127: {  	[tilespmem:s0+$0xFFFFFFE0] =	vst v0  }
0x128: {  	[tilespmem:s0+$0xFFFFFFF0] =	vst v29  }
0x129: {  	[tilespmem:s0+$0x0] =	vst v27  }
0x12a: {  	v4 =	vsel vm15, $0x7F800000, v35;
	s29 =	sadd.s32 $0x40, s25;
	[tilespmem:s0+$0x10] =	vst v25  }
0x12b: {  	v5 =	vmin.f32 v22, v33;
	[tilespmem:s29+$0xFFFFFFE0] =	vst v4  }
0x12c: {  	(xrf0) =	vmax.scan.msk.f32 $0xffff, v5;
	[tilespmem:s29+$0xFFFFFFF0] =	vst v30  }
0x12d: {  	[tilespmem:s29+$0x0] =	vst v26  }
0x12e: {  	s30 =	simm.s32 $0xC040;
	[tilespmem:s29+$0x10] =	vst v23  }
0x12f: {  	s31 =	simm.s32 $0x7040;
	v7 =	vld [tilespmem:s30+$0xFFFFFFC0]  }
0x130: {  	v9 =	vld [tilespmem:s31+$0xFFFFFFC0]  }
0x131: {  	v10 =	vld [tilespmem:s31+$0xFFFFFFD0]  }
0x132: {  	v12 =	vld [tilespmem:s31+$0xFFFFFFE0];
	v5, _, _ =	vpop (xrf0)  }
0x133: {  	v40 =	vlaneseq.u32;
	v14 =	vld [tilespmem:s31+$0xFFFFFFF0];
	v11 =	vbroadcast v5, $0xF  }
0x134: {  	v4 =	vmin.f32 v20, v4;
	v15 =	vld [tilespmem:s31+$0x0];
	v5 =	vmul.u32 $0x100, v40  }
0x135: {  	v13 =	vimm.s32 $0x0;
	v4 =	vmin.f32 v4, v30;
	vm5 =	vle.f32 v9, v11;
	v9 =	vld [tilespmem:s31+$0x10]  }
0x136: {  	v16 =	vadd.s32 v5, v13;
	vm2 =	vle.f32 v10, v11;
	v10 =	vld [tilespmem:s31+$0x20];
	v17 =	vsel vm5, $0x1, v1  }
0x137: {  	v22 =	vld [tilespmem:s31+$0x30];
	vm0 =	vle.f32 v12, v11;
	v18 =	vsel vm2, $0x1, v1;
	v17 =	vadd.s32 v17, v13  }
0x138: {  	v58 =	vld [tilespmem:s30+$0x0];
	vm1 =	vle.f32 v14, v11;
	v55 =	vsel vm0, $0x1, v1;
	v18 =	vadd.s32 v18, v17  }
0x139: {  	v20 =	vld [tilespmem:s30+$0x30];
	vm4 =	vle.f32 v15, v11;
	v56 =	vsel vm1, $0x1, v1;
	v33 =	vadd.s32 v55, v18  }
0x13a: {  	s4 =	simm.s32 $0x70C0;
	v61 =	vld [tilespmem:s30+$0x10];
	v57 =	vsel vm4, $0x1, v1;
	v34 =	vadd.s32 v56, v33;
	vm3 =	vle.f32 v9, v11  }
0x13b: {  	v63 =	vld [tilespmem:s4+$0xFFFFFFC0];
	vm6 =	vle.f32 v10, v11;
	v9 =	vadd.s32 v57, v34;
	v10 =	vsel vm3, $0x1, v1  }
0x13c: {  	v4 =	vmin.f32 v4, v26;
	v26 =	vld [tilespmem:s4+$0xFFFFFFD0];
	[tilespmem:v16+s20+$0x0] =	vst.idx.msk vm5, v7;
	v7 =	vadd.s32 v10, v9;
	v10 =	vsel vm6, $0x1, v1  }
0x13d: {  	v12 =	vld [tilespmem:s30+$0xFFFFFFD0];
	vm5 =	vle.f32 v22, v11;
	v60 =	vadd.s32 v5, v9;
	v22 =	vadd.s32 v10, v7  }
0x13e: {  	v0 =	vmin.f32 v19, v0;
	v14 =	vld [tilespmem:s30+$0xFFFFFFE0];
	v36 =	vadd.s32 v5, v22  }
0x13f: {  	v21 =	vmin.f32 v21, v32;
	v0 =	vmin.f32 v0, v29;
	v16 =	vld [tilespmem:s30+$0x20];
	v59 =	vadd.s32 v5, v7  }
0x140: {  	s0 =	simm.s32 $0xC0C0;
	v0 =	vmin.f32 v0, v27;
	v15 =	vld [tilespmem:s30+$0xFFFFFFF0];
	v62 =	vadd.s32 v5, v34;
	v7 =	vmin.f32 v21, v31  }
0x141: {  	v13 =	vld [tilespmem:s0+$0xFFFFFFC0];
	v19 =	vadd.s32 v5, v18;
	v21 =	vadd.s32 v5, v33;
	v7 =	vmin.f32 v7, v28  }
0x142: {  	v9 =	vmin.f32 v0, v25;
	v25 =	vld [tilespmem:s4+$0xFFFFFFE0];
	v10 =	vmin.f32 v7, v24;
	[tilespmem:v60+s20+$0x0] =	vst.idx.msk vm3, v61;
	vm3 =	vmmov vm2  }
0x143: {  	v0 =	vsel vm5, $0x1, v1;
	v7 =	vmin.f32 v4, v23;
	v23 =	vld [tilespmem:s4+$0xFFFFFFF0];
	[tilespmem:v36+s20+$0x0] =	vst.idx.msk vm5, v20;
	v20 =	vadd.s32 v5, v17  }
0x144: {  	[tilespmem:v59+s20+$0x0] =	vst.idx.msk vm6, v16;
	v16 =	vadd.s32 v0, v22;
	v22 =	vld [tilespmem:s4+$0x0]  }
0x145: {  	s5 =	simm.s32 $0x8;
	s1 =	simm.s32 $0xC0C0;
	v24 =	vld [tilespmem:s4+$0x10];
	[tilespmem:v62+s20+$0x0] =	vst.idx.msk vm4, v58;
	vm2 =	vle.f32 v63, v11;
	v18 =	vadd.s32 v5, v16;
	v17 =	vmov v5  }
.LBB2_7:
0x146: {  	v0 =	vsel vm2, $0x1, v1;
	vm4 =	vle.f32 v26, v11;
	v4 =	vld [tilespmem:s4+$0x20];
	[tilespmem:v21+s20+$0x0] =	vst.idx.msk vm1, v15  }
0x147: {  	s0 =	sadd.s32 $0x80, s0;
	v0 =	vadd.s32 v0, v16;
	v15 =	vsel vm4, $0x1, v1;
	v16 =	vld [tilespmem:s4+$0x30];
	[tilespmem:v19+s20+$0x0] =	vst.idx.msk vm0, v14;
	vm0 =	vle.f32 v25, v11  }
0x148: {  	v19 =	vld [tilespmem:s0+$0xFFFFFFC0];
	v21 =	vadd.s32 v15, v0;
	v14 =	vsel vm0, $0x1, v1;
	vm1 =	vle.f32 v23, v11;
	[tilespmem:v20+s20+$0x0] =	vst.idx.msk vm3, v12  }
0x149: {  	v12 =	vld [tilespmem:s1+$0xFFFFFFD0];
	v20 =	vadd.s32 v14, v21;
	v15 =	vsel vm1, $0x1, v1;
	vm5 =	vle.f32 v22, v11  }
0x14a: {  	v14 =	vld [tilespmem:s1+$0xFFFFFFE0];
	v22 =	vadd.s32 v15, v20;
	v23 =	vsel vm5, $0x1, v1;
	vm6 =	vle.f32 v24, v11  }
0x14b: {  	s5 =	sadd.s32 $0x8, s5;
	[tilespmem:v18+s20+$0x0] =	vst.idx.msk vm2, v13;
	v15 =	vld [tilespmem:s1+$0xFFFFFFF0];
	v18 =	vadd.s32 v23, v22;
	v26 =	vsel vm6, $0x1, v1;
	vm2 =	vle.f32 v4, v11  }
0x14c: {  	p0 =	slt.u32 s5, $0xF8;
	v4 =	vld [tilespmem:s1+$0x0];
	v25 =	vadd.s32 v26, v18;
	v23 =	vsel vm2, $0x1, v1;
	vm7 =	vle.f32 v16, v11  }
0x14d: {  	v24 =	vld [tilespmem:s1+$0x20];
	v27 =	vadd.s32 v17, v25;
	v16 =	vadd.s32 v23, v25;
	v23 =	vsel vm7, $0x1, v1;
	v13 =	vmovc v19  }
0x14e: {  	v28 =	vadd.s32 v17, v18;
	v29 =	vld [tilespmem:s1+$0x30];
	v30 =	vadd.s32 v17, v16;
	v16 =	vadd.s32 v23, v16  }
0x14f: {  	s4 =	sadd.s32 $0x80, s4;
	v31 =	vadd.s32 v17, v22;
	v19 =	vadd.s32 v17, v21;
	v21 =	vadd.s32 v17, v20;
	v32 =	vld [tilespmem:s1+$0x10];
	s1 =	smov.u32 s0  }
0x150: {  	vm3 =	vmmov vm4;
	v20 =	vadd.s32 v17, v0;
	v17 =	vmovc v5;
	v18 =	vadd.s32 v5, v16;
	v33 =	vld [tilespmem:s4+$0xFFFFFFC0]  }
.Ltmp6:
0x151: {  	v26 =	vld [tilespmem:s4+$0xFFFFFFD0];
	(pc) =	sbr.rel @p0 .LBB2_7-.Ltmp6, $4  }
0x152: {  	v25 =	vld [tilespmem:s4+$0xFFFFFFE0];
	[tilespmem:v27+s20+$0x0] =	vst.idx.msk vm2, v24  }
0x153: {  	v23 =	vld [tilespmem:s4+$0xFFFFFFF0];
	[tilespmem:v30+s20+$0x0] =	vst.idx.msk vm7, v29  }
0x154: {  	v22 =	vld [tilespmem:s4+$0x0];
	[tilespmem:v28+s20+$0x0] =	vst.idx.msk vm6, v32  }
0x155: {  	vm2 =	vle.f32 v33, v11;
	v24 =	vld [tilespmem:s4+$0x10];
	[tilespmem:v31+s20+$0x0] =	vst.idx.msk vm5, v4  }
0x156: {  	v0 =	vsel vm2, $0x1, v1;
	vm5 =	vle.f32 v26, v11;
	v4 =	vld [tilespmem:s4+$0x20]  }
0x157: {  	v51 =	vld [tilespmem:s4+$0x30];
	v0 =	vadd.s32 v0, v16;
	v16 =	vsel vm5, $0x1, v1;
	vm4 =	vle.f32 v25, v11  }
0x158: {  	v52 =	vadd.s32 v16, v0;
	v16 =	vsel vm4, $0x1, v1;
	vm6 =	vle.f32 v23, v11  }
0x159: {  	v53 =	vadd.s32 v16, v52;
	v16 =	vsel vm6, $0x1, v1;
	vm7 =	vle.f32 v22, v11  }
0x15a: {  	v54 =	vadd.s32 v16, v53;
	v16 =	vsel vm7, $0x1, v1;
	vm8 =	vle.f32 v24, v11  }
0x15b: {  	v55 =	vadd.s32 v16, v54;
	v16 =	vsel vm8, $0x1, v1;
	vm9 =	vle.f32 v4, v11  }
0x15c: {  	vm10 =	vle.f32 v51, v11;
	v4 =	vadd.s32 v16, v55;
	v16 =	vsel vm9, $0x1, v1  }
0x15d: {  	v11 =	vadd.s32 v16, v4;
	v16 =	vsel vm10, $0x1, v1  }
0x15e: {  	v16 =	vadd.s32 v16, v11  }
0x15f: {  	v56 =	vxor.u32 $0x80000000, v16  }
0x160: {  	(xrf0) =	vmax.scan.msk.u32 $0xffff, v56;
	_ =	sdelay $0x5  }
0x161: {  	v25, _, _ =	vpop (xrf0)  }
0x162: {  	(v2sf) =	vpush v25, $0xF;
	_ =	sdelay $0xa  }
0x163: {  	v62 =	vld [tilespmem:s1+$0xFFFFFFE0];
	v63 =	vadd.s32 v17, v52  }
0x164: {  	v57 =	vld [tilespmem:s1+$0x20];
	[tilespmem:v21+s20+$0x0] =	vst.idx.msk vm1, v15;
	v4 =	vadd.s32 v17, v4  }
0x165: {  	[tilespmem:v18+s20+$0x0] =	vst.idx.msk vm2, v13;
	v61 =	vld [tilespmem:s1+$0xFFFFFFF0];
	v18 =	vadd.s32 v17, v53  }
0x166: {  	[tilespmem:v19+s20+$0x0] =	vst.idx.msk vm0, v14;
	v59 =	vld [tilespmem:s1+$0x0];
	v60 =	vadd.s32 v17, v54  }
0x167: {  	v19 =	vld [tilespmem:s1+$0x10];
	[tilespmem:v20+s20+$0x0] =	vst.idx.msk vm3, v12;
	v58 =	vadd.s32 v17, v55;
	s0 =	spop (v2sf)  }
0x168: {  	v15 =	vld [tilespmem:s1+$0x30];
	v11 =	vadd.s32 v17, v11;
	[tilespmem:v63+s20+$0x0] =	vst.idx.msk vm4, v62;
	s0 =	sxor.u32 $0x80000000, s0  }
0x169: {  	v0 =	vadd.s32 v17, v0;
	[tilespmem:v4+s20+$0x0] =	vst.idx.msk vm9, v57;
	v4 =	vld [tilespmem:s1+$0xFFFFFFD0];
	p0 =	slt.s32 s0, $0x1  }
.Ltmp7:
0x16a: {  	[tilespmem:v18+s20+$0x0] =	vst.idx.msk vm6, v61;
	(pc) =	sbr.rel @p0 .LBB2_9-.Ltmp7, $4  }
0x16b: {  	[tilespmem:v60+s20+$0x0] =	vst.idx.msk vm7, v59  }
0x16c: {  	[tilespmem:v58+s20+$0x0] =	vst.idx.msk vm8, v19  }
0x16d: {  	[tilespmem:v11+s20+$0x0] =	vst.idx.msk vm10, v15  }
0x16e: {  	vm15 =	vmmov vm5;
	s1 =	simm.s32 $0x0;
	v11 =	vimm.f32 $+Inf;
	[tilespmem:v0+s20+$0x0] =	vst.idx.msk vm5, v4  }
0x16f: {  	v0 =	vadd.s32 s1, v5;
	_ =	sdelay $0x4  }
0x170: {  	v12 =	vld.idx.msk [tilespmem:v0+s20+$0x0], $0xffff;
	_ =	sdelay $0x2  }
0x171: {  	p2 =	sne.s32 s0, $0x1  }
.Ltmp8:
0x172: {  	_ = 	snop;
	(pc) =	sbr.rel @!p2 .LBB2_11-.Ltmp8, $2  }
0x173: {  	_ =	sdelay $0x2  }
0x174: {  	s4 =	simm.s32 $0x1;
	p0 =	por $0x0, $0x0;
	p1 =	por $0x0, $0x0;
	v14 =	vld.idx.msk [tilespmem:v12+s21+$0x0], $0xffff  }
0x175: {  	v0 =	vadd.s32 s4, v5;
	_ =	sdelay $0x1  }
0x176: {  	v4 =	vmov s1  }
0x177: {  	vm0 =	vlt.s32 v4, v16  }
0x178: {  	v4 =	vnsel vm0, $0x7F800000, v14  }
0x179: {  	(xrf1) =	vsort.ascd.msk.f32 $0xffff, v4, v12;
	v12 =	vld.idx.msk [tilespmem:v0+s20+$0x0], $0xffff;
	_ =	sdelay $0x2  }
0x17a: {  	p2 =	sne.s32 s0, $0x2  }
.Ltmp9:
0x17b: {  	_ = 	snop;
	(pc) =	sbr.rel @!p2 .LBB2_13-.Ltmp9, $2  }
0x17c: {  	_ =	sdelay $0x2  }
0x17d: {  	s1 =	simm.s32 $0x2;
	v13 =	vmul.u32 $0xFFFFFFFF, v40;
	p0 =	por $0x1, $0x1;
	v14 =	vld.idx.msk [tilespmem:v12+s21+$0x0], $0xffff  }
0x17e: {  	v0 =	vadd.s32 s1, v5;
	_ =	sdelay $0x1  }
0x17f: {  	v4 =	vmov s4  }
0x180: {  	vm0 =	vlt.s32 v4, v16  }
0x181: {  	v14 =	vnsel vm0, $0x7F800000, v14  }
0x182: {  	v4, v15, _ =	vpop (xrf1);
	(xrf1) =	vsort.ascd.msk.f32 $0xffff, v14, v12;
	v12 =	vld.idx.msk [tilespmem:v0+s20+$0x0], $0xffff;
	v0 =	vadd.s32 $0xF, v13  }
0x183: {  	v4 =	vperm.xlane v4, v0  }
0x184: {  	v0 =	vperm.xlane v15, v0  }
0x185: {  	vm15 =	vle.f32 v11, v4  }
0x186: {  	v4 =	vsel vm15, v11, v4;
	v0 =	vsel vm15, v8, v0  }
0x187: {  	(xrf1) =	vsort.ascd.msk.f32 $0xffff, v4, v0;
	_ =	sdelay $0x4  }
0x188: {  	p2 =	sne.s32 s0, $0x3  }
.Ltmp10:
0x189: {  	_ = 	snop;
	(pc) =	sbr.rel @!p2 .LBB2_15-.Ltmp10, $3  }
0x18a: {  	_ =	sdelay $0x1  }
0x18b: {  	v14 =	vld.idx.msk [tilespmem:v12+s21+$0x0], $0xffff  }
0x18c: {  	s4 =	simm.s32 $0x3;
	p1 =	por $0x1, $0x1  }
.LBB2_16:
0x18d: {  	_ = 	snop  }
0x18e: {  	v0 =	vadd.s32 s4, v5;
	v4 =	vmov s1;
	v15 =	vadd.s32 $0xF, v13;
	s1 =	smov.u32 s4;
	s4 =	sadd.s32 $0x1, s4;
	v17, v18, _ =	vpop (xrf1)  }
0x18f: {  	p2 =	sne.s32 s0, s4;
	vm0 =	vlt.s32 v4, v16;
	v4 =	vperm.xlane v17, v15  }
0x190: {  	v14 =	vnsel vm0, $0x7F800000, v14;
	v15 =	vperm.xlane v18, v15;
	v17, v18, _ =	vpop (xrf1)  }
0x191: {  	(xrf1) =	vsort.ascd.msk.f32 $0xffff, v14, v12;
	vm0 =	vle.f32 v17, v4  }
0x192: {  	v4 =	vsel vm0, v17, v4;
	v14 =	vsel vm0, v18, v15  }
0x193: {  	v12 =	vld.idx.msk [tilespmem:v0+s20+$0x0], $0xffff;
	(xrf1) =	vsort.ascd.msk.f32 $0xffff, v4, v14;
	_ =	sdelay $0x5  }
.Ltmp11:
0x194: {  	(pc) =	sbr.rel @p2 .LBB2_16-.Ltmp11, $2  }
0x195: {  	_ = 	snop  }
0x196: {  	v14 =	vld.idx.msk [tilespmem:v12+s21+$0x0], $0xffff;
	_ =	sdelay $0x2  }
.LBB2_17:
0x197: {  	_ =	sdelay $0x1  }
0x198: {  	v0 =	vadd.s32 @p0 $0xF, v13;
	v4, v13, _ =	vpop @p0 (xrf1)  }
0x199: {  	v15 =	vmov s1;
	v4 =	vperm.xlane @p0 v4, v0;
	v17, v18, _ =	vpop @p1 (xrf1)  }
0x19a: {  	vm0 =	vlt.s32 v15, v16;
	v0 =	vperm.xlane @p0 v13, v0;
	v13 =	vpsel p1, v17, v11  }
0x19b: {  	v14 =	vnsel vm0, $0x7F800000, v14;
	v15 =	vpsel p1, v18, v8;
	vm0 =	vle.f32 @p0 v13, v4  }
0x19c: {  	(xrf1) =	vsort.ascd.msk.f32 $0xffff, v14, v12;
	v4 =	vsel @p0 vm0, v13, v4;
	v0 =	vsel @p0 vm0, v15, v0  }
0x19d: {  	(xrf1) =	vsort.ascd.msk.f32 @p0 $0xffff, v4, v0;
	_ =	sdelay $0xa  }
0x19e: {  	v0 =	vmul.u32 $0xFFFFFFFF, v40;
	_ =	sdelay $0x1  }
0x19f: {  	v0 =	vadd.s32 $0xF, v0;
	v4, v12, _ =	vpop (xrf1)  }
0x1a0: {  	v4 =	vperm.xlane v4, v0;
	v13, v14, _ =	vpop @p0 (xrf1)  }
0x1a1: {  	v0 =	vperm.xlane v12, v0;
	v11 =	vpsel p0, v13, v11  }
0x1a2: {  	v12 =	vpsel p0, v14, v8;
	vm15 =	vle.f32 v11, v4  }
0x1a3: {  	v4 =	vsel vm15, v11, v4;
	v0 =	vsel vm15, v12, v0  }
0x1a4: {  	(xrf1) =	vsort.ascd.msk.f32 $0xffff, v4, v0;
	_ =	sdelay $0x9  }
.Ltmp12:
0x1a5: {  	_ = 	snop;
	(pc) =	sbr.rel .LBB2_18-.Ltmp12, $2  }
0x1a6: {  	_ =	sdelay $0x2  }
0x1a7: {  	v11, v12, _ =	vpop (xrf1)  }
.LBB2_9:
0x1a8: {  	v12 =	vmov v8  }
.LBB2_18:
0x1a9: {  	_ =	sdelay $0x3  }
0x1aa: {  	v20 =	vld.idx.msk [tilespmem:v8+s2+$0x0], $0xffff  }
0x1ab: {  	v19 =	vld.idx.msk [tilespmem:v8+s18+$0x0], $0xffff  }
0x1ac: {  	v17 =	vld.idx.msk [tilespmem:v8+s19+$0x0], $0xffff  }
0x1ad: {  	v14 =	vld.idx.msk [tilespmem:v12+s15+$0x0], $0xffff  }
0x1ae: {  	v15 =	vld.idx.msk [tilespmem:v8+s15+$0x0], $0xffff  }
0x1af: {  	v16 =	vld.idx.msk [tilespmem:v12+s16+$0x0], $0xffff  }
0x1b0: {  	v18 =	vld.idx.msk [tilespmem:v8+s16+$0x0], $0xffff  }
0x1b1: {  	(xrf0) =	vmax.scan.msk.f32 $0xffff, v10;
	v10 =	vld.idx.msk [tilespmem:v12+s17+$0x0], $0xffff  }
0x1b2: {  	v21 =	vld.idx.msk [tilespmem:v8+s17+$0x0], $0xffff;
	s0 =	simm.s32 $0x8040  }
0x1b3: {  	v4 =	vld [tilespmem:s0+$0xFFFFFFC0]  }
0x1b4: {  	v8 =	vld [tilespmem:s0+$0xFFFFFFD0]  }
0x1b5: {  	v13 =	vld [tilespmem:s0+$0xFFFFFFE0]  }
0x1b6: {  	v22 =	vld [tilespmem:s0+$0xFFFFFFF0]  }
0x1b7: {  	v23 =	vld [tilespmem:s0+$0x0]  }
0x1b8: {  	v26 =	vld [tilespmem:s0+$0x20];
	v12, _, _ =	vpop (xrf0)  }
0x1b9: {  	s1 =	simm.s32 $0xC040;
	v27 =	vld [tilespmem:s0+$0x30];
	v12 =	vbroadcast v12, $0xF  }
0x1ba: {  	v24 =	vimm.s32 $0x0;
	v0 =	vld [tilespmem:s1+$0xFFFFFFC0]  }
0x1bb: {  	vm1 =	vle.f32 v4, v12;
	v4 =	vld [tilespmem:s0+$0x10];
	vm0 =	vle.f32 v8, v12;
	vm4 =	vle.f32 v13, v12  }
0x1bc: {  	v31 =	vld [tilespmem:s1+$0xFFFFFFE0];
	vm5 =	vle.f32 v22, v12;
	vm3 =	vle.f32 v23, v12;
	v25 =	vsel vm1, $0x1, v1  }
0x1bd: {  	v32 =	vld [tilespmem:s1+$0x0];
	vm6 =	vle.f32 v26, v12;
	v8 =	vsel vm0, $0x1, v1;
	v25 =	vadd.s32 v25, v24  }
0x1be: {  	v36 =	vld [tilespmem:s1+$0x10];
	vm7 =	vle.f32 v27, v12;
	v29 =	vsel vm4, $0x1, v1;
	v28 =	vadd.s32 v8, v25  }
0x1bf: {  	s0 =	simm.s32 $0xC0C0;
	v27 =	vld [tilespmem:s1+$0x20];
	v24 =	vadd.s32 v5, v24;
	v22 =	vadd.s32 v29, v28;
	v29 =	vsel vm5, $0x1, v1  }
0x1c0: {  	v13 =	vld [tilespmem:s0+$0xFFFFFFC0];
	v23 =	vadd.s32 v29, v22;
	v29 =	vsel vm3, $0x1, v1;
	vm2 =	vle.f32 v4, v12  }
0x1c1: {  	v8 =	vld [tilespmem:s1+$0xFFFFFFD0];
	v29 =	vadd.s32 v29, v23;
	v30 =	vsel vm2, $0x1, v1;
	v37 =	vadd.s32 v5, v23  }
0x1c2: {  	v39 =	vadd.s32 v5, v28;
	v4 =	vld [tilespmem:s1+$0xFFFFFFF0];
	v26 =	vadd.s32 v30, v29;
	v30 =	vsel vm6, $0x1, v1  }
0x1c3: {  	v35 =	vadd.s32 v5, v29;
	v33 =	vadd.s32 v5, v26;
	v26 =	vadd.s32 v30, v26;
	v30 =	vld [tilespmem:s1+$0x30];
	s1 =	simm.s32 $0x80C0  }
0x1c4: {  	v38 =	vld [tilespmem:s1+$0xFFFFFFC0]  }
0x1c5: {  	[tilespmem:v24+s20+$0x0] =	vst.idx.msk vm1, v0;
	v0 =	vadd.s32 v5, v22;
	v34 =	vadd.s32 v5, v26;
	v22 =	vld [tilespmem:s1+$0xFFFFFFD0]  }
0x1c6: {  	v28 =	vld [tilespmem:s1+$0xFFFFFFE0];
	[tilespmem:v37+s20+$0x0] =	vst.idx.msk vm3, v32;
	vm3 =	vmmov vm0  }
0x1c7: {  	v23 =	vsel vm7, $0x1, v1;
	v24 =	vadd.s32 v5, v25;
	v29 =	vld [tilespmem:s1+$0xFFFFFFF0];
	[tilespmem:v39+s20+$0x0] =	vst.idx.msk vm4, v31  }
0x1c8: {  	v63 =	vadd.s32 v23, v26;
	v26 =	vld [tilespmem:s1+$0x0];
	[tilespmem:v35+s20+$0x0] =	vst.idx.msk vm2, v36  }
0x1c9: {  	[tilespmem:v33+s20+$0x0] =	vst.idx.msk vm6, v27;
	v27 =	vld [tilespmem:s1+$0x10];
	vm2 =	vle.f32 v38, v12  }
0x1ca: {  	v25 =	vld [tilespmem:s1+$0x20];
	v23 =	vadd.s32 v5, v63;
	[tilespmem:v34+s20+$0x0] =	vst.idx.msk vm7, v30;
	vm1 =	vle.f32 v22, v12;
	v30 =	vsel vm2, $0x1, v1  }
0x1cb: {  	s4 =	simm.s32 $0x8;
	s5 =	simm.s32 $0xC140;
	[tilespmem:v0+s20+$0x0] =	vst.idx.msk vm5, v4;
	vm0 =	vle.f32 v28, v12;
	v28 =	vld [tilespmem:s1+$0x30];
	v22 =	vadd.s32 v30, v63;
	v30 =	vsel vm1, $0x1, v1  }
.LBB2_19:
0x1cc: {  	v0 =	vld [tilespmem:s5+$0xFFFFFFC0];
	v4 =	vadd.s32 v30, v22;
	v30 =	vsel vm0, $0x1, v1;
	vm4 =	vle.f32 v29, v12;
	[tilespmem:v24+s20+$0x0] =	vst.idx.msk vm3, v8  }
0x1cd: {  	v8 =	vld [tilespmem:s0+$0xFFFFFFD0];
	v24 =	vadd.s32 v30, v4;
	v29 =	vsel vm4, $0x1, v1;
	vm5 =	vle.f32 v26, v12  }
0x1ce: {  	v31 =	vld [tilespmem:s0+$0xFFFFFFE0];
	v26 =	vadd.s32 v29, v24;
	v29 =	vsel vm5, $0x1, v1;
	vm6 =	vle.f32 v27, v12  }
0x1cf: {  	s4 =	sadd.s32 $0x8, s4;
	[tilespmem:v23+s20+$0x0] =	vst.idx.msk vm2, v13;
	v30 =	vld [tilespmem:s0+$0xFFFFFFF0];
	v23 =	vadd.s32 v29, v26;
	v34 =	vsel vm6, $0x1, v1;
	vm2 =	vle.f32 v25, v12  }
0x1d0: {  	p0 =	slt.u32 s4, $0xF8;
	v25 =	vld [tilespmem:s0+$0x0];
	v33 =	vadd.s32 v34, v23;
	v27 =	vsel vm2, $0x1, v1;
	vm7 =	vle.f32 v28, v12  }
0x1d1: {  	v28 =	vld [tilespmem:s0+$0x20];
	v29 =	vadd.s32 v5, v33;
	v27 =	vadd.s32 v27, v33;
	v32 =	vsel vm7, $0x1, v1;
	v13 =	vmovc v0  }
0x1d2: {  	v0 =	vadd.s32 v5, v23;
	v33 =	vld [tilespmem:s0+$0x30];
	v34 =	vadd.s32 v5, v27;
	v32 =	vadd.s32 v32, v27  }
0x1d3: {  	s1 =	sadd.s32 $0x80, s1;
	v4 =	vadd.s32 v5, v4;
	v35 =	vadd.s32 v5, v24;
	v36 =	vadd.s32 v5, v26;
	v27 =	vld [tilespmem:s0+$0x10];
	s0 =	smov.u32 s5  }
0x1d4: {  	vm3 =	vmmov vm1;
	v24 =	vadd.s32 v5, v22;
	v23 =	vadd.s32 v5, v32;
	v37 =	vld [tilespmem:s1+$0xFFFFFFC0]  }
0x1d5: {  	v22 =	vld [tilespmem:s1+$0xFFFFFFD0]  }
0x1d6: {  	v38 =	vld [tilespmem:s1+$0xFFFFFFE0];
	[tilespmem:v29+s20+$0x0] =	vst.idx.msk vm2, v28  }
.Ltmp13:
0x1d7: {  	v29 =	vld [tilespmem:s1+$0xFFFFFFF0];
	[tilespmem:v34+s20+$0x0] =	vst.idx.msk vm7, v33;
	(pc) =	sbr.rel @p0 .LBB2_19-.Ltmp13, $4  }
0x1d8: {  	v26 =	vld [tilespmem:s1+$0x0];
	[tilespmem:v0+s20+$0x0] =	vst.idx.msk vm6, v27  }
0x1d9: {  	vm2 =	vle.f32 v37, v12;
	v27 =	vld [tilespmem:s1+$0x10];
	[tilespmem:v36+s20+$0x0] =	vst.idx.msk vm5, v25  }
0x1da: {  	v0 =	vsel vm2, $0x1, v1;
	vm1 =	vle.f32 v22, v12;
	v25 =	vld [tilespmem:s1+$0x20];
	[tilespmem:v35+s20+$0x0] =	vst.idx.msk vm4, v30  }
0x1db: {  	s5 =	sadd.s32 $0x80, s5;
	v22 =	vadd.s32 v0, v32;
	v30 =	vsel vm1, $0x1, v1;
	v28 =	vld [tilespmem:s1+$0x30];
	[tilespmem:v4+s20+$0x0] =	vst.idx.msk vm0, v31;
	vm0 =	vle.f32 v38, v12  }
0x1dc: {  	v0 =	vmul.f32 v20, v20;
	_ =	sdelay $0x1  }
0x1dd: {  	v4 =	vmul.f32 v19, v19;
	v0 =	vadd.f32 v0, v11;
	_ =	sdelay $0x1  }
0x1de: {  	v0 =	vadd.f32 v4, v0;
	v4 =	vmul.f32 v17, v17;
	_ =	sdelay $0x1  }
0x1df: {  	v0 =	vadd.f32 v4, v0;
	_ =	sdelay $0x1  }
0x1e0: {  	(erf) = vrcp.f32 v0  }
0x1e1: {  	v4 =	vsub.f32 v16, v18;
	v0 =	vsub.f32 v14, v15;
	_ =	sdelay $0x1  }
0x1e2: {  	v10 =	vsub.f32 v10, v21;
	v4 =	vmul.f32 v4, v4;
	v0 =	vmul.f32 v0, v0;
	_ =	sdelay $0x1  }
0x1e3: {  	v0 =	vadd.f32 v4, v0;
	v4 =	vmul.f32 v10, v10;
	_ =	sdelay $0x2  }
0x1e4: {  	v0 =	vadd.f32 v4, v0  }
0x1e5: {  	v4 =	vpop (erf)  }
0x1e6: {  	v10 =	vmul.f32 v0, v4;
	_ =	sdelay $0x1  }
0x1e7: {  	v0 =	vshrl.u32 v10, $0x1  }
0x1e8: {  	v0 =	vadd.s32 $0x1FBD1DF5, v0  }
0x1e9: {  	(erf) = vrcp.f32 v0;
	_ =	sdelay $0x3  }
0x1ea: {  	vm4 =	vle.f32 v29, v12;
	v11 =	vsel vm0, $0x1, v1;
	v4 =	vadd.s32 v30, v22  }
0x1eb: {  	vm5 =	vle.f32 v26, v12;
	v54 =	vadd.s32 v11, v4;
	v11 =	vsel vm4, $0x1, v1  }
0x1ec: {  	vm6 =	vle.f32 v27, v12;
	v55 =	vadd.s32 v11, v54;
	v11 =	vsel vm5, $0x1, v1  }
0x1ed: {  	vm7 =	vle.f32 v25, v12;
	v57 =	vadd.s32 v11, v55;
	v11 =	vsel vm6, $0x1, v1  }
0x1ee: {  	vm8 =	vle.f32 v28, v12;
	v18 =	vadd.s32 v11, v57;
	v11 =	vsel vm7, $0x1, v1  }
0x1ef: {  	v58 =	vadd.s32 v11, v18;
	v11 =	vsel vm8, $0x1, v1;
	v56 =	vpop (erf)  }
0x1f0: {  	v11 =	vadd.s32 v11, v58;
	v16 =	vmul.f32 v56, v10  }
0x1f1: {  	v59 =	vxor.u32 $0x80000000, v11  }
0x1f2: {  	(xrf0) =	vmax.scan.msk.u32 $0xffff, v59;
	v0 =	vadd.f32 v0, v16;
	_ =	sdelay $0x1  }
0x1f3: {  	v0 =	vmul.f32 $5.000000000e-01, v0;
	_ =	sdelay $0x1  }
0x1f4: {  	(erf) = vrcp.f32 v0;
	_ =	sdelay $0x1  }
0x1f5: {  	v16, _, _ =	vpop (xrf0)  }
0x1f6: {  	(v2sf) =	vpush v16, $0xF;
	_ =	sdelay $0x5  }
0x1f7: {  	v60 =	vpop (erf)  }
0x1f8: {  	v16 =	vmul.f32 v60, v10;
	_ =	sdelay $0x1  }
0x1f9: {  	v0 =	vadd.f32 v16, v0  }
0x1fa: {  	v61 =	vld [tilespmem:s0+$0x20]  }
0x1fb: {  	v19 =	vld [tilespmem:s0+$0x10];
	v18 =	vadd.s32 v5, v18;
	v20 =	vmul.f32 $5.000000000e-01, v0  }
0x1fc: {  	v21 =	vld [tilespmem:s0+$0xFFFFFFE0];
	v4 =	vadd.s32 v5, v4  }
0x1fd: {  	v62 =	vld [tilespmem:s0+$0xFFFFFFF0];
	v14 =	vadd.s32 v5, v54;
	(erf) = vrcp.f32 v20  }
0x1fe: {  	[tilespmem:v24+s20+$0x0] =	vst.idx.msk vm3, v8;
	v8 =	vld [tilespmem:s0+$0x0];
	v15 =	vadd.s32 v5, v55  }
0x1ff: {  	[tilespmem:v23+s20+$0x0] =	vst.idx.msk vm2, v13;
	vm1 =	vmmov vm1;
	v63 =	vld [tilespmem:s0+$0xFFFFFFD0];
	v17 =	vadd.s32 v5, v57;
	s31 =	spop (v2sf)  }
0x200: {  	[tilespmem:v18+s20+$0x0] =	vst.idx.msk vm7, v61;
	v18 =	vadd.s32 v5, v22;
	v0 =	vld [tilespmem:s0+$0x30];
	s0 =	sxor.u32 $0x80000000, s31  }
0x201: {  	v12 =	vadd.s32 v5, v58;
	[tilespmem:v4+s20+$0x0] =	vst.idx.msk vm0, v21;
	p0 =	slt.s32 s0, $0x1  }
.Ltmp14:
0x202: {  	[tilespmem:v14+s20+$0x0] =	vst.idx.msk vm4, v62;
	(pc) =	sbr.rel @p0 .LBB2_21-.Ltmp14, $4  }
0x203: {  	[tilespmem:v15+s20+$0x0] =	vst.idx.msk vm5, v8  }
0x204: {  	[tilespmem:v17+s20+$0x0] =	vst.idx.msk vm6, v19  }
0x205: {  	[tilespmem:v18+s20+$0x0] =	vst.idx.msk vm1, v63  }
0x206: {  	s1 =	simm.s32 $0x0;
	v8 =	vimm.f32 $+Inf;
	[tilespmem:v12+s20+$0x0] =	vst.idx.msk vm8, v0;
	v21 =	vpop (erf)  }
0x207: {  	v0 =	vadd.s32 s1, v5;
	_ =	sdelay $0x4  }
0x208: {  	v12 =	vld.idx.msk [tilespmem:v0+s20+$0x0], $0xffff;
	_ =	sdelay $0x2  }
0x209: {  	p2 =	sne.s32 s0, $0x1  }
.Ltmp15:
0x20a: {  	_ = 	snop;
	(pc) =	sbr.rel @!p2 .LBB2_23-.Ltmp15, $2  }
0x20b: {  	_ =	sdelay $0x2  }
0x20c: {  	s4 =	simm.s32 $0x1;
	p0 =	por $0x0, $0x0;
	p1 =	por $0x0, $0x0;
	v14 =	vld.idx.msk [tilespmem:v12+s22+$0x0], $0xffff  }
0x20d: {  	v0 =	vadd.s32 s4, v5;
	_ =	sdelay $0x1  }
0x20e: {  	v4 =	vmov s1  }
0x20f: {  	vm0 =	vlt.s32 v4, v11  }
0x210: {  	v4 =	vnsel vm0, $0x7F800000, v14  }
0x211: {  	(xrf1) =	vsort.ascd.msk.f32 $0xffff, v4, v12;
	v12 =	vld.idx.msk [tilespmem:v0+s20+$0x0], $0xffff;
	_ =	sdelay $0x2  }
0x212: {  	p2 =	sne.s32 s0, $0x2  }
.Ltmp16:
0x213: {  	_ = 	snop;
	(pc) =	sbr.rel @!p2 .LBB2_25-.Ltmp16, $2  }
0x214: {  	_ =	sdelay $0x2  }
0x215: {  	s1 =	simm.s32 $0x2;
	v13 =	vmul.u32 $0xFFFFFFFF, v40;
	p0 =	por $0x1, $0x1;
	v14 =	vld.idx.msk [tilespmem:v12+s22+$0x0], $0xffff  }
0x216: {  	v0 =	vadd.s32 s1, v5;
	_ =	sdelay $0x1  }
0x217: {  	v4 =	vmov s4  }
0x218: {  	vm0 =	vlt.s32 v4, v11  }
0x219: {  	v14 =	vnsel vm0, $0x7F800000, v14  }
0x21a: {  	v4, v15, _ =	vpop (xrf1);
	(xrf1) =	vsort.ascd.msk.f32 $0xffff, v14, v12;
	v12 =	vld.idx.msk [tilespmem:v0+s20+$0x0], $0xffff;
	v0 =	vadd.s32 $0xF, v13  }
0x21b: {  	v4 =	vperm.xlane v4, v0  }
0x21c: {  	v0 =	vperm.xlane v15, v0  }
0x21d: {  	vm15 =	vle.f32 v8, v4  }
0x21e: {  	v4 =	vsel vm15, v8, v4;
	v0 =	vsel vm15, v6, v0  }
0x21f: {  	(xrf1) =	vsort.ascd.msk.f32 $0xffff, v4, v0;
	_ =	sdelay $0x4  }
0x220: {  	p2 =	sne.s32 s0, $0x3  }
.Ltmp17:
0x221: {  	_ = 	snop;
	(pc) =	sbr.rel @!p2 .LBB2_27-.Ltmp17, $3  }
0x222: {  	_ =	sdelay $0x1  }
0x223: {  	v14 =	vld.idx.msk [tilespmem:v12+s22+$0x0], $0xffff  }
0x224: {  	s4 =	simm.s32 $0x3;
	p1 =	por $0x1, $0x1  }
.LBB2_28:
0x225: {  	_ = 	snop  }
0x226: {  	v0 =	vadd.s32 s4, v5;
	v4 =	vmov s1;
	v15 =	vadd.s32 $0xF, v13;
	s1 =	smov.u32 s4;
	s4 =	sadd.s32 $0x1, s4;
	v16, v17, _ =	vpop (xrf1)  }
0x227: {  	p2 =	sne.s32 s0, s4;
	vm0 =	vlt.s32 v4, v11;
	v4 =	vperm.xlane v16, v15  }
0x228: {  	v14 =	vnsel vm0, $0x7F800000, v14;
	v15 =	vperm.xlane v17, v15;
	v16, v17, _ =	vpop (xrf1)  }
0x229: {  	(xrf1) =	vsort.ascd.msk.f32 $0xffff, v14, v12;
	vm0 =	vle.f32 v16, v4  }
0x22a: {  	v4 =	vsel vm0, v16, v4;
	v14 =	vsel vm0, v17, v15  }
0x22b: {  	v12 =	vld.idx.msk [tilespmem:v0+s20+$0x0], $0xffff;
	(xrf1) =	vsort.ascd.msk.f32 $0xffff, v4, v14;
	_ =	sdelay $0x5  }
.Ltmp18:
0x22c: {  	(pc) =	sbr.rel @p2 .LBB2_28-.Ltmp18, $2  }
0x22d: {  	_ = 	snop  }
0x22e: {  	v14 =	vld.idx.msk [tilespmem:v12+s22+$0x0], $0xffff;
	_ =	sdelay $0x2  }
.LBB2_29:
0x22f: {  	_ =	sdelay $0x1  }
0x230: {  	v0 =	vadd.s32 @p0 $0xF, v13;
	v4, v13, _ =	vpop @p0 (xrf1)  }
0x231: {  	v15 =	vmov s1;
	v4 =	vperm.xlane @p0 v4, v0;
	v16, v17, _ =	vpop @p1 (xrf1)  }
0x232: {  	vm0 =	vlt.s32 v15, v11;
	v0 =	vperm.xlane @p0 v13, v0;
	v11 =	vpsel p1, v16, v8  }
0x233: {  	v63 =	vnsel vm0, $0x7F800000, v14;
	v14 =	vpsel p1, v17, v6;
	vm0 =	vle.f32 @p0 v11, v4  }
0x234: {  	(xrf1) =	vsort.ascd.msk.f32 $0xffff, v63, v12;
	v4 =	vsel @p0 vm0, v11, v4;
	v0 =	vsel @p0 vm0, v14, v0  }
0x235: {  	(xrf1) =	vsort.ascd.msk.f32 @p0 $0xffff, v4, v0;
	_ =	sdelay $0xa  }
0x236: {  	v0 =	vmul.u32 $0xFFFFFFFF, v40;
	_ =	sdelay $0x1  }
0x237: {  	v0 =	vadd.s32 $0xF, v0;
	v4, v11, _ =	vpop (xrf1)  }
0x238: {  	v4 =	vperm.xlane v4, v0;
	v12, v13, _ =	vpop @p0 (xrf1)  }
0x239: {  	v0 =	vperm.xlane v11, v0;
	v8 =	vpsel p0, v12, v8  }
0x23a: {  	v11 =	vpsel p0, v13, v6;
	vm15 =	vle.f32 v8, v4  }
0x23b: {  	v4 =	vsel vm15, v8, v4;
	v0 =	vsel vm15, v11, v0  }
0x23c: {  	(xrf1) =	vsort.ascd.msk.f32 $0xffff, v4, v0;
	_ =	sdelay $0x9  }
.Ltmp19:
0x23d: {  	_ = 	snop;
	(pc) =	sbr.rel .LBB2_30-.Ltmp19, $2  }
0x23e: {  	_ =	sdelay $0x2  }
0x23f: {  	v8, v17, _ =	vpop (xrf1)  }
.LBB2_21:
0x240: {  	v17 =	vmov v6  }
.LBB2_30:
0x241: {  	_ =	sdelay $0x3  }
0x242: {  	v18 =	vld.idx.msk [tilespmem:v6+s2+$0x0], $0xffff  }
0x243: {  	v16 =	vld.idx.msk [tilespmem:v6+s18+$0x0], $0xffff  }
0x244: {  	v14 =	vld.idx.msk [tilespmem:v6+s19+$0x0], $0xffff  }
0x245: {  	v11 =	vld.idx.msk [tilespmem:v17+s15+$0x0], $0xffff  }
0x246: {  	v12 =	vld.idx.msk [tilespmem:v6+s15+$0x0], $0xffff;
	(xrf0) =	vmax.scan.msk.f32 $0xffff, v9  }
0x247: {  	v13 =	vld.idx.msk [tilespmem:v17+s16+$0x0], $0xffff  }
0x248: {  	v15 =	vld.idx.msk [tilespmem:v6+s16+$0x0], $0xffff  }
0x249: {  	v19 =	vld.idx.msk [tilespmem:v6+s17+$0x0], $0xffff;
	s0 =	simm.s32 $0x9040  }
0x24a: {  	v4 =	vld [tilespmem:s0+$0xFFFFFFC0]  }
0x24b: {  	v6 =	vld [tilespmem:s0+$0xFFFFFFD0]  }
0x24c: {  	v22 =	vld [tilespmem:s0+$0xFFFFFFE0];
	v9, _, _ =	vpop (xrf0)  }
0x24d: {  	v10 =	vmul.f32 v21, v10;
	v21 =	vld [tilespmem:s0+$0xFFFFFFF0];
	v9 =	vbroadcast v9, $0xF  }
0x24e: {  	v23 =	vld [tilespmem:s0+$0x0]  }
0x24f: {  	v24 =	vimm.s32 $0x0;
	vm2 =	vle.f32 v4, v9;
	v4 =	vld [tilespmem:s0+$0x10]  }
0x250: {  	v25 =	vld [tilespmem:s0+$0x20];
	v20 =	vadd.f32 v10, v20;
	vm0 =	vle.f32 v6, v9;
	v10 =	vsel vm2, $0x1, v1  }
0x251: {  	v17 =	vld.idx.msk [tilespmem:v17+s17+$0x0], $0xffff;
	vm4 =	vle.f32 v22, v9;
	v6 =	vsel vm0, $0x1, v1;
	v26 =	vadd.s32 v10, v24  }
0x252: {  	s1 =	simm.s32 $0xC040;
	v22 =	vld [tilespmem:s0+$0x30];
	vm5 =	vle.f32 v21, v9;
	v28 =	vsel vm4, $0x1, v1;
	v27 =	vadd.s32 v6, v26  }
0x253: {  	v0 =	vld [tilespmem:s1+$0xFFFFFFC0];
	vm1 =	vle.f32 v23, v9;
	v21 =	vadd.s32 v28, v27;
	v28 =	vsel vm5, $0x1, v1  }
0x254: {  	v29 =	vld [tilespmem:s1+$0xFFFFFFE0];
	v23 =	vadd.s32 v28, v21;
	v28 =	vsel vm1, $0x1, v1;
	vm3 =	vle.f32 v4, v9  }
0x255: {  	v30 =	vld [tilespmem:s1+$0xFFFFFFF0];
	vm6 =	vle.f32 v25, v9;
	v4 =	vadd.s32 v28, v23;
	v28 =	vsel vm3, $0x1, v1  }
0x256: {  	v31 =	vld [tilespmem:s1+$0x0];
	v24 =	vadd.s32 v5, v24;
	v25 =	vadd.s32 v28, v4;
	v28 =	vsel vm6, $0x1, v1  }
0x257: {  	vm7 =	vle.f32 v22, v9;
	v22 =	vld [tilespmem:s1+$0x20];
	v32 =	vadd.s32 v5, v25;
	v25 =	vadd.s32 v28, v25  }
0x258: {  	v28 =	vld [tilespmem:s1+$0x30];
	v33 =	vadd.s32 v5, v25  }
0x259: {  	v35 =	vld [tilespmem:s1+$0x10];
	s0 =	simm.s32 $0xC0C0  }
0x25a: {  	v10 =	vld [tilespmem:s0+$0xFFFFFFC0];
	v34 =	vadd.s32 v5, v4  }
0x25b: {  	v6 =	vld [tilespmem:s1+$0xFFFFFFD0];
	[tilespmem:v24+s20+$0x0] =	vst.idx.msk vm2, v0;
	s1 =	simm.s32 $0x90C0  }
0x25c: {  	v20 =	vmul.f32 $5.000000000e-01, v20;
	v36 =	vld [tilespmem:s1+$0xFFFFFFC0];
	[tilespmem:v32+s20+$0x0] =	vst.idx.msk vm6, v22  }
0x25d: {  	v23 =	vadd.s32 v5, v23;
	v4 =	vsel vm7, $0x1, v1;
	v37 =	vld [tilespmem:s1+$0xFFFFFFD0];
	[tilespmem:v33+s20+$0x0] =	vst.idx.msk vm7, v28  }
0x25e: {  	v0 =	vadd.f32 $-1.000000000e+00, v20;
	v20 =	vadd.s32 v5, v21;
	v39 =	vadd.s32 v4, v25;
	v4 =	vld [tilespmem:$0x1FFE0]  }
0x25f: {  	v38 =	vadd.s32 v5, v27;
	v63 =	vld [tilespmem:s1+$0xFFFFFFE0];
	[tilespmem:v34+s20+$0x0] =	vst.idx.msk vm3, v35;
	vm3 =	vmmov vm0  }
0x260: {  	v27 =	vld [tilespmem:s1+$0xFFFFFFF0];
	v22 =	vadd.s32 v5, v26  }
0x261: {  	v24 =	vld [tilespmem:s1+$0x0]  }
0x262: {  	v0 =	vmax.f32 v0, $0.0e+00;
	v25 =	vld [tilespmem:s1+$0x10];
	v21 =	vadd.s32 v5, v39;
	vm2 =	vle.f32 v36, v9;
	[tilespmem:v23+s20+$0x0] =	vst.idx.msk vm1, v31  }
0x263: {  	vm1 =	vle.f32 v37, v9;
	v23 =	vld [tilespmem:s1+$0x20];
	[tilespmem:v20+s20+$0x0] =	vst.idx.msk vm5, v30;
	v4 =	vadd.f32 v0, v4;
	v0 =	vsel vm2, $0x1, v1  }
0x264: {  	s4 =	simm.s32 $0x8;
	s5 =	simm.s32 $0xC140;
	v26 =	vld [tilespmem:s1+$0x30];
	vm0 =	vle.f32 v63, v9;
	[tilespmem:v38+s20+$0x0] =	vst.idx.msk vm4, v29;
	v28 =	vsel vm1, $0x1, v1;
	v20 =	vadd.s32 v0, v39  }
.LBB2_31:
0x265: {  	v0 =	vld [tilespmem:s5+$0xFFFFFFC0];
	v28 =	vadd.s32 v28, v20;
	v29 =	vsel vm0, $0x1, v1;
	vm4 =	vle.f32 v27, v9;
	[tilespmem:v22+s20+$0x0] =	vst.idx.msk vm3, v6  }
0x266: {  	v6 =	vld [tilespmem:s0+$0xFFFFFFD0];
	v22 =	vadd.s32 v29, v28;
	v27 =	vsel vm4, $0x1, v1;
	vm5 =	vle.f32 v24, v9  }
0x267: {  	v29 =	vld [tilespmem:s0+$0xFFFFFFE0];
	v24 =	vadd.s32 v27, v22;
	v27 =	vsel vm5, $0x1, v1;
	vm6 =	vle.f32 v25, v9  }
0x268: {  	s4 =	sadd.s32 $0x8, s4;
	[tilespmem:v21+s20+$0x0] =	vst.idx.msk vm2, v10;
	v30 =	vld [tilespmem:s0+$0xFFFFFFF0];
	v21 =	vadd.s32 v27, v24;
	v33 =	vsel vm6, $0x1, v1;
	vm2 =	vle.f32 v23, v9  }
0x269: {  	p0 =	slt.u32 s4, $0xF8;
	v23 =	vld [tilespmem:s0+$0x0];
	v32 =	vadd.s32 v33, v21;
	v25 =	vsel vm2, $0x1, v1;
	vm7 =	vle.f32 v26, v9  }
0x26a: {  	v26 =	vld [tilespmem:s0+$0x20];
	v27 =	vadd.s32 v5, v32;
	v25 =	vadd.s32 v25, v32;
	v31 =	vsel vm7, $0x1, v1;
	v10 =	vmovc v0  }
0x26b: {  	v0 =	vadd.s32 v5, v21;
	v32 =	vld [tilespmem:s0+$0x30];
	v33 =	vadd.s32 v5, v25;
	v31 =	vadd.s32 v31, v25  }
0x26c: {  	s1 =	sadd.s32 $0x80, s1;
	v34 =	vadd.s32 v5, v28;
	v28 =	vadd.s32 v5, v22;
	v35 =	vadd.s32 v5, v24;
	v25 =	vld [tilespmem:s0+$0x10];
	s0 =	smov.u32 s5  }
0x26d: {  	vm3 =	vmmov vm1;
	v22 =	vadd.s32 v5, v20;
	v21 =	vadd.s32 v5, v31;
	v36 =	vld [tilespmem:s1+$0xFFFFFFC0]  }
0x26e: {  	v20 =	vld [tilespmem:s1+$0xFFFFFFD0]  }
0x26f: {  	v37 =	vld [tilespmem:s1+$0xFFFFFFE0];
	[tilespmem:v27+s20+$0x0] =	vst.idx.msk vm2, v26  }
.Ltmp20:
0x270: {  	v27 =	vld [tilespmem:s1+$0xFFFFFFF0];
	[tilespmem:v33+s20+$0x0] =	vst.idx.msk vm7, v32;
	(pc) =	sbr.rel @p0 .LBB2_31-.Ltmp20, $4  }
0x271: {  	v24 =	vld [tilespmem:s1+$0x0];
	[tilespmem:v0+s20+$0x0] =	vst.idx.msk vm6, v25  }
0x272: {  	vm2 =	vle.f32 v36, v9;
	v25 =	vld [tilespmem:s1+$0x10];
	[tilespmem:v35+s20+$0x0] =	vst.idx.msk vm5, v23  }
0x273: {  	v0 =	vsel vm2, $0x1, v1;
	vm1 =	vle.f32 v20, v9;
	v23 =	vld [tilespmem:s1+$0x20];
	[tilespmem:v28+s20+$0x0] =	vst.idx.msk vm4, v30  }
0x274: {  	s5 =	sadd.s32 $0x80, s5;
	v20 =	vadd.s32 v0, v31;
	v28 =	vsel vm1, $0x1, v1;
	v26 =	vld [tilespmem:s1+$0x30];
	[tilespmem:v34+s20+$0x0] =	vst.idx.msk vm0, v29;
	vm0 =	vle.f32 v37, v9  }
0x275: {  	v0 =	vmul.f32 v18, v18;
	_ =	sdelay $0x1  }
0x276: {  	v0 =	vadd.f32 v0, v8;
	v8 =	vmul.f32 v16, v16;
	_ =	sdelay $0x1  }
0x277: {  	v0 =	vadd.f32 v8, v0;
	v8 =	vmul.f32 v14, v14;
	_ =	sdelay $0x1  }
0x278: {  	v0 =	vadd.f32 v8, v0;
	_ =	sdelay $0x1  }
0x279: {  	(erf) = vrcp.f32 v0  }
0x27a: {  	v8 =	vsub.f32 v13, v15;
	v0 =	vsub.f32 v11, v12;
	_ =	sdelay $0x1  }
0x27b: {  	v11 =	vsub.f32 v17, v19;
	v8 =	vmul.f32 v8, v8;
	v0 =	vmul.f32 v0, v0;
	_ =	sdelay $0x1  }
0x27c: {  	v0 =	vadd.f32 v8, v0;
	v8 =	vmul.f32 v11, v11;
	_ =	sdelay $0x2  }
0x27d: {  	v0 =	vadd.f32 v8, v0  }
0x27e: {  	v8 =	vpop (erf)  }
0x27f: {  	v8 =	vmul.f32 v0, v8;
	_ =	sdelay $0x1  }
0x280: {  	v0 =	vshrl.u32 v8, $0x1  }
0x281: {  	v0 =	vadd.s32 $0x1FBD1DF5, v0  }
0x282: {  	(erf) = vrcp.f32 v0;
	_ =	sdelay $0x3  }
0x283: {  	v58 =	vadd.s32 v28, v20;
	vm4 =	vle.f32 v27, v9;
	v11 =	vsel vm0, $0x1, v1  }
0x284: {  	vm5 =	vle.f32 v24, v9;
	v59 =	vadd.s32 v11, v58;
	v11 =	vsel vm4, $0x1, v1  }
0x285: {  	vm6 =	vle.f32 v25, v9;
	v60 =	vadd.s32 v11, v59;
	v11 =	vsel vm5, $0x1, v1  }
0x286: {  	vm7 =	vle.f32 v23, v9;
	v16 =	vadd.s32 v11, v60;
	v11 =	vsel vm6, $0x1, v1  }
0x287: {  	vm8 =	vle.f32 v26, v9;
	v17 =	vadd.s32 v11, v16;
	v11 =	vsel vm7, $0x1, v1  }
0x288: {  	v9 =	vsel vm8, $0x1, v1;
	v62 =	vadd.s32 v11, v17;
	v61 =	vpop (erf)  }
0x289: {  	v11 =	vadd.s32 v9, v62;
	v15 =	vmul.f32 v61, v8  }
0x28a: {  	v9 =	vxor.u32 $0x80000000, v11  }
0x28b: {  	(xrf0) =	vmax.scan.msk.u32 $0xffff, v9;
	v0 =	vadd.f32 v0, v15;
	_ =	sdelay $0x1  }
0x28c: {  	v0 =	vmul.f32 $5.000000000e-01, v0;
	_ =	sdelay $0x1  }
0x28d: {  	(erf) = vrcp.f32 v0;
	_ =	sdelay $0x1  }
0x28e: {  	v9, _, _ =	vpop (xrf0)  }
0x28f: {  	(v2sf) =	vpush v9, $0xF;
	_ =	sdelay $0x5  }
0x290: {  	v9 =	vpop (erf)  }
0x291: {  	v9 =	vmul.f32 v9, v8;
	_ =	sdelay $0x1  }
0x292: {  	v0 =	vadd.f32 v9, v0  }
0x293: {  	v18 =	vld [tilespmem:s0+$0x20];
	v17 =	vadd.s32 v5, v17  }
0x294: {  	[tilespmem:v22+s20+$0x0] =	vst.idx.msk vm3, v6;
	v6 =	vld [tilespmem:s0+$0x0];
	v9 =	vmul.f32 $5.000000000e-01, v0  }
0x295: {  	v63 =	vld [tilespmem:s0+$0xFFFFFFE0];
	v12 =	vadd.s32 v5, v58  }
0x296: {  	[tilespmem:v21+s20+$0x0] =	vst.idx.msk vm2, v10;
	v10 =	vld [tilespmem:s0+$0xFFFFFFF0];
	v13 =	vadd.s32 v5, v59;
	(erf) = vrcp.f32 v9  }
0x297: {  	v19 =	vld [tilespmem:s0+$0x10];
	v14 =	vadd.s32 v5, v60  }
0x298: {  	vm1 =	vmmov vm1;
	v16 =	vadd.s32 v5, v16;
	[tilespmem:v17+s20+$0x0] =	vst.idx.msk vm7, v18;
	v17 =	vld [tilespmem:s0+$0xFFFFFFD0];
	s31 =	spop (v2sf)  }
0x299: {  	v18 =	vadd.s32 v5, v20;
	v0 =	vld [tilespmem:s0+$0x30];
	s0 =	sxor.u32 $0x80000000, s31  }
0x29a: {  	[tilespmem:v12+s20+$0x0] =	vst.idx.msk vm0, v63;
	v15 =	vadd.s32 v5, v62;
	p0 =	slt.s32 s0, $0x1  }
.Ltmp21:
0x29b: {  	[tilespmem:v13+s20+$0x0] =	vst.idx.msk vm4, v10;
	(pc) =	sbr.rel @p0 .LBB2_33-.Ltmp21, $4  }
0x29c: {  	[tilespmem:v14+s20+$0x0] =	vst.idx.msk vm5, v6  }
0x29d: {  	[tilespmem:v16+s20+$0x0] =	vst.idx.msk vm6, v19  }
0x29e: {  	[tilespmem:v18+s20+$0x0] =	vst.idx.msk vm1, v17  }
0x29f: {  	s1 =	simm.s32 $0x0;
	v6 =	vimm.f32 $+Inf;
	[tilespmem:v15+s20+$0x0] =	vst.idx.msk vm8, v0;
	v19 =	vpop (erf)  }
0x2a0: {  	v0 =	vadd.s32 s1, v5;
	_ =	sdelay $0x4  }
0x2a1: {  	v10 =	vld.idx.msk [tilespmem:v0+s20+$0x0], $0xffff;
	_ =	sdelay $0x2  }
0x2a2: {  	p2 =	sne.s32 s0, $0x1  }
.Ltmp22:
0x2a3: {  	_ = 	snop;
	(pc) =	sbr.rel @!p2 .LBB2_35-.Ltmp22, $2  }
0x2a4: {  	_ =	sdelay $0x2  }
0x2a5: {  	s4 =	simm.s32 $0x1;
	p0 =	por $0x0, $0x0;
	p1 =	por $0x0, $0x0;
	v13 =	vld.idx.msk [tilespmem:v10+s23+$0x0], $0xffff  }
0x2a6: {  	v0 =	vadd.s32 s4, v5;
	_ =	sdelay $0x1  }
0x2a7: {  	v12 =	vmov s1  }
0x2a8: {  	vm0 =	vlt.s32 v12, v11  }
0x2a9: {  	v12 =	vnsel vm0, $0x7F800000, v13  }
0x2aa: {  	(xrf1) =	vsort.ascd.msk.f32 $0xffff, v12, v10;
	v10 =	vld.idx.msk [tilespmem:v0+s20+$0x0], $0xffff;
	_ =	sdelay $0x2  }
0x2ab: {  	p2 =	sne.s32 s0, $0x2  }
.Ltmp23:
0x2ac: {  	_ = 	snop;
	(pc) =	sbr.rel @!p2 .LBB2_37-.Ltmp23, $2  }
0x2ad: {  	_ =	sdelay $0x2  }
0x2ae: {  	s1 =	simm.s32 $0x2;
	p0 =	por $0x1, $0x1;
	v12 =	vmul.u32 $0xFFFFFFFF, v40;
	v13 =	vld.idx.msk [tilespmem:v10+s23+$0x0], $0xffff  }
0x2af: {  	v0 =	vadd.s32 s1, v5;
	_ =	sdelay $0x1  }
0x2b0: {  	v14 =	vmov s4  }
0x2b1: {  	vm0 =	vlt.s32 v14, v11  }
0x2b2: {  	v13 =	vnsel vm0, $0x7F800000, v13  }
0x2b3: {  	v14, v15, _ =	vpop (xrf1);
	(xrf1) =	vsort.ascd.msk.f32 $0xffff, v13, v10;
	v10 =	vld.idx.msk [tilespmem:v0+s20+$0x0], $0xffff;
	v0 =	vadd.s32 $0xF, v12  }
0x2b4: {  	v13 =	vperm.xlane v14, v0  }
0x2b5: {  	v0 =	vperm.xlane v15, v0  }
0x2b6: {  	vm15 =	vle.f32 v6, v13  }
0x2b7: {  	v13 =	vsel vm15, v6, v13;
	v0 =	vsel vm15, v3, v0  }
0x2b8: {  	(xrf1) =	vsort.ascd.msk.f32 $0xffff, v13, v0;
	_ =	sdelay $0x4  }
0x2b9: {  	p2 =	sne.s32 s0, $0x3  }
.Ltmp24:
0x2ba: {  	_ = 	snop;
	(pc) =	sbr.rel @!p2 .LBB2_39-.Ltmp24, $3  }
0x2bb: {  	_ =	sdelay $0x1  }
0x2bc: {  	v13 =	vld.idx.msk [tilespmem:v10+s23+$0x0], $0xffff  }
0x2bd: {  	s4 =	simm.s32 $0x3;
	p1 =	por $0x1, $0x1  }
.LBB2_40:
0x2be: {  	_ = 	snop  }
0x2bf: {  	v0 =	vadd.s32 s4, v5;
	v14 =	vmov s1;
	v15 =	vadd.s32 $0xF, v12;
	s1 =	smov.u32 s4;
	s4 =	sadd.s32 $0x1, s4;
	v16, v17, _ =	vpop (xrf1)  }
0x2c0: {  	p2 =	sne.s32 s0, s4;
	vm0 =	vlt.s32 v14, v11;
	v14 =	vperm.xlane v16, v15  }
0x2c1: {  	v13 =	vnsel vm0, $0x7F800000, v13;
	v15 =	vperm.xlane v17, v15;
	v16, v17, _ =	vpop (xrf1)  }
0x2c2: {  	(xrf1) =	vsort.ascd.msk.f32 $0xffff, v13, v10;
	vm0 =	vle.f32 v16, v14  }
0x2c3: {  	v13 =	vsel vm0, v16, v14;
	v14 =	vsel vm0, v17, v15  }
0x2c4: {  	v10 =	vld.idx.msk [tilespmem:v0+s20+$0x0], $0xffff;
	(xrf1) =	vsort.ascd.msk.f32 $0xffff, v13, v14;
	_ =	sdelay $0x5  }
.Ltmp25:
0x2c5: {  	(pc) =	sbr.rel @p2 .LBB2_40-.Ltmp25, $2  }
0x2c6: {  	_ = 	snop  }
0x2c7: {  	v13 =	vld.idx.msk [tilespmem:v10+s23+$0x0], $0xffff;
	_ =	sdelay $0x2  }
.LBB2_41:
0x2c8: {  	_ =	sdelay $0x1  }
0x2c9: {  	v0 =	vadd.s32 @p0 $0xF, v12;
	v12, v14, _ =	vpop @p0 (xrf1)  }
0x2ca: {  	v15 =	vmov s1;
	v12 =	vperm.xlane @p0 v12, v0;
	v16, v17, _ =	vpop @p1 (xrf1)  }
0x2cb: {  	vm0 =	vlt.s32 v15, v11;
	v0 =	vperm.xlane @p0 v14, v0;
	v11 =	vpsel p1, v16, v6  }
0x2cc: {  	v13 =	vnsel vm0, $0x7F800000, v13;
	v14 =	vpsel p1, v17, v3;
	vm0 =	vle.f32 @p0 v11, v12  }
0x2cd: {  	(xrf1) =	vsort.ascd.msk.f32 $0xffff, v13, v10;
	v10 =	vsel @p0 vm0, v11, v12;
	v0 =	vsel @p0 vm0, v14, v0  }
0x2ce: {  	(xrf1) =	vsort.ascd.msk.f32 @p0 $0xffff, v10, v0;
	_ =	sdelay $0xa  }
0x2cf: {  	v0 =	vmul.u32 $0xFFFFFFFF, v40;
	_ =	sdelay $0x1  }
0x2d0: {  	v0 =	vadd.s32 $0xF, v0;
	v10, v11, _ =	vpop (xrf1)  }
0x2d1: {  	v10 =	vperm.xlane v10, v0;
	v12, v13, _ =	vpop @p0 (xrf1)  }
0x2d2: {  	v0 =	vperm.xlane v11, v0;
	v6 =	vpsel p0, v12, v6  }
0x2d3: {  	v11 =	vpsel p0, v13, v3;
	vm15 =	vle.f32 v6, v10  }
0x2d4: {  	v6 =	vsel vm15, v6, v10;
	v0 =	vsel vm15, v11, v0  }
0x2d5: {  	(xrf1) =	vsort.ascd.msk.f32 $0xffff, v6, v0;
	_ =	sdelay $0x9  }
.Ltmp26:
0x2d6: {  	_ = 	snop;
	(pc) =	sbr.rel .LBB2_42-.Ltmp26, $2  }
0x2d7: {  	_ =	sdelay $0x2  }
0x2d8: {  	v6, v16, _ =	vpop (xrf1)  }
.LBB2_33:
0x2d9: {  	v16 =	vmov v3  }
.LBB2_42:
0x2da: {  	_ =	sdelay $0x3  }
0x2db: {  	v17 =	vld.idx.msk [tilespmem:v3+s2+$0x0], $0xffff  }
0x2dc: {  	v15 =	vld.idx.msk [tilespmem:v3+s18+$0x0], $0xffff  }
0x2dd: {  	v13 =	vld.idx.msk [tilespmem:v3+s19+$0x0], $0xffff  }
0x2de: {  	v10 =	vld.idx.msk [tilespmem:v16+s15+$0x0], $0xffff  }
0x2df: {  	v11 =	vld.idx.msk [tilespmem:v3+s15+$0x0], $0xffff  }
0x2e0: {  	v12 =	vld.idx.msk [tilespmem:v16+s16+$0x0], $0xffff  }
0x2e1: {  	v14 =	vld.idx.msk [tilespmem:v3+s16+$0x0], $0xffff  }
0x2e2: {  	(xrf0) =	vmax.scan.msk.f32 $0xffff, v7;
	v16 =	vld.idx.msk [tilespmem:v16+s17+$0x0], $0xffff  }
0x2e3: {  	v18 =	vld.idx.msk [tilespmem:v3+s17+$0x0], $0xffff;
	s1 =	simm.s32 $0xC040  }
0x2e4: {  	s0 =	simm.s32 $0xA040;
	v0 =	vld [tilespmem:s1+$0xFFFFFFC0]  }
0x2e5: {  	v3 =	vld [tilespmem:s0+$0xFFFFFFC0]  }
0x2e6: {  	v7 =	vld [tilespmem:s0+$0xFFFFFFD0]  }
0x2e7: {  	v21 =	vld [tilespmem:s0+$0xFFFFFFE0]  }
0x2e8: {  	v22 =	vld [tilespmem:s0+$0x0];
	v20, _, _ =	vpop (xrf0)  }
0x2e9: {  	v19 =	vmul.f32 v19, v8;
	v8 =	vbroadcast v20, $0xF;
	v20 =	vld [tilespmem:s0+$0xFFFFFFF0]  }
0x2ea: {  	v24 =	vld [tilespmem:s0+$0x20]  }
0x2eb: {  	v23 =	vimm.s32 $0x0;
	vm2 =	vle.f32 v3, v8;
	v3 =	vld [tilespmem:s0+$0x10]  }
0x2ec: {  	v28 =	vld [tilespmem:s1+$0xFFFFFFE0];
	v19 =	vadd.f32 v19, v9;
	vm0 =	vle.f32 v7, v8;
	v9 =	vsel vm2, $0x1, v1  }
0x2ed: {  	v29 =	vld [tilespmem:s1+$0xFFFFFFF0];
	vm4 =	vle.f32 v21, v8;
	v7 =	vsel vm0, $0x1, v1;
	v25 =	vadd.s32 v9, v23  }
0x2ee: {  	v21 =	vld [tilespmem:s0+$0x30];
	v27 =	vsel vm4, $0x1, v1;
	v26 =	vadd.s32 v7, v25;
	vm5 =	vle.f32 v20, v8  }
0x2ef: {  	v30 =	vld [tilespmem:s1+$0x0];
	vm1 =	vle.f32 v22, v8;
	v20 =	vadd.s32 v27, v26;
	v27 =	vsel vm5, $0x1, v1  }
0x2f0: {  	v34 =	vld [tilespmem:s1+$0x10];
	s0 =	simm.s32 $0xC0C0;
	v22 =	vadd.s32 v27, v20;
	v27 =	vsel vm1, $0x1, v1;
	vm3 =	vle.f32 v3, v8  }
0x2f1: {  	v9 =	vld [tilespmem:s0+$0xFFFFFFC0];
	v23 =	vadd.s32 v5, v23;
	v3 =	vadd.s32 v27, v22;
	v27 =	vsel vm3, $0x1, v1  }
0x2f2: {  	vm6 =	vle.f32 v24, v8;
	v7 =	vld [tilespmem:s1+$0xFFFFFFD0];
	v24 =	vadd.s32 v27, v3;
	v33 =	vadd.s32 v5, v3  }
0x2f3: {  	vm7 =	vle.f32 v21, v8;
	v21 =	vld [tilespmem:s1+$0x20];
	v27 =	vsel vm6, $0x1, v1;
	v31 =	vadd.s32 v5, v24  }
0x2f4: {  	v19 =	vmul.f32 $5.000000000e-01, v19;
	v37 =	vadd.s32 v5, v26;
	v24 =	vadd.s32 v27, v24;
	v27 =	vld [tilespmem:s1+$0x30];
	s1 =	simm.s32 $0xA0C0  }
0x2f5: {  	v22 =	vadd.s32 v5, v22;
	v35 =	vld [tilespmem:s1+$0xFFFFFFC0]  }
0x2f6: {  	[tilespmem:v23+s20+$0x0] =	vst.idx.msk vm2, v0;
	v0 =	vadd.f32 $-1.000000000e+00, v19;
	v19 =	vadd.s32 v5, v20;
	v36 =	vld [tilespmem:s1+$0xFFFFFFD0]  }
0x2f7: {  	v32 =	vadd.s32 v5, v24;
	v63 =	vld [tilespmem:s1+$0xFFFFFFE0];
	[tilespmem:v33+s20+$0x0] =	vst.idx.msk vm3, v34;
	vm3 =	vmmov vm0  }
0x2f8: {  	v3 =	vsel vm7, $0x1, v1;
	v26 =	vld [tilespmem:s1+$0xFFFFFFF0];
	[tilespmem:v31+s20+$0x0] =	vst.idx.msk vm6, v21;
	v21 =	vadd.s32 v5, v25  }
0x2f9: {  	v0 =	vmax.f32 v0, $0.0e+00;
	v38 =	vadd.s32 v3, v24;
	v23 =	vld [tilespmem:s1+$0x0];
	[tilespmem:v37+s20+$0x0] =	vst.idx.msk vm4, v28  }
0x2fa: {  	v24 =	vld [tilespmem:s1+$0x10];
	v3 =	vadd.f32 v0, v4;
	[tilespmem:v22+s20+$0x0] =	vst.idx.msk vm1, v30;
	vm2 =	vle.f32 v35, v8  }
0x2fb: {  	v20 =	vadd.s32 v5, v38;
	v22 =	vld [tilespmem:s1+$0x20];
	[tilespmem:v19+s20+$0x0] =	vst.idx.msk vm5, v29;
	vm1 =	vle.f32 v36, v8;
	v0 =	vsel vm2, $0x1, v1  }
0x2fc: {  	s4 =	simm.s32 $0x8;
	s5 =	simm.s32 $0xC140;
	v25 =	vld [tilespmem:s1+$0x30];
	[tilespmem:v32+s20+$0x0] =	vst.idx.msk vm7, v27;
	vm0 =	vle.f32 v63, v8;
	v27 =	vsel vm1, $0x1, v1;
	v19 =	vadd.s32 v0, v38  }
.LBB2_43:
0x2fd: {  	v0 =	vld [tilespmem:s5+$0xFFFFFFC0];
	v4 =	vadd.s32 v27, v19;
	v27 =	vsel vm0, $0x1, v1;
	vm4 =	vle.f32 v26, v8;
	[tilespmem:v21+s20+$0x0] =	vst.idx.msk vm3, v7  }
0x2fe: {  	v7 =	vld [tilespmem:s0+$0xFFFFFFD0];
	v21 =	vadd.s32 v27, v4;
	v26 =	vsel vm4, $0x1, v1;
	vm5 =	vle.f32 v23, v8  }
0x2ff: {  	v28 =	vld [tilespmem:s0+$0xFFFFFFE0];
	v23 =	vadd.s32 v26, v21;
	v26 =	vsel vm5, $0x1, v1;
	vm6 =	vle.f32 v24, v8  }
0x300: {  	s4 =	sadd.s32 $0x8, s4;
	[tilespmem:v20+s20+$0x0] =	vst.idx.msk vm2, v9;
	v27 =	vld [tilespmem:s0+$0xFFFFFFF0];
	v20 =	vadd.s32 v26, v23;
	v31 =	vsel vm6, $0x1, v1;
	vm2 =	vle.f32 v22, v8  }
0x301: {  	p0 =	slt.u32 s4, $0xF8;
	v22 =	vld [tilespmem:s0+$0x0];
	v30 =	vadd.s32 v31, v20;
	v24 =	vsel vm2, $0x1, v1;
	vm7 =	vle.f32 v25, v8  }
0x302: {  	v25 =	vld [tilespmem:s0+$0x20];
	v26 =	vadd.s32 v5, v30;
	v24 =	vadd.s32 v24, v30;
	v29 =	vsel vm7, $0x1, v1;
	v9 =	vmovc v0  }
0x303: {  	v0 =	vadd.s32 v5, v20;
	v30 =	vld [tilespmem:s0+$0x30];
	v31 =	vadd.s32 v5, v24;
	v29 =	vadd.s32 v29, v24  }
0x304: {  	s1 =	sadd.s32 $0x80, s1;
	v4 =	vadd.s32 v5, v4;
	v32 =	vadd.s32 v5, v21;
	v33 =	vadd.s32 v5, v23;
	v24 =	vld [tilespmem:s0+$0x10];
	s0 =	smov.u32 s5  }
0x305: {  	vm3 =	vmmov vm1;
	v21 =	vadd.s32 v5, v19;
	v20 =	vadd.s32 v5, v29;
	v34 =	vld [tilespmem:s1+$0xFFFFFFC0]  }
0x306: {  	v19 =	vld [tilespmem:s1+$0xFFFFFFD0]  }
0x307: {  	v35 =	vld [tilespmem:s1+$0xFFFFFFE0];
	[tilespmem:v26+s20+$0x0] =	vst.idx.msk vm2, v25  }
.Ltmp27:
0x308: {  	v26 =	vld [tilespmem:s1+$0xFFFFFFF0];
	[tilespmem:v31+s20+$0x0] =	vst.idx.msk vm7, v30;
	(pc) =	sbr.rel @p0 .LBB2_43-.Ltmp27, $4  }
0x309: {  	v23 =	vld [tilespmem:s1+$0x0];
	[tilespmem:v0+s20+$0x0] =	vst.idx.msk vm6, v24  }
0x30a: {  	vm2 =	vle.f32 v34, v8;
	v24 =	vld [tilespmem:s1+$0x10];
	[tilespmem:v33+s20+$0x0] =	vst.idx.msk vm5, v22  }
0x30b: {  	v0 =	vsel vm2, $0x1, v1;
	vm1 =	vle.f32 v19, v8;
	v22 =	vld [tilespmem:s1+$0x20];
	[tilespmem:v32+s20+$0x0] =	vst.idx.msk vm4, v27  }
0x30c: {  	s5 =	sadd.s32 $0x80, s5;
	v19 =	vadd.s32 v0, v29;
	v27 =	vsel vm1, $0x1, v1;
	v25 =	vld [tilespmem:s1+$0x30];
	[tilespmem:v4+s20+$0x0] =	vst.idx.msk vm0, v28;
	vm0 =	vle.f32 v35, v8  }
0x30d: {  	v0 =	vmul.f32 v17, v17;
	_ =	sdelay $0x1  }
0x30e: {  	v4 =	vmul.f32 v15, v15;
	v0 =	vadd.f32 v0, v6;
	_ =	sdelay $0x1  }
0x30f: {  	v0 =	vadd.f32 v4, v0;
	v4 =	vmul.f32 v13, v13;
	_ =	sdelay $0x1  }
0x310: {  	v0 =	vadd.f32 v4, v0;
	_ =	sdelay $0x1  }
0x311: {  	(erf) = vrcp.f32 v0  }
0x312: {  	v4 =	vsub.f32 v12, v14;
	v0 =	vsub.f32 v10, v11;
	_ =	sdelay $0x1  }
0x313: {  	v6 =	vsub.f32 v16, v18;
	v4 =	vmul.f32 v4, v4;
	v0 =	vmul.f32 v0, v0;
	_ =	sdelay $0x1  }
0x314: {  	v0 =	vadd.f32 v4, v0;
	v4 =	vmul.f32 v6, v6;
	_ =	sdelay $0x2  }
0x315: {  	v0 =	vadd.f32 v4, v0  }
0x316: {  	v4 =	vpop (erf)  }
0x317: {  	v4 =	vmul.f32 v0, v4;
	_ =	sdelay $0x1  }
0x318: {  	v0 =	vshrl.u32 v4, $0x1  }
0x319: {  	v0 =	vadd.s32 $0x1FBD1DF5, v0  }
0x31a: {  	(erf) = vrcp.f32 v0;
	_ =	sdelay $0x3  }
0x31b: {  	vm4 =	vle.f32 v26, v8;
	v10 =	vadd.s32 v27, v19;
	v6 =	vsel vm0, $0x1, v1  }
0x31c: {  	vm5 =	vle.f32 v23, v8;
	v11 =	vadd.s32 v6, v10;
	v6 =	vsel vm4, $0x1, v1  }
0x31d: {  	vm6 =	vle.f32 v24, v8;
	v51 =	vadd.s32 v6, v11;
	v6 =	vsel vm5, $0x1, v1  }
0x31e: {  	vm7 =	vle.f32 v22, v8;
	v53 =	vadd.s32 v6, v51;
	v6 =	vsel vm6, $0x1, v1  }
0x31f: {  	v54 =	vsel vm7, $0x1, v1;
	vm8 =	vle.f32 v25, v8;
	v6 =	vadd.s32 v6, v53  }
0x320: {  	v8 =	vsel vm8, $0x1, v1;
	v55 =	vadd.s32 v54, v6;
	v52 =	vpop (erf)  }
0x321: {  	v8 =	vadd.s32 v8, v55;
	v13 =	vmul.f32 v52, v4  }
0x322: {  	v56 =	vxor.u32 $0x80000000, v8  }
0x323: {  	(xrf0) =	vmax.scan.msk.u32 $0xffff, v56;
	v0 =	vadd.f32 v0, v13;
	_ =	sdelay $0x1  }
0x324: {  	v0 =	vmul.f32 $5.000000000e-01, v0;
	_ =	sdelay $0x1  }
0x325: {  	(erf) = vrcp.f32 v0;
	_ =	sdelay $0x1  }
0x326: {  	v15, _, _ =	vpop (xrf0)  }
0x327: {  	(v2sf) =	vpush v15, $0xF;
	_ =	sdelay $0x5  }
0x328: {  	v57 =	vpop (erf)  }
0x329: {  	v15 =	vmul.f32 v57, v4;
	_ =	sdelay $0x1  }
0x32a: {  	v0 =	vadd.f32 v15, v0  }
0x32b: {  	v58 =	vld [tilespmem:s0+$0x20];
	vm1 =	vmmov vm1  }
0x32c: {  	v62 =	vld [tilespmem:s0+$0xFFFFFFD0];
	v63 =	vadd.s32 v5, v19;
	v59 =	vadd.s32 v5, v6;
	v6 =	vmul.f32 $5.000000000e-01, v0  }
0x32d: {  	v61 =	vld [tilespmem:s0+$0xFFFFFFE0];
	v10 =	vadd.s32 v5, v10  }
0x32e: {  	[tilespmem:v20+s20+$0x0] =	vst.idx.msk vm2, v9;
	v9 =	vld [tilespmem:s0+$0xFFFFFFF0];
	v11 =	vadd.s32 v5, v11;
	(erf) = vrcp.f32 v6  }
0x32f: {  	[tilespmem:v21+s20+$0x0] =	vst.idx.msk vm3, v7;
	v7 =	vld [tilespmem:s0+$0x0];
	v12 =	vadd.s32 v5, v51  }
0x330: {  	v60 =	vld [tilespmem:s0+$0x10];
	v14 =	vadd.s32 v5, v53;
	s31 =	spop (v2sf)  }
0x331: {  	[tilespmem:v63+s20+$0x0] =	vst.idx.msk vm1, v62;
	v0 =	vld [tilespmem:s0+$0x30];
	s0 =	sxor.u32 $0x80000000, s31  }
0x332: {  	[tilespmem:v10+s20+$0x0] =	vst.idx.msk vm0, v61;
	v13 =	vadd.s32 v5, v55;
	p0 =	slt.s32 s0, $0x1  }
.Ltmp28:
0x333: {  	[tilespmem:v11+s20+$0x0] =	vst.idx.msk vm4, v9;
	(pc) =	sbr.rel @p0 .LBB2_45-.Ltmp28, $4  }
0x334: {  	[tilespmem:v12+s20+$0x0] =	vst.idx.msk vm5, v7  }
0x335: {  	[tilespmem:v14+s20+$0x0] =	vst.idx.msk vm6, v60  }
0x336: {  	[tilespmem:v59+s20+$0x0] =	vst.idx.msk vm7, v58  }
0x337: {  	s1 =	simm.s32 $0x0;
	v9 =	vimm.f32 $+Inf;
	[tilespmem:v13+s20+$0x0] =	vst.idx.msk vm8, v0;
	v7 =	vpop (erf)  }
0x338: {  	v0 =	vadd.s32 s1, v5;
	_ =	sdelay $0x4  }
0x339: {  	v10 =	vld.idx.msk [tilespmem:v0+s20+$0x0], $0xffff;
	_ =	sdelay $0x2  }
0x33a: {  	p2 =	sne.s32 s0, $0x1  }
.Ltmp29:
0x33b: {  	_ = 	snop;
	(pc) =	sbr.rel @!p2 .LBB2_47-.Ltmp29, $2  }
0x33c: {  	_ =	sdelay $0x2  }
0x33d: {  	s4 =	simm.s32 $0x1;
	p0 =	por $0x0, $0x0;
	p1 =	por $0x0, $0x0;
	v12 =	vld.idx.msk [tilespmem:v10+s24+$0x0], $0xffff  }
0x33e: {  	v0 =	vadd.s32 s4, v5;
	_ =	sdelay $0x1  }
0x33f: {  	v11 =	vmov s1  }
0x340: {  	vm0 =	vlt.s32 v11, v8  }
0x341: {  	v11 =	vnsel vm0, $0x7F800000, v12  }
0x342: {  	(xrf1) =	vsort.ascd.msk.f32 $0xffff, v11, v10;
	v10 =	vld.idx.msk [tilespmem:v0+s20+$0x0], $0xffff;
	_ =	sdelay $0x2  }
0x343: {  	p2 =	sne.s32 s0, $0x2  }
.Ltmp30:
0x344: {  	_ = 	snop;
	(pc) =	sbr.rel @!p2 .LBB2_49-.Ltmp30, $2  }
0x345: {  	_ =	sdelay $0x2  }
0x346: {  	s1 =	simm.s32 $0x2;
	p0 =	por $0x1, $0x1;
	v11 =	vmul.u32 $0xFFFFFFFF, v40;
	v12 =	vld.idx.msk [tilespmem:v10+s24+$0x0], $0xffff  }
0x347: {  	v0 =	vadd.s32 s1, v5;
	_ =	sdelay $0x1  }
0x348: {  	v13 =	vmov s4  }
0x349: {  	vm0 =	vlt.s32 v13, v8  }
0x34a: {  	v12 =	vnsel vm0, $0x7F800000, v12  }
0x34b: {  	v13, v14, _ =	vpop (xrf1);
	(xrf1) =	vsort.ascd.msk.f32 $0xffff, v12, v10;
	v10 =	vld.idx.msk [tilespmem:v0+s20+$0x0], $0xffff;
	v0 =	vadd.s32 $0xF, v11  }
0x34c: {  	v12 =	vperm.xlane v13, v0  }
0x34d: {  	v0 =	vperm.xlane v14, v0  }
0x34e: {  	vm15 =	vle.f32 v9, v12  }
0x34f: {  	v12 =	vsel vm15, v9, v12;
	v0 =	vsel vm15, v2, v0  }
0x350: {  	(xrf1) =	vsort.ascd.msk.f32 $0xffff, v12, v0;
	_ =	sdelay $0x4  }
0x351: {  	p2 =	sne.s32 s0, $0x3  }
.Ltmp31:
0x352: {  	_ = 	snop;
	(pc) =	sbr.rel @!p2 .LBB2_51-.Ltmp31, $3  }
0x353: {  	_ =	sdelay $0x1  }
0x354: {  	v12 =	vld.idx.msk [tilespmem:v10+s24+$0x0], $0xffff  }
0x355: {  	s4 =	simm.s32 $0x3;
	p1 =	por $0x1, $0x1  }
.LBB2_52:
0x356: {  	_ = 	snop  }
0x357: {  	v0 =	vadd.s32 s4, v5;
	v13 =	vmov s1;
	v14 =	vadd.s32 $0xF, v11;
	s1 =	smov.u32 s4;
	s4 =	sadd.s32 $0x1, s4;
	v15, v16, _ =	vpop (xrf1)  }
0x358: {  	p2 =	sne.s32 s0, s4;
	vm0 =	vlt.s32 v13, v8;
	v13 =	vperm.xlane v15, v14  }
0x359: {  	v12 =	vnsel vm0, $0x7F800000, v12;
	v14 =	vperm.xlane v16, v14;
	v15, v16, _ =	vpop (xrf1)  }
0x35a: {  	(xrf1) =	vsort.ascd.msk.f32 $0xffff, v12, v10;
	vm0 =	vle.f32 v15, v13  }
0x35b: {  	v12 =	vsel vm0, v15, v13;
	v13 =	vsel vm0, v16, v14  }
0x35c: {  	v10 =	vld.idx.msk [tilespmem:v0+s20+$0x0], $0xffff;
	(xrf1) =	vsort.ascd.msk.f32 $0xffff, v12, v13;
	_ =	sdelay $0x5  }
.Ltmp32:
0x35d: {  	(pc) =	sbr.rel @p2 .LBB2_52-.Ltmp32, $2  }
0x35e: {  	_ = 	snop  }
0x35f: {  	v12 =	vld.idx.msk [tilespmem:v10+s24+$0x0], $0xffff;
	_ =	sdelay $0x2  }
.LBB2_53:
0x360: {  	_ =	sdelay $0x1  }
0x361: {  	v0 =	vadd.s32 @p0 $0xF, v11;
	v5, v11, _ =	vpop @p0 (xrf1)  }
0x362: {  	v13 =	vmov s1;
	v5 =	vperm.xlane @p0 v5, v0;
	v14, v15, _ =	vpop @p1 (xrf1)  }
0x363: {  	vm0 =	vlt.s32 v13, v8;
	v0 =	vperm.xlane @p0 v11, v0;
	v8 =	vpsel p1, v14, v9  }
0x364: {  	v11 =	vnsel vm0, $0x7F800000, v12;
	v12 =	vpsel p1, v15, v2;
	vm0 =	vle.f32 @p0 v8, v5  }
0x365: {  	(xrf1) =	vsort.ascd.msk.f32 $0xffff, v11, v10;
	v5 =	vsel @p0 vm0, v8, v5;
	v0 =	vsel @p0 vm0, v12, v0  }
0x366: {  	(xrf1) =	vsort.ascd.msk.f32 @p0 $0xffff, v5, v0;
	_ =	sdelay $0xa  }
0x367: {  	v0 =	vmul.u32 $0xFFFFFFFF, v40;
	_ =	sdelay $0x1  }
0x368: {  	v0 =	vadd.s32 $0xF, v0;
	v5, v8, _ =	vpop (xrf1)  }
0x369: {  	v5 =	vperm.xlane v5, v0;
	v10, v11, _ =	vpop @p0 (xrf1)  }
0x36a: {  	v0 =	vperm.xlane v8, v0;
	v8 =	vpsel p0, v10, v9  }
0x36b: {  	v9 =	vpsel p0, v11, v2;
	vm15 =	vle.f32 v8, v5  }
0x36c: {  	v5 =	vsel vm15, v8, v5;
	v0 =	vsel vm15, v9, v0  }
0x36d: {  	(xrf1) =	vsort.ascd.msk.f32 $0xffff, v5, v0;
	_ =	sdelay $0x9  }
.Ltmp33:
0x36e: {  	_ = 	snop;
	(pc) =	sbr.rel .LBB2_54-.Ltmp33, $2  }
0x36f: {  	_ =	sdelay $0x2  }
0x370: {  	v9, v5, _ =	vpop (xrf1)  }
.LBB2_11:
.Ltmp34:
0x371: {  	(pc) =	sbr.rel .LBB2_17-.Ltmp34, $2  }
0x372: {  	_ =	sdelay $0x2  }
0x373: {  	_ = 	snop  }
.LBB2_23:
.Ltmp35:
0x374: {  	(pc) =	sbr.rel .LBB2_29-.Ltmp35, $2  }
0x375: {  	_ =	sdelay $0x2  }
0x376: {  	_ = 	snop  }
.LBB2_35:
.Ltmp36:
0x377: {  	(pc) =	sbr.rel .LBB2_41-.Ltmp36, $2  }
0x378: {  	_ =	sdelay $0x2  }
0x379: {  	_ = 	snop  }
.LBB2_47:
.Ltmp37:
0x37a: {  	(pc) =	sbr.rel .LBB2_53-.Ltmp37, $2  }
0x37b: {  	_ =	sdelay $0x2  }
0x37c: {  	_ = 	snop  }
.LBB2_13:
.Ltmp38:
0x37d: {  	(pc) =	sbr.rel .LBB2_17-.Ltmp38, $2  }
0x37e: {  	_ =	sdelay $0x2  }
0x37f: {  	s1 =	simm.s32 $0x1  }
.LBB2_25:
.Ltmp39:
0x380: {  	(pc) =	sbr.rel .LBB2_29-.Ltmp39, $2  }
0x381: {  	_ =	sdelay $0x2  }
0x382: {  	s1 =	simm.s32 $0x1  }
.LBB2_37:
.Ltmp40:
0x383: {  	(pc) =	sbr.rel .LBB2_41-.Ltmp40, $2  }
0x384: {  	_ =	sdelay $0x2  }
0x385: {  	s1 =	simm.s32 $0x1  }
.LBB2_49:
.Ltmp41:
0x386: {  	(pc) =	sbr.rel .LBB2_53-.Ltmp41, $2  }
0x387: {  	_ =	sdelay $0x2  }
0x388: {  	s1 =	simm.s32 $0x1  }
.LBB2_15:
.Ltmp42:
0x389: {  	(pc) =	sbr.rel .LBB2_17-.Ltmp42, $2  }
0x38a: {  	_ =	sdelay $0x2  }
0x38b: {  	s1 =	simm.s32 $0x2  }
.LBB2_27:
.Ltmp43:
0x38c: {  	(pc) =	sbr.rel .LBB2_29-.Ltmp43, $2  }
0x38d: {  	_ =	sdelay $0x2  }
0x38e: {  	s1 =	simm.s32 $0x2  }
.LBB2_39:
.Ltmp44:
0x38f: {  	(pc) =	sbr.rel .LBB2_41-.Ltmp44, $2  }
0x390: {  	_ =	sdelay $0x2  }
0x391: {  	s1 =	simm.s32 $0x2  }
.LBB2_51:
.Ltmp45:
0x392: {  	(pc) =	sbr.rel .LBB2_53-.Ltmp45, $2  }
0x393: {  	_ =	sdelay $0x2  }
0x394: {  	s1 =	simm.s32 $0x2  }
.LBB2_56:
0x395: {  	_ =	sfence.sel $0x180000  }
0x396: {  	[bflag:$0x0] =	sbarrier.arrive $0xFFFF  }
0x397: {  	_ =	strace $0x90000047  }
0x398: {  	s0 =	stileid.u32;
	[bflag:$0x2] =	sbarrier.arrive $0xFFFF  }
0x399: {  	p0 =	sne.s32 s0, $0x0;
	s0 =	rddreg [dreg:$0x1]  }
0x39a: {  	s0 =	sadd.s32 @!p0 $0x100000, s0  }
0x39b: {  	[sflag:s0] =	ssyncadd.tile.s32 @!p0 $0x1;
	_ =	shalt  }
.Lfunc_end2:
_tile_overlayer_lowered:
.L_overlay_start_2:
0x39c: {  	(tag) =	ssettag $0x2  }
0x39d: {  	s0 =	rddreg [dreg:$0x0];
	s2 =	stileid.u32  }
0x39e: {  	s1 =	rddreg [dreg:$0x1];
	p0 =	sne.s32 s2, $0x0  }
0x39f: {  	s3 =	rddreg [dreg:$0x2];
	[bflag:$0x3] =	sbarrier.arrive $0xFFFF;
	s2 =	simm.s32 @!p0 $0x1C01  }
0x3a0: {  	[timem:s3], [sflag:s2] =	dma.local @!p0 [hbm:s0], s1  }
0x3a1: {  	s0 =	simm.s32 @!p0 $0x1  }
0x3a2: {  	_ =	swait.ge @!p0 [sflag:s0], s1  }
0x3a3: {  	s1 =	ssub.s32 @!p0 $0x0, s1;
	[sflag:s0] =	ssyncset.done @!p0 $0x0  }
0x3a4: {  	[sflag:s0] =	ssyncadd.s32 @!p0 s1  }
0x3a5: {  	[bflag:$0x3] =	sbarrier.arrive $0xFFFF  }
0x3a6: {  	_ =	shalt  }

</sc_bundles>
